<compile_context>
chip_gen: v7x
topology: tpu7x:2x2x1
jax: 0.10.2.dev20260603
libtpu: 0.0.44.dev20260713+nightly
codegen_flags: <defaults>
</compile_context>

<pallas_src>
import functools

import jax
import jax.numpy as jnp
from jax import lax
from jax.experimental import pallas as pl
from jax.experimental.pallas import tpu as pltpu
from jax.experimental.pallas import tpu_sc as plsc

B = 16384
K = 68
E = 67
NC = 2
NS = 16
NW = NC * NS
BT = 128
NBT = B // BT
S = BT // 16
NSC = 96
TPW = NSC // NW
NB_TC = 16
GRID = (NBT - NSC) // NB_TC
WEIGHT = 0.05


def _sc_body(cv, mv, out_hbm, cbuf0, cbuf1, mbuf0, mbuf1, accbuf, sem0, sem1):
    wid = lax.axis_index("s") * NC + lax.axis_index("c")
    bt0 = wid * TPW
    cbufs = (cbuf0, cbuf1)
    mbufs = (mbuf0, mbuf1)
    sems = (sem0, sem1)

    def ccopy(t, slot):
        return pltpu.make_async_copy(
            cv.at[:, pl.ds(bt0 + t, 1)], cbufs[slot], sems[slot]
        )

    def mcopy(t, slot):
        return pltpu.make_async_copy(
            mv.at[:, pl.ds((bt0 + t) * BT, BT)], mbufs[slot], sems[slot]
        )

    ccopy(0, 0).start()
    mcopy(0, 0).start()

    zero = jnp.zeros((16,), jnp.float32)
    accs = [zero] * S
    for t in range(TPW):
        slot = t % 2
        if t + 1 < TPW:
            ccopy(t + 1, 1 - slot).start()
            mcopy(t + 1, 1 - slot).start()
        ccopy(t, slot).wait()
        mcopy(t, slot).wait()
        cb = cbufs[slot]
        mb = mbufs[slot]

        xs = [cb[0, 0, 0, pl.ds(16 * s, 16)] for s in range(S)]
        ys = [cb[0, 0, 1, pl.ds(16 * s, 16)] for s in range(S)]
        nums = [zero] * S
        wss = [zero] * S

        def estep(e, carry, cb=cb, mb=mb):
            xs, ys, nums, wss = map(list, carry)
            for s in range(S):
                xn = cb[e + 1, 0, 0, pl.ds(16 * s, 16)]
                yn = cb[e + 1, 0, 1, pl.ds(16 * s, 16)]
                w = mb[e, pl.ds(16 * s, 16)]
                d = jnp.abs(xs[s] - xn) + jnp.abs(ys[s] - yn)
                nums[s] = nums[s] + d * w
                wss[s] = wss[s] + w
                xs[s] = xn
                ys[s] = yn
            return tuple(xs), tuple(ys), tuple(nums), tuple(wss)

        carry = (tuple(xs), tuple(ys), tuple(nums), tuple(wss))
        _, _, nums, wss = lax.fori_loop(0, E, estep, carry)
        for s in range(S):
            accs[s] = accs[s] + nums[s] / jnp.maximum(wss[s], 1.0)

    total = accs[0]
    for s in range(1, S):
        total = total + accs[s]
    accbuf[...] = total
    pltpu.sync_copy(accbuf, out_hbm.at[wid])


def _tc_body(cref, mref, oref):
    i = pl.program_id(0)

    @pl.when(i == 0)
    def _init():
        oref[...] = jnp.zeros_like(oref)

    acc = jnp.zeros((1, BT), jnp.float32)
    for j in range(NB_TC):
        x = cref[:, j, 0, :]
        y = cref[:, j, 1, :]
        d = jnp.abs(x[:-1, :] - x[1:, :]) + jnp.abs(y[:-1, :] - y[1:, :])
        w = mref[:, j * BT:(j + 1) * BT]
        num = jnp.sum(d * w, axis=0, keepdims=True)
        ws = jnp.sum(w, axis=0, keepdims=True)
        acc = acc + num / jnp.maximum(ws, 1.0)
    oref[...] += acc


def kernel(coords, mask_edges):
    cv = coords.reshape(NBT, BT, K, 2).transpose(2, 0, 3, 1)
    mv = mask_edges.transpose(1, 0)

    mesh = plsc.VectorSubcoreMesh(core_axis_name="c", subcore_axis_name="s")
    sc_k = functools.partial(
        pl.kernel,
        mesh=mesh,
        compiler_params=pltpu.CompilerParams(needs_layout_passes=False),
        out_type=jax.ShapeDtypeStruct((NW, 16), jnp.float32),
        scratch_types=[
            pltpu.VMEM((K, 1, 2, BT), jnp.float32),
            pltpu.VMEM((K, 1, 2, BT), jnp.float32),
            pltpu.VMEM((E, BT), jnp.float32),
            pltpu.VMEM((E, BT), jnp.float32),
            pltpu.VMEM((16,), jnp.float32),
            pltpu.SemaphoreType.DMA,
            pltpu.SemaphoreType.DMA,
        ],
    )(_sc_body)
    sc_partials = sc_k(cv, mv)

    tc_partial = pl.pallas_call(
        _tc_body,
        grid=(GRID,),
        in_specs=[
            pl.BlockSpec((K, NB_TC, 2, BT), lambda i: (0, NSC // NB_TC + i, 0, 0)),
            pl.BlockSpec((E, NB_TC * BT), lambda i: (0, NSC // NB_TC + i)),
        ],
        out_specs=pl.BlockSpec((1, BT), lambda i: (0, 0)),
        out_shape=jax.ShapeDtypeStruct((1, BT), jnp.float32),
    )(cv, mv)

    return (WEIGHT / B) * (jnp.sum(sc_partials) + jnp.sum(tc_partial))

# --- scband reference (transcript-rebuilt; emitter-appended) ---
"""Pipeline reference for scband-laplacian-topo-loss-20418274525536 (READ-ONLY COPY).

The authoritative reference and input builder live on the scoring server;
editing this copy changes nothing except your own understanding.
"""

import jax, jax.numpy as jnp
import numpy as np

# edges = chain [[0,1],[1,2],...,[66,67]] matching init_kwargs
EDGES = np.stack([np.arange(67), np.arange(1, 68)], axis=1)
WEIGHT = 0.05


def setup_inputs(seed: int = 0) -> dict:
    key = jax.random.key(seed)
    k1, k2 = jax.random.split(key)
    coords = jax.random.uniform(k1, (16384, 68, 2), dtype=jnp.float32)
    mask_edges = jax.random.uniform(k2, (16384, 67), dtype=jnp.float32)
    return {"coords": coords, "mask_edges": mask_edges}


def reference(coords, mask_edges):
    u = jnp.asarray(EDGES[:, 0])
    v = jnp.asarray(EDGES[:, 1])
    # D[b, e] = |coords[b, u_e] - coords[b, v_e]|_1  (gather along keypoint axis)
    cu = jnp.take(coords, u, axis=1)  # (B, E, 2)
    cv = jnp.take(coords, v, axis=1)  # (B, E, 2)
    D = jnp.abs(cu - cv).sum(axis=-1)  # (B, E)
    w = mask_edges.astype(jnp.float32)
    wsum = jnp.clip(w.sum(axis=-1), 1.0, None)
    loss = (D * w).sum(axis=-1) / wsum
    return WEIGHT * loss.mean()

if __name__ == "__main__":
    import jax
    _d = setup_inputs()
    print(jax.jit(kernel)(*tuple(_d.values())))

</pallas_src>

<mosaic_0001>
#map = affine_map<(d0, d1) -> (0, 0, 0, 0)>
#map1 = affine_map<(d0, d1) -> (0, 0)>
module attributes {stable_mosaic.version = 14 : i64} {
  func.func @_sc_body(%arg0: i32, %arg1: i32, %arg2: memref<68x128x2x128xf32, #tpu.memory_space<hbm>>, %arg3: memref<67x16384xf32, #tpu.memory_space<hbm>>, %arg4: memref<32x16xf32, #tpu.memory_space<hbm>>, %arg5: memref<68x1x2x128xf32, #tpu.memory_space<vmem>>, %arg6: memref<68x1x2x128xf32, #tpu.memory_space<vmem>>, %arg7: memref<67x128xf32, #tpu.memory_space<vmem>>, %arg8: memref<67x128xf32, #tpu.memory_space<vmem>>, %arg9: memref<16xf32, #tpu.memory_space<vmem>>, %arg10: memref<!tpu.dma_semaphore, #tpu.memory_space<semaphore_mem>>, %arg11: memref<!tpu.dma_semaphore, #tpu.memory_space<semaphore_mem>>) attributes {dimension_semantics = [#tpu.dimension_semantics<core_parallel>, #tpu.dimension_semantics<subcore_parallel>], iteration_bounds = array<i64: 2, 16>, scalar_prefetch = 0 : i64, scratch_operands = 7 : i64, tpu.core_type = #tpu.core_type<sc_vector_subcore>, window_params = [{transform_indices = #map}, {transform_indices = #map1}, {transform_indices = #map1}]} {
    %mul3A = arith.constant 2 : i32
    %mul3A_0 = arith.muli %arg1, %mul3A : i32
    %add3A = arith.addi %mul3A_0, %arg0 : i32
    %mul3A_1 = arith.constant 3 : i32
    %mul3A_2 = arith.muli %add3A, %mul3A_1 : i32
    %add3A_3 = arith.constant 0 : i32
    %add3A_4 = arith.addi %mul3A_2, %add3A_3 : i32
    %dma_start3A = arith.constant 0 : i32
    %dma_start3A_5 = arith.constant 0 : i32
    %dma_start3A_6 = arith.constant 0 : i32
    %dma_start3A_7 = tpu.memref_slice %arg2[%dma_start3A, %add3A_4, %dma_start3A_5, %dma_start3A_6] : memref<68x128x2x128xf32, #tpu.memory_space<hbm>> -> memref<68x1x2x128xf32, #tpu.memory_space<hbm>>
    %dma_start3A_8 = arith.constant 0 : i32
    %dma_start3A_9 = arith.constant 0 : i32
    %dma_start3A_10 = arith.constant 0 : i32
    %dma_start3A_11 = tpu.memref_slice %arg2[%dma_start3A_8, %add3A_4, %dma_start3A_9, %dma_start3A_10] : memref<68x128x2x128xf32, #tpu.memory_space<hbm>> -> memref<68x1x2x128xf32, #tpu.memory_space<hbm>>
    tpu.enqueue_dma source(%dma_start3A_11 : memref<68x1x2x128xf32, #tpu.memory_space<hbm>>) target(%arg5 : memref<68x1x2x128xf32, #tpu.memory_space<vmem>>) target_semaphore(%arg10 : memref<!tpu.dma_semaphore, #tpu.memory_space<semaphore_mem>>)
    %add3A_12 = arith.constant 0 : i32
    %add3A_13 = arith.addi %mul3A_2, %add3A_12 : i32
    %mul3A_14 = arith.constant 128 : i32
    %mul3A_15 = arith.muli %add3A_13, %mul3A_14 : i32
    %dma_start3A_16 = arith.constant 0 : i32
    %dma_start3A_17 = tpu.memref_slice %arg3[%dma_start3A_16, %mul3A_15] : memref<67x16384xf32, #tpu.memory_space<hbm>> -> memref<67x128xf32, #tpu.memory_space<hbm>>
    %dma_start3A_18 = arith.constant 0 : i32
    %dma_start3A_19 = tpu.memref_slice %arg3[%dma_start3A_18, %mul3A_15] : memref<67x16384xf32, #tpu.memory_space<hbm>> -> memref<67x128xf32, #tpu.memory_space<hbm>>
    tpu.enqueue_dma source(%dma_start3A_19 : memref<67x128xf32, #tpu.memory_space<hbm>>) target(%arg7 : memref<67x128xf32, #tpu.memory_space<vmem>>) target_semaphore(%arg10 : memref<!tpu.dma_semaphore, #tpu.memory_space<semaphore_mem>>)
    %broadcast_in_dim3A = arith.constant 0.000000e+00 : f32
    %broadcast_in_dim3A_20 = vector.broadcast %broadcast_in_dim3A : f32 to vector<16xf32>
    %add3A_21 = arith.constant 1 : i32
    %add3A_22 = arith.addi %mul3A_2, %add3A_21 : i32
    %dma_start3A_23 = arith.constant 0 : i32
    %dma_start3A_24 = arith.constant 0 : i32
    %dma_start3A_25 = arith.constant 0 : i32
    %dma_start3A_26 = tpu.memref_slice %arg2[%dma_start3A_23, %add3A_22, %dma_start3A_24, %dma_start3A_25] : memref<68x128x2x128xf32, #tpu.memory_space<hbm>> -> memref<68x1x2x128xf32, #tpu.memory_space<hbm>>
    %dma_start3A_27 = arith.constant 0 : i32
    %dma_start3A_28 = arith.constant 0 : i32
    %dma_start3A_29 = arith.constant 0 : i32
    %dma_start3A_30 = tpu.memref_slice %arg2[%dma_start3A_27, %add3A_22, %dma_start3A_28, %dma_start3A_29] : memref<68x128x2x128xf32, #tpu.memory_space<hbm>> -> memref<68x1x2x128xf32, #tpu.memory_space<hbm>>
    tpu.enqueue_dma source(%dma_start3A_30 : memref<68x1x2x128xf32, #tpu.memory_space<hbm>>) target(%arg6 : memref<68x1x2x128xf32, #tpu.memory_space<vmem>>) target_semaphore(%arg11 : memref<!tpu.dma_semaphore, #tpu.memory_space<semaphore_mem>>)
    %add3A_31 = arith.constant 1 : i32
    %add3A_32 = arith.addi %mul3A_2, %add3A_31 : i32
    %mul3A_33 = arith.constant 128 : i32
    %mul3A_34 = arith.muli %add3A_32, %mul3A_33 : i32
    %dma_start3A_35 = arith.constant 0 : i32
    %dma_start3A_36 = tpu.memref_slice %arg3[%dma_start3A_35, %mul3A_34] : memref<67x16384xf32, #tpu.memory_space<hbm>> -> memref<67x128xf32, #tpu.memory_space<hbm>>
    %dma_start3A_37 = arith.constant 0 : i32
    %dma_start3A_38 = tpu.memref_slice %arg3[%dma_start3A_37, %mul3A_34] : memref<67x16384xf32, #tpu.memory_space<hbm>> -> memref<67x128xf32, #tpu.memory_space<hbm>>
    tpu.enqueue_dma source(%dma_start3A_38 : memref<67x128xf32, #tpu.memory_space<hbm>>) target(%arg8 : memref<67x128xf32, #tpu.memory_space<vmem>>) target_semaphore(%arg11 : memref<!tpu.dma_semaphore, #tpu.memory_space<semaphore_mem>>)
    %add3A_39 = arith.constant 0 : i32
    %add3A_40 = arith.addi %mul3A_2, %add3A_39 : i32
    %dma_wait3A = arith.constant 0 : i32
    %dma_wait3A_41 = arith.constant 0 : i32
    %dma_wait3A_42 = arith.constant 0 : i32
    %dma_wait3A_43 = tpu.memref_slice %arg2[%dma_wait3A, %add3A_40, %dma_wait3A_41, %dma_wait3A_42] : memref<68x128x2x128xf32, #tpu.memory_space<hbm>> -> memref<68x1x2x128xf32, #tpu.memory_space<hbm>>
    %dma_wait3A_44 = arith.constant 0 : i32
    %dma_wait3A_45 = arith.constant 0 : i32
    %dma_wait3A_46 = arith.constant 0 : i32
    %dma_wait3A_47 = tpu.memref_slice %arg2[%dma_wait3A_44, %add3A_40, %dma_wait3A_45, %dma_wait3A_46] : memref<68x128x2x128xf32, #tpu.memory_space<hbm>> -> memref<68x1x2x128xf32, #tpu.memory_space<hbm>>
    tpu.wait_dma2 semaphore(%arg10 : memref<!tpu.dma_semaphore, #tpu.memory_space<semaphore_mem>>) src(%dma_wait3A_47 : memref<68x1x2x128xf32, #tpu.memory_space<hbm>>) dst(%arg5 : memref<68x1x2x128xf32, #tpu.memory_space<vmem>>)
    %add3A_48 = arith.constant 0 : i32
    %add3A_49 = arith.addi %mul3A_2, %add3A_48 : i32
    %mul3A_50 = arith.constant 128 : i32
    %mul3A_51 = arith.muli %add3A_49, %mul3A_50 : i32
    %dma_wait3A_52 = arith.constant 0 : i32
    %dma_wait3A_53 = tpu.memref_slice %arg3[%dma_wait3A_52, %mul3A_51] : memref<67x16384xf32, #tpu.memory_space<hbm>> -> memref<67x128xf32, #tpu.memory_space<hbm>>
    %dma_wait3A_54 = arith.constant 0 : i32
    %dma_wait3A_55 = tpu.memref_slice %arg3[%dma_wait3A_54, %mul3A_51] : memref<67x16384xf32, #tpu.memory_space<hbm>> -> memref<67x128xf32, #tpu.memory_space<hbm>>
    tpu.wait_dma2 semaphore(%arg10 : memref<!tpu.dma_semaphore, #tpu.memory_space<semaphore_mem>>) src(%dma_wait3A_55 : memref<67x128xf32, #tpu.memory_space<hbm>>) dst(%arg7 : memref<67x128xf32, #tpu.memory_space<vmem>>)
    %get3A = arith.constant 0 : i32
    %get3A_56 = arith.constant 0 : i32
    %get3A_57 = arith.constant 0 : i32
    %get3A_58 = arith.index_cast %get3A : i32 to index
    %get3A_59 = arith.index_cast %get3A_56 : i32 to index
    %get3A_60 = arith.index_cast %get3A_57 : i32 to index
    %get3A_61 = arith.constant 0 : index
    %get3A_62 = tpu.vector_load %arg5[%get3A_58, %get3A_59, %get3A_60, %get3A_61] {strides = array<i32>} : memref<68x1x2x128xf32, #tpu.memory_space<vmem>>, vector<16xf32>,
    %get3A_63 = arith.constant 0 : i32
    %get3A_64 = arith.constant 0 : i32
    %get3A_65 = arith.constant 0 : i32
    %get3A_66 = arith.index_cast %get3A_63 : i32 to index
    %get3A_67 = arith.index_cast %get3A_64 : i32 to index
    %get3A_68 = arith.index_cast %get3A_65 : i32 to index
    %get3A_69 = arith.constant 16 : index
    %get3A_70 = tpu.vector_load %arg5[%get3A_66, %get3A_67, %get3A_68, %get3A_69] {strides = array<i32>} : memref<68x1x2x128xf32, #tpu.memory_space<vmem>>, vector<16xf32>,
    %get3A_71 = arith.constant 0 : i32
    %get3A_72 = arith.constant 0 : i32
    %get3A_73 = arith.constant 0 : i32
    %get3A_74 = arith.index_cast %get3A_71 : i32 to index
    %get3A_75 = arith.index_cast %get3A_72 : i32 to index
    %get3A_76 = arith.index_cast %get3A_73 : i32 to index
    %get3A_77 = arith.constant 32 : index
    %get3A_78 = tpu.vector_load %arg5[%get3A_74, %get3A_75, %get3A_76, %get3A_77] {strides = array<i32>} : memref<68x1x2x128xf32, #tpu.memory_space<vmem>>, vector<16xf32>,
    %get3A_79 = arith.constant 0 : i32
    %get3A_80 = arith.constant 0 : i32
    %get3A_81 = arith.constant 0 : i32
    %get3A_82 = arith.index_cast %get3A_79 : i32 to index
    %get3A_83 = arith.index_cast %get3A_80 : i32 to index
    %get3A_84 = arith.index_cast %get3A_81 : i32 to index
    %get3A_85 = arith.constant 48 : index
    %get3A_86 = tpu.vector_load %arg5[%get3A_82, %get3A_83, %get3A_84, %get3A_85] {strides = array<i32>} : memref<68x1x2x128xf32, #tpu.memory_space<vmem>>, vector<16xf32>,
    %get3A_87 = arith.constant 0 : i32
    %get3A_88 = arith.constant 0 : i32
    %get3A_89 = arith.constant 0 : i32
    %get3A_90 = arith.index_cast %get3A_87 : i32 to index
    %get3A_91 = arith.index_cast %get3A_88 : i32 to index
    %get3A_92 = arith.index_cast %get3A_89 : i32 to index
    %get3A_93 = arith.constant 64 : index
    %get3A_94 = tpu.vector_load %arg5[%get3A_90, %get3A_91, %get3A_92, %get3A_93] {strides = array<i32>} : memref<68x1x2x128xf32, #tpu.memory_space<vmem>>, vector<16xf32>,
    %get3A_95 = arith.constant 0 : i32
    %get3A_96 = arith.constant 0 : i32
    %get3A_97 = arith.constant 0 : i32
    %get3A_98 = arith.index_cast %get3A_95 : i32 to index
    %get3A_99 = arith.index_cast %get3A_96 : i32 to index
    %get3A_100 = arith.index_cast %get3A_97 : i32 to index
    %get3A_101 = arith.constant 80 : index
    %get3A_102 = tpu.vector_load %arg5[%get3A_98, %get3A_99, %get3A_100, %get3A_101] {strides = array<i32>} : memref<68x1x2x128xf32, #tpu.memory_space<vmem>>, vector<16xf32>,
    %get3A_103 = arith.constant 0 : i32
    %get3A_104 = arith.constant 0 : i32
    %get3A_105 = arith.constant 0 : i32
    %get3A_106 = arith.index_cast %get3A_103 : i32 to index
    %get3A_107 = arith.index_cast %get3A_104 : i32 to index
    %get3A_108 = arith.index_cast %get3A_105 : i32 to index
    %get3A_109 = arith.constant 96 : index
    %get3A_110 = tpu.vector_load %arg5[%get3A_106, %get3A_107, %get3A_108, %get3A_109] {strides = array<i32>} : memref<68x1x2x128xf32, #tpu.memory_space<vmem>>, vector<16xf32>,
    %get3A_111 = arith.constant 0 : i32
    %get3A_112 = arith.constant 0 : i32
    %get3A_113 = arith.constant 0 : i32
    %get3A_114 = arith.index_cast %get3A_111 : i32 to index
    %get3A_115 = arith.index_cast %get3A_112 : i32 to index
    %get3A_116 = arith.index_cast %get3A_113 : i32 to index
    %get3A_117 = arith.constant 112 : index
    %get3A_118 = tpu.vector_load %arg5[%get3A_114, %get3A_115, %get3A_116, %get3A_117] {strides = array<i32>} : memref<68x1x2x128xf32, #tpu.memory_space<vmem>>, vector<16xf32>,
    %get3A_119 = arith.constant 0 : i32
    %get3A_120 = arith.constant 0 : i32
    %get3A_121 = arith.constant 1 : i32
    %get3A_122 = arith.index_cast %get3A_119 : i32 to index
    %get3A_123 = arith.index_cast %get3A_120 : i32 to index
    %get3A_124 = arith.index_cast %get3A_121 : i32 to index
    %get3A_125 = arith.constant 0 : index
    %get3A_126 = tpu.vector_load %arg5[%get3A_122, %get3A_123, %get3A_124, %get3A_125] {strides = array<i32>} : memref<68x1x2x128xf32, #tpu.memory_space<vmem>>, vector<16xf32>,
    %get3A_127 = arith.constant 0 : i32
    %get3A_128 = arith.constant 0 : i32
    %get3A_129 = arith.constant 1 : i32
    %get3A_130 = arith.index_cast %get3A_127 : i32 to index
    %get3A_131 = arith.index_cast %get3A_128 : i32 to index
    %get3A_132 = arith.index_cast %get3A_129 : i32 to index
    %get3A_133 = arith.constant 16 : index
    %get3A_134 = tpu.vector_load %arg5[%get3A_130, %get3A_131, %get3A_132, %get3A_133] {strides = array<i32>} : memref<68x1x2x128xf32, #tpu.memory_space<vmem>>, vector<16xf32>,
    %get3A_135 = arith.constant 0 : i32
    %get3A_136 = arith.constant 0 : i32
    %get3A_137 = arith.constant 1 : i32
    %get3A_138 = arith.index_cast %get3A_135 : i32 to index
    %get3A_139 = arith.index_cast %get3A_136 : i32 to index
    %get3A_140 = arith.index_cast %get3A_137 : i32 to index
    %get3A_141 = arith.constant 32 : index
    %get3A_142 = tpu.vector_load %arg5[%get3A_138, %get3A_139, %get3A_140, %get3A_141] {strides = array<i32>} : memref<68x1x2x128xf32, #tpu.memory_space<vmem>>, vector<16xf32>,
    %get3A_143 = arith.constant 0 : i32
    %get3A_144 = arith.constant 0 : i32
    %get3A_145 = arith.constant 1 : i32
    %get3A_146 = arith.index_cast %get3A_143 : i32 to index
    %get3A_147 = arith.index_cast %get3A_144 : i32 to index
    %get3A_148 = arith.index_cast %get3A_145 : i32 to index
    %get3A_149 = arith.constant 48 : index
    %get3A_150 = tpu.vector_load %arg5[%get3A_146, %get3A_147, %get3A_148, %get3A_149] {strides = array<i32>} : memref<68x1x2x128xf32, #tpu.memory_space<vmem>>, vector<16xf32>,
    %get3A_151 = arith.constant 0 : i32
    %get3A_152 = arith.constant 0 : i32
    %get3A_153 = arith.constant 1 : i32
    %get3A_154 = arith.index_cast %get3A_151 : i32 to index
    %get3A_155 = arith.index_cast %get3A_152 : i32 to index
    %get3A_156 = arith.index_cast %get3A_153 : i32 to index
    %get3A_157 = arith.constant 64 : index
    %get3A_158 = tpu.vector_load %arg5[%get3A_154, %get3A_155, %get3A_156, %get3A_157] {strides = array<i32>} : memref<68x1x2x128xf32, #tpu.memory_space<vmem>>, vector<16xf32>,
    %get3A_159 = arith.constant 0 : i32
    %get3A_160 = arith.constant 0 : i32
    %get3A_161 = arith.constant 1 : i32
    %get3A_162 = arith.index_cast %get3A_159 : i32 to index
    %get3A_163 = arith.index_cast %get3A_160 : i32 to index
    %get3A_164 = arith.index_cast %get3A_161 : i32 to index
    %get3A_165 = arith.constant 80 : index
    %get3A_166 = tpu.vector_load %arg5[%get3A_162, %get3A_163, %get3A_164, %get3A_165] {strides = array<i32>} : memref<68x1x2x128xf32, #tpu.memory_space<vmem>>, vector<16xf32>,
    %get3A_167 = arith.constant 0 : i32
    %get3A_168 = arith.constant 0 : i32
    %get3A_169 = arith.constant 1 : i32
    %get3A_170 = arith.index_cast %get3A_167 : i32 to index
    %get3A_171 = arith.index_cast %get3A_168 : i32 to index
    %get3A_172 = arith.index_cast %get3A_169 : i32 to index
    %get3A_173 = arith.constant 96 : index
    %get3A_174 = tpu.vector_load %arg5[%get3A_170, %get3A_171, %get3A_172, %get3A_173] {strides = array<i32>} : memref<68x1x2x128xf32, #tpu.memory_space<vmem>>, vector<16xf32>,
    %get3A_175 = arith.constant 0 : i32
    %get3A_176 = arith.constant 0 : i32
    %get3A_177 = arith.constant 1 : i32
    %get3A_178 = arith.index_cast %get3A_175 : i32 to index
    %get3A_179 = arith.index_cast %get3A_176 : i32 to index
    %get3A_180 = arith.index_cast %get3A_177 : i32 to index
    %get3A_181 = arith.constant 112 : index
    %get3A_182 = tpu.vector_load %arg5[%get3A_178, %get3A_179, %get3A_180, %get3A_181] {strides = array<i32>} : memref<68x1x2x128xf32, #tpu.memory_space<vmem>>, vector<16xf32>,
    %scan3A = arith.constant 0 : i32
    %scan3A_183 = arith.constant 67 : i32
    %scan3A_184 = arith.addi %scan3A, %scan3A_183 : i32
    %scan3A_185 = arith.constant 1 : i32
    %scan3A_186:32 = scf.for %scan3A_636 = %scan3A to %scan3A_184 step %scan3A_185 iter_args(%scan3A_637 = %get3A_62, %scan3A_638 = %get3A_70, %scan3A_639 = %get3A_78, %scan3A_640 = %get3A_86, %scan3A_641 = %get3A_94, %scan3A_642 = %get3A_102, %scan3A_643 = %get3A_110, %scan3A_644 = %get3A_118, %scan3A_645 = %get3A_126, %scan3A_646 = %get3A_134, %scan3A_647 = %get3A_142, %scan3A_648 = %get3A_150, %scan3A_649 = %get3A_158, %scan3A_650 = %get3A_166, %scan3A_651 = %get3A_174, %scan3A_652 = %get3A_182, %scan3A_653 = %broadcast_in_dim3A_20, %scan3A_654 = %broadcast_in_dim3A_20, %scan3A_655 = %broadcast_in_dim3A_20, %scan3A_656 = %broadcast_in_dim3A_20, %scan3A_657 = %broadcast_in_dim3A_20, %scan3A_658 = %broadcast_in_dim3A_20, %scan3A_659 = %broadcast_in_dim3A_20, %scan3A_660 = %broadcast_in_dim3A_20, %scan3A_661 = %broadcast_in_dim3A_20, %scan3A_662 = %broadcast_in_dim3A_20, %scan3A_663 = %broadcast_in_dim3A_20, %scan3A_664 = %broadcast_in_dim3A_20, %scan3A_665 = %broadcast_in_dim3A_20, %scan3A_666 = %broadcast_in_dim3A_20, %scan3A_667 = %broadcast_in_dim3A_20, %scan3A_668 = %broadcast_in_dim3A_20) -> (vector<16xf32>, vector<16xf32>, vector<16xf32>, vector<16xf32>, vector<16xf32>, vector<16xf32>, vector<16xf32>, vector<16xf32>, vector<16xf32>, vector<16xf32>, vector<16xf32>, vector<16xf32>, vector<16xf32>, vector<16xf32>, vector<16xf32>, vector<16xf32>, vector<16xf32>, vector<16xf32>, vector<16xf32>, vector<16xf32>, vector<16xf32>, vector<16xf32>, vector<16xf32>, vector<16xf32>, vector<16xf32>, vector<16xf32>, vector<16xf32>, vector<16xf32>, vector<16xf32>, vector<16xf32>, vector<16xf32>, vector<16xf32>)  : i32 {
      %add3A_669 = arith.constant 1 : i32
      %add3A_670 = arith.addi %scan3A_636, %add3A_669 : i32
      %get3A_671 = arith.constant 0 : i32
      %get3A_672 = arith.constant 0 : i32
      %get3A_673 = arith.index_cast %add3A_670 : i32 to index
      %get3A_674 = arith.index_cast %get3A_671 : i32 to index
      %get3A_675 = arith.index_cast %get3A_672 : i32 to index
      %get3A_676 = arith.constant 0 : index
      %get3A_677 = tpu.vector_load %arg5[%get3A_673, %get3A_674, %get3A_675, %get3A_676] {strides = array<i32>} : memref<68x1x2x128xf32, #tpu.memory_space<vmem>>, vector<16xf32>,
      %add3A_678 = arith.constant 1 : i32
      %add3A_679 = arith.addi %scan3A_636, %add3A_678 : i32
      %get3A_680 = arith.constant 0 : i32
      %get3A_681 = arith.constant 1 : i32
      %get3A_682 = arith.index_cast %add3A_679 : i32 to index
      %get3A_683 = arith.index_cast %get3A_680 : i32 to index
      %get3A_684 = arith.index_cast %get3A_681 : i32 to index
      %get3A_685 = arith.constant 0 : index
      %get3A_686 = tpu.vector_load %arg5[%get3A_682, %get3A_683, %get3A_684, %get3A_685] {strides = array<i32>} : memref<68x1x2x128xf32, #tpu.memory_space<vmem>>, vector<16xf32>,
      %get3A_687 = arith.index_cast %scan3A_636 : i32 to index
      %get3A_688 = arith.constant 0 : index
      %get3A_689 = tpu.vector_load %arg7[%get3A_687, %get3A_688] {strides = array<i32>} : memref<67x128xf32, #tpu.memory_space<vmem>>, vector<16xf32>,
      %sub3A = arith.subf %scan3A_637, %get3A_677 : vector<16xf32>
      %abs3A = math.absf %sub3A : vector<16xf32>
      %sub3A_690 = arith.subf %scan3A_645, %get3A_686 : vector<16xf32>
      %abs3A_691 = math.absf %sub3A_690 : vector<16xf32>
      %add3A_692 = arith.addf %abs3A, %abs3A_691 : vector<16xf32>
      %mul3A_693 = arith.mulf %add3A_692, %get3A_689 : vector<16xf32>
      %add3A_694 = arith.addf %scan3A_653, %mul3A_693 : vector<16xf32>
      %add3A_695 = arith.addf %scan3A_661, %get3A_689 : vector<16xf32>
      %add3A_696 = arith.constant 1 : i32
      %add3A_697 = arith.addi %scan3A_636, %add3A_696 : i32
      %get3A_698 = arith.constant 0 : i32
      %get3A_699 = arith.constant 0 : i32
      %get3A_700 = arith.index_cast %add3A_697 : i32 to index
      %get3A_701 = arith.index_cast %get3A_698 : i32 to index
      %get3A_702 = arith.index_cast %get3A_699 : i32 to index
      %get3A_703 = arith.constant 16 : index
      %get3A_704 = tpu.vector_load %arg5[%get3A_700, %get3A_701, %get3A_702, %get3A_703] {strides = array<i32>} : memref<68x1x2x128xf32, #tpu.memory_space<vmem>>, vector<16xf32>,
      %add3A_705 = arith.constant 1 : i32
      %add3A_706 = arith.addi %scan3A_636, %add3A_705 : i32
      %get3A_707 = arith.constant 0 : i32
      %get3A_708 = arith.constant 1 : i32
      %get3A_709 = arith.index_cast %add3A_706 : i32 to index
      %get3A_710 = arith.index_cast %get3A_707 : i32 to index
      %get3A_711 = arith.index_cast %get3A_708 : i32 to index
      %get3A_712 = arith.constant 16 : index
      %get3A_713 = tpu.vector_load %arg5[%get3A_709, %get3A_710, %get3A_711, %get3A_712] {strides = array<i32>} : memref<68x1x2x128xf32, #tpu.memory_space<vmem>>, vector<16xf32>,
      %get3A_714 = arith.index_cast %scan3A_636 : i32 to index
      %get3A_715 = arith.constant 16 : index
      %get3A_716 = tpu.vector_load %arg7[%get3A_714, %get3A_715] {strides = array<i32>} : memref<67x128xf32, #tpu.memory_space<vmem>>, vector<16xf32>,
      %sub3A_717 = arith.subf %scan3A_638, %get3A_704 : vector<16xf32>
      %abs3A_718 = math.absf %sub3A_717 : vector<16xf32>
      %sub3A_719 = arith.subf %scan3A_646, %get3A_713 : vector<16xf32>
      %abs3A_720 = math.absf %sub3A_719 : vector<16xf32>
      %add3A_721 = arith.addf %abs3A_718, %abs3A_720 : vector<16xf32>
      %mul3A_722 = arith.mulf %add3A_721, %get3A_716 : vector<16xf32>
      %add3A_723 = arith.addf %scan3A_654, %mul3A_722 : vector<16xf32>
      %add3A_724 = arith.addf %scan3A_662, %get3A_716 : vector<16xf32>
      %add3A_725 = arith.constant 1 : i32
      %add3A_726 = arith.addi %scan3A_636, %add3A_725 : i32
      %get3A_727 = arith.constant 0 : i32
      %get3A_728 = arith.constant 0 : i32
      %get3A_729 = arith.index_cast %add3A_726 : i32 to index
      %get3A_730 = arith.index_cast %get3A_727 : i32 to index
      %get3A_731 = arith.index_cast %get3A_728 : i32 to index
      %get3A_732 = arith.constant 32 : index
      %get3A_733 = tpu.vector_load %arg5[%get3A_729, %get3A_730, %get3A_731, %get3A_732] {strides = array<i32>} : memref<68x1x2x128xf32, #tpu.memory_space<vmem>>, vector<16xf32>,
      %add3A_734 = arith.constant 1 : i32
      %add3A_735 = arith.addi %scan3A_636, %add3A_734 : i32
      %get3A_736 = arith.constant 0 : i32
      %get3A_737 = arith.constant 1 : i32
      %get3A_738 = arith.index_cast %add3A_735 : i32 to index
      %get3A_739 = arith.index_cast %get3A_736 : i32 to index
      %get3A_740 = arith.index_cast %get3A_737 : i32 to index
      %get3A_741 = arith.constant 32 : index
      %get3A_742 = tpu.vector_load %arg5[%get3A_738, %get3A_739, %get3A_740, %get3A_741] {strides = array<i32>} : memref<68x1x2x128xf32, #tpu.memory_space<vmem>>, vector<16xf32>,
      %get3A_743 = arith.index_cast %scan3A_636 : i32 to index
      %get3A_744 = arith.constant 32 : index
      %get3A_745 = tpu.vector_load %arg7[%get3A_743, %get3A_744] {strides = array<i32>} : memref<67x128xf32, #tpu.memory_space<vmem>>, vector<16xf32>,
      %sub3A_746 = arith.subf %scan3A_639, %get3A_733 : vector<16xf32>
      %abs3A_747 = math.absf %sub3A_746 : vector<16xf32>
      %sub3A_748 = arith.subf %scan3A_647, %get3A_742 : vector<16xf32>
      %abs3A_749 = math.absf %sub3A_748 : vector<16xf32>
      %add3A_750 = arith.addf %abs3A_747, %abs3A_749 : vector<16xf32>
      %mul3A_751 = arith.mulf %add3A_750, %get3A_745 : vector<16xf32>
      %add3A_752 = arith.addf %scan3A_655, %mul3A_751 : vector<16xf32>
      %add3A_753 = arith.addf %scan3A_663, %get3A_745 : vector<16xf32>
      %add3A_754 = arith.constant 1 : i32
      %add3A_755 = arith.addi %scan3A_636, %add3A_754 : i32
      %get3A_756 = arith.constant 0 : i32
      %get3A_757 = arith.constant 0 : i32
      %get3A_758 = arith.index_cast %add3A_755 : i32 to index
      %get3A_759 = arith.index_cast %get3A_756 : i32 to index
      %get3A_760 = arith.index_cast %get3A_757 : i32 to index
      %get3A_761 = arith.constant 48 : index
      %get3A_762 = tpu.vector_load %arg5[%get3A_758, %get3A_759, %get3A_760, %get3A_761] {strides = array<i32>} : memref<68x1x2x128xf32, #tpu.memory_space<vmem>>, vector<16xf32>,
      %add3A_763 = arith.constant 1 : i32
      %add3A_764 = arith.addi %scan3A_636, %add3A_763 : i32
      %get3A_765 = arith.constant 0 : i32
      %get3A_766 = arith.constant 1 : i32
      %get3A_767 = arith.index_cast %add3A_764 : i32 to index
      %get3A_768 = arith.index_cast %get3A_765 : i32 to index
      %get3A_769 = arith.index_cast %get3A_766 : i32 to index
      %get3A_770 = arith.constant 48 : index
      %get3A_771 = tpu.vector_load %arg5[%get3A_767, %get3A_768, %get3A_769, %get3A_770] {strides = array<i32>} : memref<68x1x2x128xf32, #tpu.memory_space<vmem>>, vector<16xf32>,
      %get3A_772 = arith.index_cast %scan3A_636 : i32 to index
      %get3A_773 = arith.constant 48 : index
      %get3A_774 = tpu.vector_load %arg7[%get3A_772, %get3A_773] {strides = array<i32>} : memref<67x128xf32, #tpu.memory_space<vmem>>, vector<16xf32>,
      %sub3A_775 = arith.subf %scan3A_640, %get3A_762 : vector<16xf32>
      %abs3A_776 = math.absf %sub3A_775 : vector<16xf32>
      %sub3A_777 = arith.subf %scan3A_648, %get3A_771 : vector<16xf32>
      %abs3A_778 = math.absf %sub3A_777 : vector<16xf32>
      %add3A_779 = arith.addf %abs3A_776, %abs3A_778 : vector<16xf32>
      %mul3A_780 = arith.mulf %add3A_779, %get3A_774 : vector<16xf32>
      %add3A_781 = arith.addf %scan3A_656, %mul3A_780 : vector<16xf32>
      %add3A_782 = arith.addf %scan3A_664, %get3A_774 : vector<16xf32>
      %add3A_783 = arith.constant 1 : i32
      %add3A_784 = arith.addi %scan3A_636, %add3A_783 : i32
      %get3A_785 = arith.constant 0 : i32
      %get3A_786 = arith.constant 0 : i32
      %get3A_787 = arith.index_cast %add3A_784 : i32 to index
      %get3A_788 = arith.index_cast %get3A_785 : i32 to index
      %get3A_789 = arith.index_cast %get3A_786 : i32 to index
      %get3A_790 = arith.constant 64 : index
      %get3A_791 = tpu.vector_load %arg5[%get3A_787, %get3A_788, %get3A_789, %get3A_790] {strides = array<i32>} : memref<68x1x2x128xf32, #tpu.memory_space<vmem>>, vector<16xf32>,
      %add3A_792 = arith.constant 1 : i32
      %add3A_793 = arith.addi %scan3A_636, %add3A_792 : i32
      %get3A_794 = arith.constant 0 : i32
      %get3A_795 = arith.constant 1 : i32
      %get3A_796 = arith.index_cast %add3A_793 : i32 to index
      %get3A_797 = arith.index_cast %get3A_794 : i32 to index
      %get3A_798 = arith.index_cast %get3A_795 : i32 to index
      %get3A_799 = arith.constant 64 : index
      %get3A_800 = tpu.vector_load %arg5[%get3A_796, %get3A_797, %get3A_798, %get3A_799] {strides = array<i32>} : memref<68x1x2x128xf32, #tpu.memory_space<vmem>>, vector<16xf32>,
      %get3A_801 = arith.index_cast %scan3A_636 : i32 to index
      %get3A_802 = arith.constant 64 : index
      %get3A_803 = tpu.vector_load %arg7[%get3A_801, %get3A_802] {strides = array<i32>} : memref<67x128xf32, #tpu.memory_space<vmem>>, vector<16xf32>,
      %sub3A_804 = arith.subf %scan3A_641, %get3A_791 : vector<16xf32>
      %abs3A_805 = math.absf %sub3A_804 : vector<16xf32>
      %sub3A_806 = arith.subf %scan3A_649, %get3A_800 : vector<16xf32>
      %abs3A_807 = math.absf %sub3A_806 : vector<16xf32>
      %add3A_808 = arith.addf %abs3A_805, %abs3A_807 : vector<16xf32>
      %mul3A_809 = arith.mulf %add3A_808, %get3A_803 : vector<16xf32>
      %add3A_810 = arith.addf %scan3A_657, %mul3A_809 : vector<16xf32>
      %add3A_811 = arith.addf %scan3A_665, %get3A_803 : vector<16xf32>
      %add3A_812 = arith.constant 1 : i32
      %add3A_813 = arith.addi %scan3A_636, %add3A_812 : i32
      %get3A_814 = arith.constant 0 : i32
      %get3A_815 = arith.constant 0 : i32
      %get3A_816 = arith.index_cast %add3A_813 : i32 to index
      %get3A_817 = arith.index_cast %get3A_814 : i32 to index
      %get3A_818 = arith.index_cast %get3A_815 : i32 to index
      %get3A_819 = arith.constant 80 : index
      %get3A_820 = tpu.vector_load %arg5[%get3A_816, %get3A_817, %get3A_818, %get3A_819] {strides = array<i32>} : memref<68x1x2x128xf32, #tpu.memory_space<vmem>>, vector<16xf32>,
      %add3A_821 = arith.constant 1 : i32
      %add3A_822 = arith.addi %scan3A_636, %add3A_821 : i32
      %get3A_823 = arith.constant 0 : i32
      %get3A_824 = arith.constant 1 : i32
      %get3A_825 = arith.index_cast %add3A_822 : i32 to index
      %get3A_826 = arith.index_cast %get3A_823 : i32 to index
      %get3A_827 = arith.index_cast %get3A_824 : i32 to index
      %get3A_828 = arith.constant 80 : index
      %get3A_829 = tpu.vector_load %arg5[%get3A_825, %get3A_826, %get3A_827, %get3A_828] {strides = array<i32>} : memref<68x1x2x128xf32, #tpu.memory_space<vmem>>, vector<16xf32>,
      %get3A_830 = arith.index_cast %scan3A_636 : i32 to index
      %get3A_831 = arith.constant 80 : index
      %get3A_832 = tpu.vector_load %arg7[%get3A_830, %get3A_831] {strides = array<i32>} : memref<67x128xf32, #tpu.memory_space<vmem>>, vector<16xf32>,
      %sub3A_833 = arith.subf %scan3A_642, %get3A_820 : vector<16xf32>
      %abs3A_834 = math.absf %sub3A_833 : vector<16xf32>
      %sub3A_835 = arith.subf %scan3A_650, %get3A_829 : vector<16xf32>
      %abs3A_836 = math.absf %sub3A_835 : vector<16xf32>
      %add3A_837 = arith.addf %abs3A_834, %abs3A_836 : vector<16xf32>
      %mul3A_838 = arith.mulf %add3A_837, %get3A_832 : vector<16xf32>
      %add3A_839 = arith.addf %scan3A_658, %mul3A_838 : vector<16xf32>
      %add3A_840 = arith.addf %scan3A_666, %get3A_832 : vector<16xf32>
      %add3A_841 = arith.constant 1 : i32
      %add3A_842 = arith.addi %scan3A_636, %add3A_841 : i32
      %get3A_843 = arith.constant 0 : i32
      %get3A_844 = arith.constant 0 : i32
      %get3A_845 = arith.index_cast %add3A_842 : i32 to index
      %get3A_846 = arith.index_cast %get3A_843 : i32 to index
      %get3A_847 = arith.index_cast %get3A_844 : i32 to index
      %get3A_848 = arith.constant 96 : index
      %get3A_849 = tpu.vector_load %arg5[%get3A_845, %get3A_846, %get3A_847, %get3A_848] {strides = array<i32>} : memref<68x1x2x128xf32, #tpu.memory_space<vmem>>, vector<16xf32>,
      %add3A_850 = arith.constant 1 : i32
      %add3A_851 = arith.addi %scan3A_636, %add3A_850 : i32
      %get3A_852 = arith.constant 0 : i32
      %get3A_853 = arith.constant 1 : i32
      %get3A_854 = arith.index_cast %add3A_851 : i32 to index
      %get3A_855 = arith.index_cast %get3A_852 : i32 to index
      %get3A_856 = arith.index_cast %get3A_853 : i32 to index
      %get3A_857 = arith.constant 96 : index
      %get3A_858 = tpu.vector_load %arg5[%get3A_854, %get3A_855, %get3A_856, %get3A_857] {strides = array<i32>} : memref<68x1x2x128xf32, #tpu.memory_space<vmem>>, vector<16xf32>,
      %get3A_859 = arith.index_cast %scan3A_636 : i32 to index
      %get3A_860 = arith.constant 96 : index
      %get3A_861 = tpu.vector_load %arg7[%get3A_859, %get3A_860] {strides = array<i32>} : memref<67x128xf32, #tpu.memory_space<vmem>>, vector<16xf32>,
      %sub3A_862 = arith.subf %scan3A_643, %get3A_849 : vector<16xf32>
      %abs3A_863 = math.absf %sub3A_862 : vector<16xf32>
      %sub3A_864 = arith.subf %scan3A_651, %get3A_858 : vector<16xf32>
      %abs3A_865 = math.absf %sub3A_864 : vector<16xf32>
      %add3A_866 = arith.addf %abs3A_863, %abs3A_865 : vector<16xf32>
      %mul3A_867 = arith.mulf %add3A_866, %get3A_861 : vector<16xf32>
      %add3A_868 = arith.addf %scan3A_659, %mul3A_867 : vector<16xf32>
      %add3A_869 = arith.addf %scan3A_667, %get3A_861 : vector<16xf32>
      %add3A_870 = arith.constant 1 : i32
      %add3A_871 = arith.addi %scan3A_636, %add3A_870 : i32
      %get3A_872 = arith.constant 0 : i32
      %get3A_873 = arith.constant 0 : i32
      %get3A_874 = arith.index_cast %add3A_871 : i32 to index
      %get3A_875 = arith.index_cast %get3A_872 : i32 to index
      %get3A_876 = arith.index_cast %get3A_873 : i32 to index
      %get3A_877 = arith.constant 112 : index
      %get3A_878 = tpu.vector_load %arg5[%get3A_874, %get3A_875, %get3A_876, %get3A_877] {strides = array<i32>} : memref<68x1x2x128xf32, #tpu.memory_space<vmem>>, vector<16xf32>,
      %add3A_879 = arith.constant 1 : i32
      %add3A_880 = arith.addi %scan3A_636, %add3A_879 : i32
      %get3A_881 = arith.constant 0 : i32
      %get3A_882 = arith.constant 1 : i32
      %get3A_883 = arith.index_cast %add3A_880 : i32 to index
      %get3A_884 = arith.index_cast %get3A_881 : i32 to index
      %get3A_885 = arith.index_cast %get3A_882 : i32 to index
      %get3A_886 = arith.constant 112 : index
      %get3A_887 = tpu.vector_load %arg5[%get3A_883, %get3A_884, %get3A_885, %get3A_886] {strides = array<i32>} : memref<68x1x2x128xf32, #tpu.memory_space<vmem>>, vector<16xf32>,
      %get3A_888 = arith.index_cast %scan3A_636 : i32 to index
      %get3A_889 = arith.constant 112 : index
      %get3A_890 = tpu.vector_load %arg7[%get3A_888, %get3A_889] {strides = array<i32>} : memref<67x128xf32, #tpu.memory_space<vmem>>, vector<16xf32>,
      %sub3A_891 = arith.subf %scan3A_644, %get3A_878 : vector<16xf32>
      %abs3A_892 = math.absf %sub3A_891 : vector<16xf32>
      %sub3A_893 = arith.subf %scan3A_652, %get3A_887 : vector<16xf32>
      %abs3A_894 = math.absf %sub3A_893 : vector<16xf32>
      %add3A_895 = arith.addf %abs3A_892, %abs3A_894 : vector<16xf32>
      %mul3A_896 = arith.mulf %add3A_895, %get3A_890 : vector<16xf32>
      %add3A_897 = arith.addf %scan3A_660, %mul3A_896 : vector<16xf32>
      %add3A_898 = arith.addf %scan3A_668, %get3A_890 : vector<16xf32>
      scf.yield %get3A_677, %get3A_704, %get3A_733, %get3A_762, %get3A_791, %get3A_820, %get3A_849, %get3A_878, %get3A_686, %get3A_713, %get3A_742, %get3A_771, %get3A_800, %get3A_829, %get3A_858, %get3A_887, %add3A_694, %add3A_723, %add3A_752, %add3A_781, %add3A_810, %add3A_839, %add3A_868, %add3A_897, %add3A_695, %add3A_724, %add3A_753, %add3A_782, %add3A_811, %add3A_840, %add3A_869, %add3A_898 : vector<16xf32>, vector<16xf32>, vector<16xf32>, vector<16xf32>, vector<16xf32>, vector<16xf32>, vector<16xf32>, vector<16xf32>, vector<16xf32>, vector<16xf32>, vector<16xf32>, vector<16xf32>, vector<16xf32>, vector<16xf32>, vector<16xf32>, vector<16xf32>, vector<16xf32>, vector<16xf32>, vector<16xf32>, vector<16xf32>, vector<16xf32>, vector<16xf32>, vector<16xf32>, vector<16xf32>, vector<16xf32>, vector<16xf32>, vector<16xf32>, vector<16xf32>, vector<16xf32>, vector<16xf32>, vector<16xf32>, vector<16xf32>
    }
    %scan3A_187 = arith.constant 67 : i32
    %max3A = arith.constant 1.000000e+00 : f32
    %max3A_188 = vector.broadcast %max3A : f32 to vector<16xf32>
    %max3A_189 = arith.maximumf %scan3A_186#24, %max3A_188 : vector<16xf32>
    %div3A = arith.divf %scan3A_186#16, %max3A_189 : vector<16xf32>
    %add3A_190 = arith.addf %broadcast_in_dim3A_20, %div3A : vector<16xf32>
    %max3A_191 = arith.constant 1.000000e+00 : f32
    %max3A_192 = vector.broadcast %max3A_191 : f32 to vector<16xf32>
    %max3A_193 = arith.maximumf %scan3A_186#25, %max3A_192 : vector<16xf32>
    %div3A_194 = arith.divf %scan3A_186#17, %max3A_193 : vector<16xf32>
    %add3A_195 = arith.addf %broadcast_in_dim3A_20, %div3A_194 : vector<16xf32>
    %max3A_196 = arith.constant 1.000000e+00 : f32
    %max3A_197 = vector.broadcast %max3A_196 : f32 to vector<16xf32>
    %max3A_198 = arith.maximumf %scan3A_186#26, %max3A_197 : vector<16xf32>
    %div3A_199 = arith.divf %scan3A_186#18, %max3A_198 : vector<16xf32>
    %add3A_200 = arith.addf %broadcast_in_dim3A_20, %div3A_199 : vector<16xf32>
    %max3A_201 = arith.constant 1.000000e+00 : f32
    %max3A_202 = vector.broadcast %max3A_201 : f32 to vector<16xf32>
    %max3A_203 = arith.maximumf %scan3A_186#27, %max3A_202 : vector<16xf32>
    %div3A_204 = arith.divf %scan3A_186#19, %max3A_203 : vector<16xf32>
    %add3A_205 = arith.addf %broadcast_in_dim3A_20, %div3A_204 : vector<16xf32>
    %max3A_206 = arith.constant 1.000000e+00 : f32
    %max3A_207 = vector.broadcast %max3A_206 : f32 to vector<16xf32>
    %max3A_208 = arith.maximumf %scan3A_186#28, %max3A_207 : vector<16xf32>
    %div3A_209 = arith.divf %scan3A_186#20, %max3A_208 : vector<16xf32>
    %add3A_210 = arith.addf %broadcast_in_dim3A_20, %div3A_209 : vector<16xf32>
    %max3A_211 = arith.constant 1.000000e+00 : f32
    %max3A_212 = vector.broadcast %max3A_211 : f32 to vector<16xf32>
    %max3A_213 = arith.maximumf %scan3A_186#29, %max3A_212 : vector<16xf32>
    %div3A_214 = arith.divf %scan3A_186#21, %max3A_213 : vector<16xf32>
    %add3A_215 = arith.addf %broadcast_in_dim3A_20, %div3A_214 : vector<16xf32>
    %max3A_216 = arith.constant 1.000000e+00 : f32
    %max3A_217 = vector.broadcast %max3A_216 : f32 to vector<16xf32>
    %max3A_218 = arith.maximumf %scan3A_186#30, %max3A_217 : vector<16xf32>
    %div3A_219 = arith.divf %scan3A_186#22, %max3A_218 : vector<16xf32>
    %add3A_220 = arith.addf %broadcast_in_dim3A_20, %div3A_219 : vector<16xf32>
    %max3A_221 = arith.constant 1.000000e+00 : f32
    %max3A_222 = vector.broadcast %max3A_221 : f32 to vector<16xf32>
    %max3A_223 = arith.maximumf %scan3A_186#31, %max3A_222 : vector<16xf32>
    %div3A_224 = arith.divf %scan3A_186#23, %max3A_223 : vector<16xf32>
    %add3A_225 = arith.addf %broadcast_in_dim3A_20, %div3A_224 : vector<16xf32>
    %add3A_226 = arith.constant 2 : i32
    %add3A_227 = arith.addi %mul3A_2, %add3A_226 : i32
    %dma_start3A_228 = arith.constant 0 : i32
    %dma_start3A_229 = arith.constant 0 : i32
    %dma_start3A_230 = arith.constant 0 : i32
    %dma_start3A_231 = tpu.memref_slice %arg2[%dma_start3A_228, %add3A_227, %dma_start3A_229, %dma_start3A_230] : memref<68x128x2x128xf32, #tpu.memory_space<hbm>> -> memref<68x1x2x128xf32, #tpu.memory_space<hbm>>
    %dma_start3A_232 = arith.constant 0 : i32
    %dma_start3A_233 = arith.constant 0 : i32
    %dma_start3A_234 = arith.constant 0 : i32
    %dma_start3A_235 = tpu.memref_slice %arg2[%dma_start3A_232, %add3A_227, %dma_start3A_233, %dma_start3A_234] : memref<68x128x2x128xf32, #tpu.memory_space<hbm>> -> memref<68x1x2x128xf32, #tpu.memory_space<hbm>>
    tpu.enqueue_dma source(%dma_start3A_235 : memref<68x1x2x128xf32, #tpu.memory_space<hbm>>) target(%arg5 : memref<68x1x2x128xf32, #tpu.memory_space<vmem>>) target_semaphore(%arg10 : memref<!tpu.dma_semaphore, #tpu.memory_space<semaphore_mem>>)
    %add3A_236 = arith.constant 2 : i32
    %add3A_237 = arith.addi %mul3A_2, %add3A_236 : i32
    %mul3A_238 = arith.constant 128 : i32
    %mul3A_239 = arith.muli %add3A_237, %mul3A_238 : i32
    %dma_start3A_240 = arith.constant 0 : i32
    %dma_start3A_241 = tpu.memref_slice %arg3[%dma_start3A_240, %mul3A_239] : memref<67x16384xf32, #tpu.memory_space<hbm>> -> memref<67x128xf32, #tpu.memory_space<hbm>>
    %dma_start3A_242 = arith.constant 0 : i32
    %dma_start3A_243 = tpu.memref_slice %arg3[%dma_start3A_242, %mul3A_239] : memref<67x16384xf32, #tpu.memory_space<hbm>> -> memref<67x128xf32, #tpu.memory_space<hbm>>
    tpu.enqueue_dma source(%dma_start3A_243 : memref<67x128xf32, #tpu.memory_space<hbm>>) target(%arg7 : memref<67x128xf32, #tpu.memory_space<vmem>>) target_semaphore(%arg10 : memref<!tpu.dma_semaphore, #tpu.memory_space<semaphore_mem>>)
    %add3A_244 = arith.constant 1 : i32
    %add3A_245 = arith.addi %mul3A_2, %add3A_244 : i32
    %dma_wait3A_246 = arith.constant 0 : i32
    %dma_wait3A_247 = arith.constant 0 : i32
    %dma_wait3A_248 = arith.constant 0 : i32
    %dma_wait3A_249 = tpu.memref_slice %arg2[%dma_wait3A_246, %add3A_245, %dma_wait3A_247, %dma_wait3A_248] : memref<68x128x2x128xf32, #tpu.memory_space<hbm>> -> memref<68x1x2x128xf32, #tpu.memory_space<hbm>>
    %dma_wait3A_250 = arith.constant 0 : i32
    %dma_wait3A_251 = arith.constant 0 : i32
    %dma_wait3A_252 = arith.constant 0 : i32
    %dma_wait3A_253 = tpu.memref_slice %arg2[%dma_wait3A_250, %add3A_245, %dma_wait3A_251, %dma_wait3A_252] : memref<68x128x2x128xf32, #tpu.memory_space<hbm>> -> memref<68x1x2x128xf32, #tpu.memory_space<hbm>>
    tpu.wait_dma2 semaphore(%arg11 : memref<!tpu.dma_semaphore, #tpu.memory_space<semaphore_mem>>) src(%dma_wait3A_253 : memref<68x1x2x128xf32, #tpu.memory_space<hbm>>) dst(%arg6 : memref<68x1x2x128xf32, #tpu.memory_space<vmem>>)
    %add3A_254 = arith.constant 1 : i32
    %add3A_255 = arith.addi %mul3A_2, %add3A_254 : i32
    %mul3A_256 = arith.constant 128 : i32
    %mul3A_257 = arith.muli %add3A_255, %mul3A_256 : i32
    %dma_wait3A_258 = arith.constant 0 : i32
    %dma_wait3A_259 = tpu.memref_slice %arg3[%dma_wait3A_258, %mul3A_257] : memref<67x16384xf32, #tpu.memory_space<hbm>> -> memref<67x128xf32, #tpu.memory_space<hbm>>
    %dma_wait3A_260 = arith.constant 0 : i32
    %dma_wait3A_261 = tpu.memref_slice %arg3[%dma_wait3A_260, %mul3A_257] : memref<67x16384xf32, #tpu.memory_space<hbm>> -> memref<67x128xf32, #tpu.memory_space<hbm>>
    tpu.wait_dma2 semaphore(%arg11 : memref<!tpu.dma_semaphore, #tpu.memory_space<semaphore_mem>>) src(%dma_wait3A_261 : memref<67x128xf32, #tpu.memory_space<hbm>>) dst(%arg8 : memref<67x128xf32, #tpu.memory_space<vmem>>)
    %get3A_262 = arith.constant 0 : i32
    %get3A_263 = arith.constant 0 : i32
    %get3A_264 = arith.constant 0 : i32
    %get3A_265 = arith.index_cast %get3A_262 : i32 to index
    %get3A_266 = arith.index_cast %get3A_263 : i32 to index
    %get3A_267 = arith.index_cast %get3A_264 : i32 to index
    %get3A_268 = arith.constant 0 : index
    %get3A_269 = tpu.vector_load %arg6[%get3A_265, %get3A_266, %get3A_267, %get3A_268] {strides = array<i32>} : memref<68x1x2x128xf32, #tpu.memory_space<vmem>>, vector<16xf32>,
    %get3A_270 = arith.constant 0 : i32
    %get3A_271 = arith.constant 0 : i32
    %get3A_272 = arith.constant 0 : i32
    %get3A_273 = arith.index_cast %get3A_270 : i32 to index
    %get3A_274 = arith.index_cast %get3A_271 : i32 to index
    %get3A_275 = arith.index_cast %get3A_272 : i32 to index
    %get3A_276 = arith.constant 16 : index
    %get3A_277 = tpu.vector_load %arg6[%get3A_273, %get3A_274, %get3A_275, %get3A_276] {strides = array<i32>} : memref<68x1x2x128xf32, #tpu.memory_space<vmem>>, vector<16xf32>,
    %get3A_278 = arith.constant 0 : i32
    %get3A_279 = arith.constant 0 : i32
    %get3A_280 = arith.constant 0 : i32
    %get3A_281 = arith.index_cast %get3A_278 : i32 to index
    %get3A_282 = arith.index_cast %get3A_279 : i32 to index
    %get3A_283 = arith.index_cast %get3A_280 : i32 to index
    %get3A_284 = arith.constant 32 : index
    %get3A_285 = tpu.vector_load %arg6[%get3A_281, %get3A_282, %get3A_283, %get3A_284] {strides = array<i32>} : memref<68x1x2x128xf32, #tpu.memory_space<vmem>>, vector<16xf32>,
    %get3A_286 = arith.constant 0 : i32
    %get3A_287 = arith.constant 0 : i32
    %get3A_288 = arith.constant 0 : i32
    %get3A_289 = arith.index_cast %get3A_286 : i32 to index
    %get3A_290 = arith.index_cast %get3A_287 : i32 to index
    %get3A_291 = arith.index_cast %get3A_288 : i32 to index
    %get3A_292 = arith.constant 48 : index
    %get3A_293 = tpu.vector_load %arg6[%get3A_289, %get3A_290, %get3A_291, %get3A_292] {strides = array<i32>} : memref<68x1x2x128xf32, #tpu.memory_space<vmem>>, vector<16xf32>,
    %get3A_294 = arith.constant 0 : i32
    %get3A_295 = arith.constant 0 : i32
    %get3A_296 = arith.constant 0 : i32
    %get3A_297 = arith.index_cast %get3A_294 : i32 to index
    %get3A_298 = arith.index_cast %get3A_295 : i32 to index
    %get3A_299 = arith.index_cast %get3A_296 : i32 to index
    %get3A_300 = arith.constant 64 : index
    %get3A_301 = tpu.vector_load %arg6[%get3A_297, %get3A_298, %get3A_299, %get3A_300] {strides = array<i32>} : memref<68x1x2x128xf32, #tpu.memory_space<vmem>>, vector<16xf32>,
    %get3A_302 = arith.constant 0 : i32
    %get3A_303 = arith.constant 0 : i32
    %get3A_304 = arith.constant 0 : i32
    %get3A_305 = arith.index_cast %get3A_302 : i32 to index
    %get3A_306 = arith.index_cast %get3A_303 : i32 to index
    %get3A_307 = arith.index_cast %get3A_304 : i32 to index
    %get3A_308 = arith.constant 80 : index
    %get3A_309 = tpu.vector_load %arg6[%get3A_305, %get3A_306, %get3A_307, %get3A_308] {strides = array<i32>} : memref<68x1x2x128xf32, #tpu.memory_space<vmem>>, vector<16xf32>,
    %get3A_310 = arith.constant 0 : i32
    %get3A_311 = arith.constant 0 : i32
    %get3A_312 = arith.constant 0 : i32
    %get3A_313 = arith.index_cast %get3A_310 : i32 to index
    %get3A_314 = arith.index_cast %get3A_311 : i32 to index
    %get3A_315 = arith.index_cast %get3A_312 : i32 to index
    %get3A_316 = arith.constant 96 : index
    %get3A_317 = tpu.vector_load %arg6[%get3A_313, %get3A_314, %get3A_315, %get3A_316] {strides = array<i32>} : memref<68x1x2x128xf32, #tpu.memory_space<vmem>>, vector<16xf32>,
    %get3A_318 = arith.constant 0 : i32
    %get3A_319 = arith.constant 0 : i32
    %get3A_320 = arith.constant 0 : i32
    %get3A_321 = arith.index_cast %get3A_318 : i32 to index
    %get3A_322 = arith.index_cast %get3A_319 : i32 to index
    %get3A_323 = arith.index_cast %get3A_320 : i32 to index
    %get3A_324 = arith.constant 112 : index
    %get3A_325 = tpu.vector_load %arg6[%get3A_321, %get3A_322, %get3A_323, %get3A_324] {strides = array<i32>} : memref<68x1x2x128xf32, #tpu.memory_space<vmem>>, vector<16xf32>,
    %get3A_326 = arith.constant 0 : i32
    %get3A_327 = arith.constant 0 : i32
    %get3A_328 = arith.constant 1 : i32
    %get3A_329 = arith.index_cast %get3A_326 : i32 to index
    %get3A_330 = arith.index_cast %get3A_327 : i32 to index
    %get3A_331 = arith.index_cast %get3A_328 : i32 to index
    %get3A_332 = arith.constant 0 : index
    %get3A_333 = tpu.vector_load %arg6[%get3A_329, %get3A_330, %get3A_331, %get3A_332] {strides = array<i32>} : memref<68x1x2x128xf32, #tpu.memory_space<vmem>>, vector<16xf32>,
    %get3A_334 = arith.constant 0 : i32
    %get3A_335 = arith.constant 0 : i32
    %get3A_336 = arith.constant 1 : i32
    %get3A_337 = arith.index_cast %get3A_334 : i32 to index
    %get3A_338 = arith.index_cast %get3A_335 : i32 to index
    %get3A_339 = arith.index_cast %get3A_336 : i32 to index
    %get3A_340 = arith.constant 16 : index
    %get3A_341 = tpu.vector_load %arg6[%get3A_337, %get3A_338, %get3A_339, %get3A_340] {strides = array<i32>} : memref<68x1x2x128xf32, #tpu.memory_space<vmem>>, vector<16xf32>,
    %get3A_342 = arith.constant 0 : i32
    %get3A_343 = arith.constant 0 : i32
    %get3A_344 = arith.constant 1 : i32
    %get3A_345 = arith.index_cast %get3A_342 : i32 to index
    %get3A_346 = arith.index_cast %get3A_343 : i32 to index
    %get3A_347 = arith.index_cast %get3A_344 : i32 to index
    %get3A_348 = arith.constant 32 : index
    %get3A_349 = tpu.vector_load %arg6[%get3A_345, %get3A_346, %get3A_347, %get3A_348] {strides = array<i32>} : memref<68x1x2x128xf32, #tpu.memory_space<vmem>>, vector<16xf32>,
    %get3A_350 = arith.constant 0 : i32
    %get3A_351 = arith.constant 0 : i32
    %get3A_352 = arith.constant 1 : i32
    %get3A_353 = arith.index_cast %get3A_350 : i32 to index
    %get3A_354 = arith.index_cast %get3A_351 : i32 to index
    %get3A_355 = arith.index_cast %get3A_352 : i32 to index
    %get3A_356 = arith.constant 48 : index
    %get3A_357 = tpu.vector_load %arg6[%get3A_353, %get3A_354, %get3A_355, %get3A_356] {strides = array<i32>} : memref<68x1x2x128xf32, #tpu.memory_space<vmem>>, vector<16xf32>,
    %get3A_358 = arith.constant 0 : i32
    %get3A_359 = arith.constant 0 : i32
    %get3A_360 = arith.constant 1 : i32
    %get3A_361 = arith.index_cast %get3A_358 : i32 to index
    %get3A_362 = arith.index_cast %get3A_359 : i32 to index
    %get3A_363 = arith.index_cast %get3A_360 : i32 to index
    %get3A_364 = arith.constant 64 : index
    %get3A_365 = tpu.vector_load %arg6[%get3A_361, %get3A_362, %get3A_363, %get3A_364] {strides = array<i32>} : memref<68x1x2x128xf32, #tpu.memory_space<vmem>>, vector<16xf32>,
    %get3A_366 = arith.constant 0 : i32
    %get3A_367 = arith.constant 0 : i32
    %get3A_368 = arith.constant 1 : i32
    %get3A_369 = arith.index_cast %get3A_366 : i32 to index
    %get3A_370 = arith.index_cast %get3A_367 : i32 to index
    %get3A_371 = arith.index_cast %get3A_368 : i32 to index
    %get3A_372 = arith.constant 80 : index
    %get3A_373 = tpu.vector_load %arg6[%get3A_369, %get3A_370, %get3A_371, %get3A_372] {strides = array<i32>} : memref<68x1x2x128xf32, #tpu.memory_space<vmem>>, vector<16xf32>,
    %get3A_374 = arith.constant 0 : i32
    %get3A_375 = arith.constant 0 : i32
    %get3A_376 = arith.constant 1 : i32
    %get3A_377 = arith.index_cast %get3A_374 : i32 to index
    %get3A_378 = arith.index_cast %get3A_375 : i32 to index
    %get3A_379 = arith.index_cast %get3A_376 : i32 to index
    %get3A_380 = arith.constant 96 : index
    %get3A_381 = tpu.vector_load %arg6[%get3A_377, %get3A_378, %get3A_379, %get3A_380] {strides = array<i32>} : memref<68x1x2x128xf32, #tpu.memory_space<vmem>>, vector<16xf32>,
    %get3A_382 = arith.constant 0 : i32
    %get3A_383 = arith.constant 0 : i32
    %get3A_384 = arith.constant 1 : i32
    %get3A_385 = arith.index_cast %get3A_382 : i32 to index
    %get3A_386 = arith.index_cast %get3A_383 : i32 to index
    %get3A_387 = arith.index_cast %get3A_384 : i32 to index
    %get3A_388 = arith.constant 112 : index
    %get3A_389 = tpu.vector_load %arg6[%get3A_385, %get3A_386, %get3A_387, %get3A_388] {strides = array<i32>} : memref<68x1x2x128xf32, #tpu.memory_space<vmem>>, vector<16xf32>,
    %scan3A_390 = arith.constant 0 : i32
    %scan3A_391 = arith.constant 67 : i32
    %scan3A_392 = arith.addi %scan3A_390, %scan3A_391 : i32
    %scan3A_393 = arith.constant 1 : i32
    %scan3A_394:32 = scf.for %scan3A_636 = %scan3A_390 to %scan3A_392 step %scan3A_393 iter_args(%scan3A_637 = %get3A_269, %scan3A_638 = %get3A_277, %scan3A_639 = %get3A_285, %scan3A_640 = %get3A_293, %scan3A_641 = %get3A_301, %scan3A_642 = %get3A_309, %scan3A_643 = %get3A_317, %scan3A_644 = %get3A_325, %scan3A_645 = %get3A_333, %scan3A_646 = %get3A_341, %scan3A_647 = %get3A_349, %scan3A_648 = %get3A_357, %scan3A_649 = %get3A_365, %scan3A_650 = %get3A_373, %scan3A_651 = %get3A_381, %scan3A_652 = %get3A_389, %scan3A_653 = %broadcast_in_dim3A_20, %scan3A_654 = %broadcast_in_dim3A_20, %scan3A_655 = %broadcast_in_dim3A_20, %scan3A_656 = %broadcast_in_dim3A_20, %scan3A_657 = %broadcast_in_dim3A_20, %scan3A_658 = %broadcast_in_dim3A_20, %scan3A_659 = %broadcast_in_dim3A_20, %scan3A_660 = %broadcast_in_dim3A_20, %scan3A_661 = %broadcast_in_dim3A_20, %scan3A_662 = %broadcast_in_dim3A_20, %scan3A_663 = %broadcast_in_dim3A_20, %scan3A_664 = %broadcast_in_dim3A_20, %scan3A_665 = %broadcast_in_dim3A_20, %scan3A_666 = %broadcast_in_dim3A_20, %scan3A_667 = %broadcast_in_dim3A_20, %scan3A_668 = %broadcast_in_dim3A_20) -> (vector<16xf32>, vector<16xf32>, vector<16xf32>, vector<16xf32>, vector<16xf32>, vector<16xf32>, vector<16xf32>, vector<16xf32>, vector<16xf32>, vector<16xf32>, vector<16xf32>, vector<16xf32>, vector<16xf32>, vector<16xf32>, vector<16xf32>, vector<16xf32>, vector<16xf32>, vector<16xf32>, vector<16xf32>, vector<16xf32>, vector<16xf32>, vector<16xf32>, vector<16xf32>, vector<16xf32>, vector<16xf32>, vector<16xf32>, vector<16xf32>, vector<16xf32>, vector<16xf32>, vector<16xf32>, vector<16xf32>, vector<16xf32>)  : i32 {
      %add3A_669 = arith.constant 1 : i32
      %add3A_670 = arith.addi %scan3A_636, %add3A_669 : i32
      %get3A_671 = arith.constant 0 : i32
      %get3A_672 = arith.constant 0 : i32
      %get3A_673 = arith.index_cast %add3A_670 : i32 to index
      %get3A_674 = arith.index_cast %get3A_671 : i32 to index
      %get3A_675 = arith.index_cast %get3A_672 : i32 to index
      %get3A_676 = arith.constant 0 : index
      %get3A_677 = tpu.vector_load %arg6[%get3A_673, %get3A_674, %get3A_675, %get3A_676] {strides = array<i32>} : memref<68x1x2x128xf32, #tpu.memory_space<vmem>>, vector<16xf32>,
      %add3A_678 = arith.constant 1 : i32
      %add3A_679 = arith.addi %scan3A_636, %add3A_678 : i32
      %get3A_680 = arith.constant 0 : i32
      %get3A_681 = arith.constant 1 : i32
      %get3A_682 = arith.index_cast %add3A_679 : i32 to index
      %get3A_683 = arith.index_cast %get3A_680 : i32 to index
      %get3A_684 = arith.index_cast %get3A_681 : i32 to index
      %get3A_685 = arith.constant 0 : index
      %get3A_686 = tpu.vector_load %arg6[%get3A_682, %get3A_683, %get3A_684, %get3A_685] {strides = array<i32>} : memref<68x1x2x128xf32, #tpu.memory_space<vmem>>, vector<16xf32>,
      %get3A_687 = arith.index_cast %scan3A_636 : i32 to index
      %get3A_688 = arith.constant 0 : index
      %get3A_689 = tpu.vector_load %arg8[%get3A_687, %get3A_688] {strides = array<i32>} : memref<67x128xf32, #tpu.memory_space<vmem>>, vector<16xf32>,
      %sub3A = arith.subf %scan3A_637, %get3A_677 : vector<16xf32>
      %abs3A = math.absf %sub3A : vector<16xf32>
      %sub3A_690 = arith.subf %scan3A_645, %get3A_686 : vector<16xf32>
      %abs3A_691 = math.absf %sub3A_690 : vector<16xf32>
      %add3A_692 = arith.addf %abs3A, %abs3A_691 : vector<16xf32>
      %mul3A_693 = arith.mulf %add3A_692, %get3A_689 : vector<16xf32>
      %add3A_694 = arith.addf %scan3A_653, %mul3A_693 : vector<16xf32>
      %add3A_695 = arith.addf %scan3A_661, %get3A_689 : vector<16xf32>
      %add3A_696 = arith.constant 1 : i32
      %add3A_697 = arith.addi %scan3A_636, %add3A_696 : i32
      %get3A_698 = arith.constant 0 : i32
      %get3A_699 = arith.constant 0 : i32
      %get3A_700 = arith.index_cast %add3A_697 : i32 to index
      %get3A_701 = arith.index_cast %get3A_698 : i32 to index
      %get3A_702 = arith.index_cast %get3A_699 : i32 to index
      %get3A_703 = arith.constant 16 : index
      %get3A_704 = tpu.vector_load %arg6[%get3A_700, %get3A_701, %get3A_702, %get3A_703] {strides = array<i32>} : memref<68x1x2x128xf32, #tpu.memory_space<vmem>>, vector<16xf32>,
      %add3A_705 = arith.constant 1 : i32
      %add3A_706 = arith.addi %scan3A_636, %add3A_705 : i32
      %get3A_707 = arith.constant 0 : i32
      %get3A_708 = arith.constant 1 : i32
      %get3A_709 = arith.index_cast %add3A_706 : i32 to index
      %get3A_710 = arith.index_cast %get3A_707 : i32 to index
      %get3A_711 = arith.index_cast %get3A_708 : i32 to index
      %get3A_712 = arith.constant 16 : index
      %get3A_713 = tpu.vector_load %arg6[%get3A_709, %get3A_710, %get3A_711, %get3A_712] {strides = array<i32>} : memref<68x1x2x128xf32, #tpu.memory_space<vmem>>, vector<16xf32>,
      %get3A_714 = arith.index_cast %scan3A_636 : i32 to index
      %get3A_715 = arith.constant 16 : index
      %get3A_716 = tpu.vector_load %arg8[%get3A_714, %get3A_715] {strides = array<i32>} : memref<67x128xf32, #tpu.memory_space<vmem>>, vector<16xf32>,
      %sub3A_717 = arith.subf %scan3A_638, %get3A_704 : vector<16xf32>
      %abs3A_718 = math.absf %sub3A_717 : vector<16xf32>
      %sub3A_719 = arith.subf %scan3A_646, %get3A_713 : vector<16xf32>
      %abs3A_720 = math.absf %sub3A_719 : vector<16xf32>
      %add3A_721 = arith.addf %abs3A_718, %abs3A_720 : vector<16xf32>
      %mul3A_722 = arith.mulf %add3A_721, %get3A_716 : vector<16xf32>
      %add3A_723 = arith.addf %scan3A_654, %mul3A_722 : vector<16xf32>
      %add3A_724 = arith.addf %scan3A_662, %get3A_716 : vector<16xf32>
      %add3A_725 = arith.constant 1 : i32
      %add3A_726 = arith.addi %scan3A_636, %add3A_725 : i32
      %get3A_727 = arith.constant 0 : i32
      %get3A_728 = arith.constant 0 : i32
      %get3A_729 = arith.index_cast %add3A_726 : i32 to index
      %get3A_730 = arith.index_cast %get3A_727 : i32 to index
      %get3A_731 = arith.index_cast %get3A_728 : i32 to index
      %get3A_732 = arith.constant 32 : index
      %get3A_733 = tpu.vector_load %arg6[%get3A_729, %get3A_730, %get3A_731, %get3A_732] {strides = array<i32>} : memref<68x1x2x128xf32, #tpu.memory_space<vmem>>, vector<16xf32>,
      %add3A_734 = arith.constant 1 : i32
      %add3A_735 = arith.addi %scan3A_636, %add3A_734 : i32
      %get3A_736 = arith.constant 0 : i32
      %get3A_737 = arith.constant 1 : i32
      %get3A_738 = arith.index_cast %add3A_735 : i32 to index
      %get3A_739 = arith.index_cast %get3A_736 : i32 to index
      %get3A_740 = arith.index_cast %get3A_737 : i32 to index
      %get3A_741 = arith.constant 32 : index
      %get3A_742 = tpu.vector_load %arg6[%get3A_738, %get3A_739, %get3A_740, %get3A_741] {strides = array<i32>} : memref<68x1x2x128xf32, #tpu.memory_space<vmem>>, vector<16xf32>,
      %get3A_743 = arith.index_cast %scan3A_636 : i32 to index
      %get3A_744 = arith.constant 32 : index
      %get3A_745 = tpu.vector_load %arg8[%get3A_743, %get3A_744] {strides = array<i32>} : memref<67x128xf32, #tpu.memory_space<vmem>>, vector<16xf32>,
      %sub3A_746 = arith.subf %scan3A_639, %get3A_733 : vector<16xf32>
      %abs3A_747 = math.absf %sub3A_746 : vector<16xf32>
      %sub3A_748 = arith.subf %scan3A_647, %get3A_742 : vector<16xf32>
      %abs3A_749 = math.absf %sub3A_748 : vector<16xf32>
      %add3A_750 = arith.addf %abs3A_747, %abs3A_749 : vector<16xf32>
      %mul3A_751 = arith.mulf %add3A_750, %get3A_745 : vector<16xf32>
      %add3A_752 = arith.addf %scan3A_655, %mul3A_751 : vector<16xf32>
      %add3A_753 = arith.addf %scan3A_663, %get3A_745 : vector<16xf32>
      %add3A_754 = arith.constant 1 : i32
      %add3A_755 = arith.addi %scan3A_636, %add3A_754 : i32
      %get3A_756 = arith.constant 0 : i32
      %get3A_757 = arith.constant 0 : i32
      %get3A_758 = arith.index_cast %add3A_755 : i32 to index
      %get3A_759 = arith.index_cast %get3A_756 : i32 to index
      %get3A_760 = arith.index_cast %get3A_757 : i32 to index
      %get3A_761 = arith.constant 48 : index
      %get3A_762 = tpu.vector_load %arg6[%get3A_758, %get3A_759, %get3A_760, %get3A_761] {strides = array<i32>} : memref<68x1x2x128xf32, #tpu.memory_space<vmem>>, vector<16xf32>,
      %add3A_763 = arith.constant 1 : i32
      %add3A_764 = arith.addi %scan3A_636, %add3A_763 : i32
      %get3A_765 = arith.constant 0 : i32
      %get3A_766 = arith.constant 1 : i32
      %get3A_767 = arith.index_cast %add3A_764 : i32 to index
      %get3A_768 = arith.index_cast %get3A_765 : i32 to index
      %get3A_769 = arith.index_cast %get3A_766 : i32 to index
      %get3A_770 = arith.constant 48 : index
      %get3A_771 = tpu.vector_load %arg6[%get3A_767, %get3A_768, %get3A_769, %get3A_770] {strides = array<i32>} : memref<68x1x2x128xf32, #tpu.memory_space<vmem>>, vector<16xf32>,
      %get3A_772 = arith.index_cast %scan3A_636 : i32 to index
      %get3A_773 = arith.constant 48 : index
      %get3A_774 = tpu.vector_load %arg8[%get3A_772, %get3A_773] {strides = array<i32>} : memref<67x128xf32, #tpu.memory_space<vmem>>, vector<16xf32>,
      %sub3A_775 = arith.subf %scan3A_640, %get3A_762 : vector<16xf32>
      %abs3A_776 = math.absf %sub3A_775 : vector<16xf32>
      %sub3A_777 = arith.subf %scan3A_648, %get3A_771 : vector<16xf32>
      %abs3A_778 = math.absf %sub3A_777 : vector<16xf32>
      %add3A_779 = arith.addf %abs3A_776, %abs3A_778 : vector<16xf32>
      %mul3A_780 = arith.mulf %add3A_779, %get3A_774 : vector<16xf32>
      %add3A_781 = arith.addf %scan3A_656, %mul3A_780 : vector<16xf32>
      %add3A_782 = arith.addf %scan3A_664, %get3A_774 : vector<16xf32>
      %add3A_783 = arith.constant 1 : i32
      %add3A_784 = arith.addi %scan3A_636, %add3A_783 : i32
      %get3A_785 = arith.constant 0 : i32
      %get3A_786 = arith.constant 0 : i32
      %get3A_787 = arith.index_cast %add3A_784 : i32 to index
      %get3A_788 = arith.index_cast %get3A_785 : i32 to index
      %get3A_789 = arith.index_cast %get3A_786 : i32 to index
      %get3A_790 = arith.constant 64 : index
      %get3A_791 = tpu.vector_load %arg6[%get3A_787, %get3A_788, %get3A_789, %get3A_790] {strides = array<i32>} : memref<68x1x2x128xf32, #tpu.memory_space<vmem>>, vector<16xf32>,
      %add3A_792 = arith.constant 1 : i32
      %add3A_793 = arith.addi %scan3A_636, %add3A_792 : i32
      %get3A_794 = arith.constant 0 : i32
      %get3A_795 = arith.constant 1 : i32
      %get3A_796 = arith.index_cast %add3A_793 : i32 to index
      %get3A_797 = arith.index_cast %get3A_794 : i32 to index
      %get3A_798 = arith.index_cast %get3A_795 : i32 to index
      %get3A_799 = arith.constant 64 : index
      %get3A_800 = tpu.vector_load %arg6[%get3A_796, %get3A_797, %get3A_798, %get3A_799] {strides = array<i32>} : memref<68x1x2x128xf32, #tpu.memory_space<vmem>>, vector<16xf32>,
      %get3A_801 = arith.index_cast %scan3A_636 : i32 to index
      %get3A_802 = arith.constant 64 : index
      %get3A_803 = tpu.vector_load %arg8[%get3A_801, %get3A_802] {strides = array<i32>} : memref<67x128xf32, #tpu.memory_space<vmem>>, vector<16xf32>,
      %sub3A_804 = arith.subf %scan3A_641, %get3A_791 : vector<16xf32>
      %abs3A_805 = math.absf %sub3A_804 : vector<16xf32>
      %sub3A_806 = arith.subf %scan3A_649, %get3A_800 : vector<16xf32>
      %abs3A_807 = math.absf %sub3A_806 : vector<16xf32>
      %add3A_808 = arith.addf %abs3A_805, %abs3A_807 : vector<16xf32>
      %mul3A_809 = arith.mulf %add3A_808, %get3A_803 : vector<16xf32>
      %add3A_810 = arith.addf %scan3A_657, %mul3A_809 : vector<16xf32>
      %add3A_811 = arith.addf %scan3A_665, %get3A_803 : vector<16xf32>
      %add3A_812 = arith.constant 1 : i32
      %add3A_813 = arith.addi %scan3A_636, %add3A_812 : i32
      %get3A_814 = arith.constant 0 : i32
      %get3A_815 = arith.constant 0 : i32
      %get3A_816 = arith.index_cast %add3A_813 : i32 to index
      %get3A_817 = arith.index_cast %get3A_814 : i32 to index
      %get3A_818 = arith.index_cast %get3A_815 : i32 to index
      %get3A_819 = arith.constant 80 : index
      %get3A_820 = tpu.vector_load %arg6[%get3A_816, %get3A_817, %get3A_818, %get3A_819] {strides = array<i32>} : memref<68x1x2x128xf32, #tpu.memory_space<vmem>>, vector<16xf32>,
      %add3A_821 = arith.constant 1 : i32
      %add3A_822 = arith.addi %scan3A_636, %add3A_821 : i32
      %get3A_823 = arith.constant 0 : i32
      %get3A_824 = arith.constant 1 : i32
      %get3A_825 = arith.index_cast %add3A_822 : i32 to index
      %get3A_826 = arith.index_cast %get3A_823 : i32 to index
      %get3A_827 = arith.index_cast %get3A_824 : i32 to index
      %get3A_828 = arith.constant 80 : index
      %get3A_829 = tpu.vector_load %arg6[%get3A_825, %get3A_826, %get3A_827, %get3A_828] {strides = array<i32>} : memref<68x1x2x128xf32, #tpu.memory_space<vmem>>, vector<16xf32>,
      %get3A_830 = arith.index_cast %scan3A_636 : i32 to index
      %get3A_831 = arith.constant 80 : index
      %get3A_832 = tpu.vector_load %arg8[%get3A_830, %get3A_831] {strides = array<i32>} : memref<67x128xf32, #tpu.memory_space<vmem>>, vector<16xf32>,
      %sub3A_833 = arith.subf %scan3A_642, %get3A_820 : vector<16xf32>
      %abs3A_834 = math.absf %sub3A_833 : vector<16xf32>
      %sub3A_835 = arith.subf %scan3A_650, %get3A_829 : vector<16xf32>
      %abs3A_836 = math.absf %sub3A_835 : vector<16xf32>
      %add3A_837 = arith.addf %abs3A_834, %abs3A_836 : vector<16xf32>
      %mul3A_838 = arith.mulf %add3A_837, %get3A_832 : vector<16xf32>
      %add3A_839 = arith.addf %scan3A_658, %mul3A_838 : vector<16xf32>
      %add3A_840 = arith.addf %scan3A_666, %get3A_832 : vector<16xf32>
      %add3A_841 = arith.constant 1 : i32
      %add3A_842 = arith.addi %scan3A_636, %add3A_841 : i32
      %get3A_843 = arith.constant 0 : i32
      %get3A_844 = arith.constant 0 : i32
      %get3A_845 = arith.index_cast %add3A_842 : i32 to index
      %get3A_846 = arith.index_cast %get3A_843 : i32 to index
      %get3A_847 = arith.index_cast %get3A_844 : i32 to index
      %get3A_848 = arith.constant 96 : index
      %get3A_849 = tpu.vector_load %arg6[%get3A_845, %get3A_846, %get3A_847, %get3A_848] {strides = array<i32>} : memref<68x1x2x128xf32, #tpu.memory_space<vmem>>, vector<16xf32>,
      %add3A_850 = arith.constant 1 : i32
      %add3A_851 = arith.addi %scan3A_636, %add3A_850 : i32
      %get3A_852 = arith.constant 0 : i32
      %get3A_853 = arith.constant 1 : i32
      %get3A_854 = arith.index_cast %add3A_851 : i32 to index
      %get3A_855 = arith.index_cast %get3A_852 : i32 to index
      %get3A_856 = arith.index_cast %get3A_853 : i32 to index
      %get3A_857 = arith.constant 96 : index
      %get3A_858 = tpu.vector_load %arg6[%get3A_854, %get3A_855, %get3A_856, %get3A_857] {strides = array<i32>} : memref<68x1x2x128xf32, #tpu.memory_space<vmem>>, vector<16xf32>,
      %get3A_859 = arith.index_cast %scan3A_636 : i32 to index
      %get3A_860 = arith.constant 96 : index
      %get3A_861 = tpu.vector_load %arg8[%get3A_859, %get3A_860] {strides = array<i32>} : memref<67x128xf32, #tpu.memory_space<vmem>>, vector<16xf32>,
      %sub3A_862 = arith.subf %scan3A_643, %get3A_849 : vector<16xf32>
      %abs3A_863 = math.absf %sub3A_862 : vector<16xf32>
      %sub3A_864 = arith.subf %scan3A_651, %get3A_858 : vector<16xf32>
      %abs3A_865 = math.absf %sub3A_864 : vector<16xf32>
      %add3A_866 = arith.addf %abs3A_863, %abs3A_865 : vector<16xf32>
      %mul3A_867 = arith.mulf %add3A_866, %get3A_861 : vector<16xf32>
      %add3A_868 = arith.addf %scan3A_659, %mul3A_867 : vector<16xf32>
      %add3A_869 = arith.addf %scan3A_667, %get3A_861 : vector<16xf32>
      %add3A_870 = arith.constant 1 : i32
      %add3A_871 = arith.addi %scan3A_636, %add3A_870 : i32
      %get3A_872 = arith.constant 0 : i32
      %get3A_873 = arith.constant 0 : i32
      %get3A_874 = arith.index_cast %add3A_871 : i32 to index
      %get3A_875 = arith.index_cast %get3A_872 : i32 to index
      %get3A_876 = arith.index_cast %get3A_873 : i32 to index
      %get3A_877 = arith.constant 112 : index
      %get3A_878 = tpu.vector_load %arg6[%get3A_874, %get3A_875, %get3A_876, %get3A_877] {strides = array<i32>} : memref<68x1x2x128xf32, #tpu.memory_space<vmem>>, vector<16xf32>,
      %add3A_879 = arith.constant 1 : i32
      %add3A_880 = arith.addi %scan3A_636, %add3A_879 : i32
      %get3A_881 = arith.constant 0 : i32
      %get3A_882 = arith.constant 1 : i32
      %get3A_883 = arith.index_cast %add3A_880 : i32 to index
      %get3A_884 = arith.index_cast %get3A_881 : i32 to index
      %get3A_885 = arith.index_cast %get3A_882 : i32 to index
      %get3A_886 = arith.constant 112 : index
      %get3A_887 = tpu.vector_load %arg6[%get3A_883, %get3A_884, %get3A_885, %get3A_886] {strides = array<i32>} : memref<68x1x2x128xf32, #tpu.memory_space<vmem>>, vector<16xf32>,
      %get3A_888 = arith.index_cast %scan3A_636 : i32 to index
      %get3A_889 = arith.constant 112 : index
      %get3A_890 = tpu.vector_load %arg8[%get3A_888, %get3A_889] {strides = array<i32>} : memref<67x128xf32, #tpu.memory_space<vmem>>, vector<16xf32>,
      %sub3A_891 = arith.subf %scan3A_644, %get3A_878 : vector<16xf32>
      %abs3A_892 = math.absf %sub3A_891 : vector<16xf32>
      %sub3A_893 = arith.subf %scan3A_652, %get3A_887 : vector<16xf32>
      %abs3A_894 = math.absf %sub3A_893 : vector<16xf32>
      %add3A_895 = arith.addf %abs3A_892, %abs3A_894 : vector<16xf32>
      %mul3A_896 = arith.mulf %add3A_895, %get3A_890 : vector<16xf32>
      %add3A_897 = arith.addf %scan3A_660, %mul3A_896 : vector<16xf32>
      %add3A_898 = arith.addf %scan3A_668, %get3A_890 : vector<16xf32>
      scf.yield %get3A_677, %get3A_704, %get3A_733, %get3A_762, %get3A_791, %get3A_820, %get3A_849, %get3A_878, %get3A_686, %get3A_713, %get3A_742, %get3A_771, %get3A_800, %get3A_829, %get3A_858, %get3A_887, %add3A_694, %add3A_723, %add3A_752, %add3A_781, %add3A_810, %add3A_839, %add3A_868, %add3A_897, %add3A_695, %add3A_724, %add3A_753, %add3A_782, %add3A_811, %add3A_840, %add3A_869, %add3A_898 : vector<16xf32>, vector<16xf32>, vector<16xf32>, vector<16xf32>, vector<16xf32>, vector<16xf32>, vector<16xf32>, vector<16xf32>, vector<16xf32>, vector<16xf32>, vector<16xf32>, vector<16xf32>, vector<16xf32>, vector<16xf32>, vector<16xf32>, vector<16xf32>, vector<16xf32>, vector<16xf32>, vector<16xf32>, vector<16xf32>, vector<16xf32>, vector<16xf32>, vector<16xf32>, vector<16xf32>, vector<16xf32>, vector<16xf32>, vector<16xf32>, vector<16xf32>, vector<16xf32>, vector<16xf32>, vector<16xf32>, vector<16xf32>
    }
    %scan3A_395 = arith.constant 67 : i32
    %max3A_396 = arith.constant 1.000000e+00 : f32
    %max3A_397 = vector.broadcast %max3A_396 : f32 to vector<16xf32>
    %max3A_398 = arith.maximumf %scan3A_394#24, %max3A_397 : vector<16xf32>
    %div3A_399 = arith.divf %scan3A_394#16, %max3A_398 : vector<16xf32>
    %add3A_400 = arith.addf %add3A_190, %div3A_399 : vector<16xf32>
    %max3A_401 = arith.constant 1.000000e+00 : f32
    %max3A_402 = vector.broadcast %max3A_401 : f32 to vector<16xf32>
    %max3A_403 = arith.maximumf %scan3A_394#25, %max3A_402 : vector<16xf32>
    %div3A_404 = arith.divf %scan3A_394#17, %max3A_403 : vector<16xf32>
    %add3A_405 = arith.addf %add3A_195, %div3A_404 : vector<16xf32>
    %max3A_406 = arith.constant 1.000000e+00 : f32
    %max3A_407 = vector.broadcast %max3A_406 : f32 to vector<16xf32>
    %max3A_408 = arith.maximumf %scan3A_394#26, %max3A_407 : vector<16xf32>
    %div3A_409 = arith.divf %scan3A_394#18, %max3A_408 : vector<16xf32>
    %add3A_410 = arith.addf %add3A_200, %div3A_409 : vector<16xf32>
    %max3A_411 = arith.constant 1.000000e+00 : f32
    %max3A_412 = vector.broadcast %max3A_411 : f32 to vector<16xf32>
    %max3A_413 = arith.maximumf %scan3A_394#27, %max3A_412 : vector<16xf32>
    %div3A_414 = arith.divf %scan3A_394#19, %max3A_413 : vector<16xf32>
    %add3A_415 = arith.addf %add3A_205, %div3A_414 : vector<16xf32>
    %max3A_416 = arith.constant 1.000000e+00 : f32
    %max3A_417 = vector.broadcast %max3A_416 : f32 to vector<16xf32>
    %max3A_418 = arith.maximumf %scan3A_394#28, %max3A_417 : vector<16xf32>
    %div3A_419 = arith.divf %scan3A_394#20, %max3A_418 : vector<16xf32>
    %add3A_420 = arith.addf %add3A_210, %div3A_419 : vector<16xf32>
    %max3A_421 = arith.constant 1.000000e+00 : f32
    %max3A_422 = vector.broadcast %max3A_421 : f32 to vector<16xf32>
    %max3A_423 = arith.maximumf %scan3A_394#29, %max3A_422 : vector<16xf32>
    %div3A_424 = arith.divf %scan3A_394#21, %max3A_423 : vector<16xf32>
    %add3A_425 = arith.addf %add3A_215, %div3A_424 : vector<16xf32>
    %max3A_426 = arith.constant 1.000000e+00 : f32
    %max3A_427 = vector.broadcast %max3A_426 : f32 to vector<16xf32>
    %max3A_428 = arith.maximumf %scan3A_394#30, %max3A_427 : vector<16xf32>
    %div3A_429 = arith.divf %scan3A_394#22, %max3A_428 : vector<16xf32>
    %add3A_430 = arith.addf %add3A_220, %div3A_429 : vector<16xf32>
    %max3A_431 = arith.constant 1.000000e+00 : f32
    %max3A_432 = vector.broadcast %max3A_431 : f32 to vector<16xf32>
    %max3A_433 = arith.maximumf %scan3A_394#31, %max3A_432 : vector<16xf32>
    %div3A_434 = arith.divf %scan3A_394#23, %max3A_433 : vector<16xf32>
    %add3A_435 = arith.addf %add3A_225, %div3A_434 : vector<16xf32>
    %add3A_436 = arith.constant 2 : i32
    %add3A_437 = arith.addi %mul3A_2, %add3A_436 : i32
    %dma_wait3A_438 = arith.constant 0 : i32
    %dma_wait3A_439 = arith.constant 0 : i32
    %dma_wait3A_440 = arith.constant 0 : i32
    %dma_wait3A_441 = tpu.memref_slice %arg2[%dma_wait3A_438, %add3A_437, %dma_wait3A_439, %dma_wait3A_440] : memref<68x128x2x128xf32, #tpu.memory_space<hbm>> -> memref<68x1x2x128xf32, #tpu.memory_space<hbm>>
    %dma_wait3A_442 = arith.constant 0 : i32
    %dma_wait3A_443 = arith.constant 0 : i32
    %dma_wait3A_444 = arith.constant 0 : i32
    %dma_wait3A_445 = tpu.memref_slice %arg2[%dma_wait3A_442, %add3A_437, %dma_wait3A_443, %dma_wait3A_444] : memref<68x128x2x128xf32, #tpu.memory_space<hbm>> -> memref<68x1x2x128xf32, #tpu.memory_space<hbm>>
    tpu.wait_dma2 semaphore(%arg10 : memref<!tpu.dma_semaphore, #tpu.memory_space<semaphore_mem>>) src(%dma_wait3A_445 : memref<68x1x2x128xf32, #tpu.memory_space<hbm>>) dst(%arg5 : memref<68x1x2x128xf32, #tpu.memory_space<vmem>>)
    %add3A_446 = arith.constant 2 : i32
    %add3A_447 = arith.addi %mul3A_2, %add3A_446 : i32
    %mul3A_448 = arith.constant 128 : i32
    %mul3A_449 = arith.muli %add3A_447, %mul3A_448 : i32
    %dma_wait3A_450 = arith.constant 0 : i32
    %dma_wait3A_451 = tpu.memref_slice %arg3[%dma_wait3A_450, %mul3A_449] : memref<67x16384xf32, #tpu.memory_space<hbm>> -> memref<67x128xf32, #tpu.memory_space<hbm>>
    %dma_wait3A_452 = arith.constant 0 : i32
    %dma_wait3A_453 = tpu.memref_slice %arg3[%dma_wait3A_452, %mul3A_449] : memref<67x16384xf32, #tpu.memory_space<hbm>> -> memref<67x128xf32, #tpu.memory_space<hbm>>
    tpu.wait_dma2 semaphore(%arg10 : memref<!tpu.dma_semaphore, #tpu.memory_space<semaphore_mem>>) src(%dma_wait3A_453 : memref<67x128xf32, #tpu.memory_space<hbm>>) dst(%arg7 : memref<67x128xf32, #tpu.memory_space<vmem>>)
    %get3A_454 = arith.constant 0 : i32
    %get3A_455 = arith.constant 0 : i32
    %get3A_456 = arith.constant 0 : i32
    %get3A_457 = arith.index_cast %get3A_454 : i32 to index
    %get3A_458 = arith.index_cast %get3A_455 : i32 to index
    %get3A_459 = arith.index_cast %get3A_456 : i32 to index
    %get3A_460 = arith.constant 0 : index
    %get3A_461 = tpu.vector_load %arg5[%get3A_457, %get3A_458, %get3A_459, %get3A_460] {strides = array<i32>} : memref<68x1x2x128xf32, #tpu.memory_space<vmem>>, vector<16xf32>,
    %get3A_462 = arith.constant 0 : i32
    %get3A_463 = arith.constant 0 : i32
    %get3A_464 = arith.constant 0 : i32
    %get3A_465 = arith.index_cast %get3A_462 : i32 to index
    %get3A_466 = arith.index_cast %get3A_463 : i32 to index
    %get3A_467 = arith.index_cast %get3A_464 : i32 to index
    %get3A_468 = arith.constant 16 : index
    %get3A_469 = tpu.vector_load %arg5[%get3A_465, %get3A_466, %get3A_467, %get3A_468] {strides = array<i32>} : memref<68x1x2x128xf32, #tpu.memory_space<vmem>>, vector<16xf32>,
    %get3A_470 = arith.constant 0 : i32
    %get3A_471 = arith.constant 0 : i32
    %get3A_472 = arith.constant 0 : i32
    %get3A_473 = arith.index_cast %get3A_470 : i32 to index
    %get3A_474 = arith.index_cast %get3A_471 : i32 to index
    %get3A_475 = arith.index_cast %get3A_472 : i32 to index
    %get3A_476 = arith.constant 32 : index
    %get3A_477 = tpu.vector_load %arg5[%get3A_473, %get3A_474, %get3A_475, %get3A_476] {strides = array<i32>} : memref<68x1x2x128xf32, #tpu.memory_space<vmem>>, vector<16xf32>,
    %get3A_478 = arith.constant 0 : i32
    %get3A_479 = arith.constant 0 : i32
    %get3A_480 = arith.constant 0 : i32
    %get3A_481 = arith.index_cast %get3A_478 : i32 to index
    %get3A_482 = arith.index_cast %get3A_479 : i32 to index
    %get3A_483 = arith.index_cast %get3A_480 : i32 to index
    %get3A_484 = arith.constant 48 : index
    %get3A_485 = tpu.vector_load %arg5[%get3A_481, %get3A_482, %get3A_483, %get3A_484] {strides = array<i32>} : memref<68x1x2x128xf32, #tpu.memory_space<vmem>>, vector<16xf32>,
    %get3A_486 = arith.constant 0 : i32
    %get3A_487 = arith.constant 0 : i32
    %get3A_488 = arith.constant 0 : i32
    %get3A_489 = arith.index_cast %get3A_486 : i32 to index
    %get3A_490 = arith.index_cast %get3A_487 : i32 to index
    %get3A_491 = arith.index_cast %get3A_488 : i32 to index
    %get3A_492 = arith.constant 64 : index
    %get3A_493 = tpu.vector_load %arg5[%get3A_489, %get3A_490, %get3A_491, %get3A_492] {strides = array<i32>} : memref<68x1x2x128xf32, #tpu.memory_space<vmem>>, vector<16xf32>,
    %get3A_494 = arith.constant 0 : i32
    %get3A_495 = arith.constant 0 : i32
    %get3A_496 = arith.constant 0 : i32
    %get3A_497 = arith.index_cast %get3A_494 : i32 to index
    %get3A_498 = arith.index_cast %get3A_495 : i32 to index
    %get3A_499 = arith.index_cast %get3A_496 : i32 to index
    %get3A_500 = arith.constant 80 : index
    %get3A_501 = tpu.vector_load %arg5[%get3A_497, %get3A_498, %get3A_499, %get3A_500] {strides = array<i32>} : memref<68x1x2x128xf32, #tpu.memory_space<vmem>>, vector<16xf32>,
    %get3A_502 = arith.constant 0 : i32
    %get3A_503 = arith.constant 0 : i32
    %get3A_504 = arith.constant 0 : i32
    %get3A_505 = arith.index_cast %get3A_502 : i32 to index
    %get3A_506 = arith.index_cast %get3A_503 : i32 to index
    %get3A_507 = arith.index_cast %get3A_504 : i32 to index
    %get3A_508 = arith.constant 96 : index
    %get3A_509 = tpu.vector_load %arg5[%get3A_505, %get3A_506, %get3A_507, %get3A_508] {strides = array<i32>} : memref<68x1x2x128xf32, #tpu.memory_space<vmem>>, vector<16xf32>,
    %get3A_510 = arith.constant 0 : i32
    %get3A_511 = arith.constant 0 : i32
    %get3A_512 = arith.constant 0 : i32
    %get3A_513 = arith.index_cast %get3A_510 : i32 to index
    %get3A_514 = arith.index_cast %get3A_511 : i32 to index
    %get3A_515 = arith.index_cast %get3A_512 : i32 to index
    %get3A_516 = arith.constant 112 : index
    %get3A_517 = tpu.vector_load %arg5[%get3A_513, %get3A_514, %get3A_515, %get3A_516] {strides = array<i32>} : memref<68x1x2x128xf32, #tpu.memory_space<vmem>>, vector<16xf32>,
    %get3A_518 = arith.constant 0 : i32
    %get3A_519 = arith.constant 0 : i32
    %get3A_520 = arith.constant 1 : i32
    %get3A_521 = arith.index_cast %get3A_518 : i32 to index
    %get3A_522 = arith.index_cast %get3A_519 : i32 to index
    %get3A_523 = arith.index_cast %get3A_520 : i32 to index
    %get3A_524 = arith.constant 0 : index
    %get3A_525 = tpu.vector_load %arg5[%get3A_521, %get3A_522, %get3A_523, %get3A_524] {strides = array<i32>} : memref<68x1x2x128xf32, #tpu.memory_space<vmem>>, vector<16xf32>,
    %get3A_526 = arith.constant 0 : i32
    %get3A_527 = arith.constant 0 : i32
    %get3A_528 = arith.constant 1 : i32
    %get3A_529 = arith.index_cast %get3A_526 : i32 to index
    %get3A_530 = arith.index_cast %get3A_527 : i32 to index
    %get3A_531 = arith.index_cast %get3A_528 : i32 to index
    %get3A_532 = arith.constant 16 : index
    %get3A_533 = tpu.vector_load %arg5[%get3A_529, %get3A_530, %get3A_531, %get3A_532] {strides = array<i32>} : memref<68x1x2x128xf32, #tpu.memory_space<vmem>>, vector<16xf32>,
    %get3A_534 = arith.constant 0 : i32
    %get3A_535 = arith.constant 0 : i32
    %get3A_536 = arith.constant 1 : i32
    %get3A_537 = arith.index_cast %get3A_534 : i32 to index
    %get3A_538 = arith.index_cast %get3A_535 : i32 to index
    %get3A_539 = arith.index_cast %get3A_536 : i32 to index
    %get3A_540 = arith.constant 32 : index
    %get3A_541 = tpu.vector_load %arg5[%get3A_537, %get3A_538, %get3A_539, %get3A_540] {strides = array<i32>} : memref<68x1x2x128xf32, #tpu.memory_space<vmem>>, vector<16xf32>,
    %get3A_542 = arith.constant 0 : i32
    %get3A_543 = arith.constant 0 : i32
    %get3A_544 = arith.constant 1 : i32
    %get3A_545 = arith.index_cast %get3A_542 : i32 to index
    %get3A_546 = arith.index_cast %get3A_543 : i32 to index
    %get3A_547 = arith.index_cast %get3A_544 : i32 to index
    %get3A_548 = arith.constant 48 : index
    %get3A_549 = tpu.vector_load %arg5[%get3A_545, %get3A_546, %get3A_547, %get3A_548] {strides = array<i32>} : memref<68x1x2x128xf32, #tpu.memory_space<vmem>>, vector<16xf32>,
    %get3A_550 = arith.constant 0 : i32
    %get3A_551 = arith.constant 0 : i32
    %get3A_552 = arith.constant 1 : i32
    %get3A_553 = arith.index_cast %get3A_550 : i32 to index
    %get3A_554 = arith.index_cast %get3A_551 : i32 to index
    %get3A_555 = arith.index_cast %get3A_552 : i32 to index
    %get3A_556 = arith.constant 64 : index
    %get3A_557 = tpu.vector_load %arg5[%get3A_553, %get3A_554, %get3A_555, %get3A_556] {strides = array<i32>} : memref<68x1x2x128xf32, #tpu.memory_space<vmem>>, vector<16xf32>,
    %get3A_558 = arith.constant 0 : i32
    %get3A_559 = arith.constant 0 : i32
    %get3A_560 = arith.constant 1 : i32
    %get3A_561 = arith.index_cast %get3A_558 : i32 to index
    %get3A_562 = arith.index_cast %get3A_559 : i32 to index
    %get3A_563 = arith.index_cast %get3A_560 : i32 to index
    %get3A_564 = arith.constant 80 : index
    %get3A_565 = tpu.vector_load %arg5[%get3A_561, %get3A_562, %get3A_563, %get3A_564] {strides = array<i32>} : memref<68x1x2x128xf32, #tpu.memory_space<vmem>>, vector<16xf32>,
    %get3A_566 = arith.constant 0 : i32
    %get3A_567 = arith.constant 0 : i32
    %get3A_568 = arith.constant 1 : i32
    %get3A_569 = arith.index_cast %get3A_566 : i32 to index
    %get3A_570 = arith.index_cast %get3A_567 : i32 to index
    %get3A_571 = arith.index_cast %get3A_568 : i32 to index
    %get3A_572 = arith.constant 96 : index
    %get3A_573 = tpu.vector_load %arg5[%get3A_569, %get3A_570, %get3A_571, %get3A_572] {strides = array<i32>} : memref<68x1x2x128xf32, #tpu.memory_space<vmem>>, vector<16xf32>,
    %get3A_574 = arith.constant 0 : i32
    %get3A_575 = arith.constant 0 : i32
    %get3A_576 = arith.constant 1 : i32
    %get3A_577 = arith.index_cast %get3A_574 : i32 to index
    %get3A_578 = arith.index_cast %get3A_575 : i32 to index
    %get3A_579 = arith.index_cast %get3A_576 : i32 to index
    %get3A_580 = arith.constant 112 : index
    %get3A_581 = tpu.vector_load %arg5[%get3A_577, %get3A_578, %get3A_579, %get3A_580] {strides = array<i32>} : memref<68x1x2x128xf32, #tpu.memory_space<vmem>>, vector<16xf32>,
    %scan3A_582 = arith.constant 0 : i32
    %scan3A_583 = arith.constant 67 : i32
    %scan3A_584 = arith.addi %scan3A_582, %scan3A_583 : i32
    %scan3A_585 = arith.constant 1 : i32
    %scan3A_586:32 = scf.for %scan3A_636 = %scan3A_582 to %scan3A_584 step %scan3A_585 iter_args(%scan3A_637 = %get3A_461, %scan3A_638 = %get3A_469, %scan3A_639 = %get3A_477, %scan3A_640 = %get3A_485, %scan3A_641 = %get3A_493, %scan3A_642 = %get3A_501, %scan3A_643 = %get3A_509, %scan3A_644 = %get3A_517, %scan3A_645 = %get3A_525, %scan3A_646 = %get3A_533, %scan3A_647 = %get3A_541, %scan3A_648 = %get3A_549, %scan3A_649 = %get3A_557, %scan3A_650 = %get3A_565, %scan3A_651 = %get3A_573, %scan3A_652 = %get3A_581, %scan3A_653 = %broadcast_in_dim3A_20, %scan3A_654 = %broadcast_in_dim3A_20, %scan3A_655 = %broadcast_in_dim3A_20, %scan3A_656 = %broadcast_in_dim3A_20, %scan3A_657 = %broadcast_in_dim3A_20, %scan3A_658 = %broadcast_in_dim3A_20, %scan3A_659 = %broadcast_in_dim3A_20, %scan3A_660 = %broadcast_in_dim3A_20, %scan3A_661 = %broadcast_in_dim3A_20, %scan3A_662 = %broadcast_in_dim3A_20, %scan3A_663 = %broadcast_in_dim3A_20, %scan3A_664 = %broadcast_in_dim3A_20, %scan3A_665 = %broadcast_in_dim3A_20, %scan3A_666 = %broadcast_in_dim3A_20, %scan3A_667 = %broadcast_in_dim3A_20, %scan3A_668 = %broadcast_in_dim3A_20) -> (vector<16xf32>, vector<16xf32>, vector<16xf32>, vector<16xf32>, vector<16xf32>, vector<16xf32>, vector<16xf32>, vector<16xf32>, vector<16xf32>, vector<16xf32>, vector<16xf32>, vector<16xf32>, vector<16xf32>, vector<16xf32>, vector<16xf32>, vector<16xf32>, vector<16xf32>, vector<16xf32>, vector<16xf32>, vector<16xf32>, vector<16xf32>, vector<16xf32>, vector<16xf32>, vector<16xf32>, vector<16xf32>, vector<16xf32>, vector<16xf32>, vector<16xf32>, vector<16xf32>, vector<16xf32>, vector<16xf32>, vector<16xf32>)  : i32 {
      %add3A_669 = arith.constant 1 : i32
      %add3A_670 = arith.addi %scan3A_636, %add3A_669 : i32
      %get3A_671 = arith.constant 0 : i32
      %get3A_672 = arith.constant 0 : i32
      %get3A_673 = arith.index_cast %add3A_670 : i32 to index
      %get3A_674 = arith.index_cast %get3A_671 : i32 to index
      %get3A_675 = arith.index_cast %get3A_672 : i32 to index
      %get3A_676 = arith.constant 0 : index
      %get3A_677 = tpu.vector_load %arg5[%get3A_673, %get3A_674, %get3A_675, %get3A_676] {strides = array<i32>} : memref<68x1x2x128xf32, #tpu.memory_space<vmem>>, vector<16xf32>,
      %add3A_678 = arith.constant 1 : i32
      %add3A_679 = arith.addi %scan3A_636, %add3A_678 : i32
      %get3A_680 = arith.constant 0 : i32
      %get3A_681 = arith.constant 1 : i32
      %get3A_682 = arith.index_cast %add3A_679 : i32 to index
      %get3A_683 = arith.index_cast %get3A_680 : i32 to index
      %get3A_684 = arith.index_cast %get3A_681 : i32 to index
      %get3A_685 = arith.constant 0 : index
      %get3A_686 = tpu.vector_load %arg5[%get3A_682, %get3A_683, %get3A_684, %get3A_685] {strides = array<i32>} : memref<68x1x2x128xf32, #tpu.memory_space<vmem>>, vector<16xf32>,
      %get3A_687 = arith.index_cast %scan3A_636 : i32 to index
      %get3A_688 = arith.constant 0 : index
      %get3A_689 = tpu.vector_load %arg7[%get3A_687, %get3A_688] {strides = array<i32>} : memref<67x128xf32, #tpu.memory_space<vmem>>, vector<16xf32>,
      %sub3A = arith.subf %scan3A_637, %get3A_677 : vector<16xf32>
      %abs3A = math.absf %sub3A : vector<16xf32>
      %sub3A_690 = arith.subf %scan3A_645, %get3A_686 : vector<16xf32>
      %abs3A_691 = math.absf %sub3A_690 : vector<16xf32>
      %add3A_692 = arith.addf %abs3A, %abs3A_691 : vector<16xf32>
      %mul3A_693 = arith.mulf %add3A_692, %get3A_689 : vector<16xf32>
      %add3A_694 = arith.addf %scan3A_653, %mul3A_693 : vector<16xf32>
      %add3A_695 = arith.addf %scan3A_661, %get3A_689 : vector<16xf32>
      %add3A_696 = arith.constant 1 : i32
      %add3A_697 = arith.addi %scan3A_636, %add3A_696 : i32
      %get3A_698 = arith.constant 0 : i32
      %get3A_699 = arith.constant 0 : i32
      %get3A_700 = arith.index_cast %add3A_697 : i32 to index
      %get3A_701 = arith.index_cast %get3A_698 : i32 to index
      %get3A_702 = arith.index_cast %get3A_699 : i32 to index
      %get3A_703 = arith.constant 16 : index
      %get3A_704 = tpu.vector_load %arg5[%get3A_700, %get3A_701, %get3A_702, %get3A_703] {strides = array<i32>} : memref<68x1x2x128xf32, #tpu.memory_space<vmem>>, vector<16xf32>,
      %add3A_705 = arith.constant 1 : i32
      %add3A_706 = arith.addi %scan3A_636, %add3A_705 : i32
      %get3A_707 = arith.constant 0 : i32
      %get3A_708 = arith.constant 1 : i32
      %get3A_709 = arith.index_cast %add3A_706 : i32 to index
      %get3A_710 = arith.index_cast %get3A_707 : i32 to index
      %get3A_711 = arith.index_cast %get3A_708 : i32 to index
      %get3A_712 = arith.constant 16 : index
      %get3A_713 = tpu.vector_load %arg5[%get3A_709, %get3A_710, %get3A_711, %get3A_712] {strides = array<i32>} : memref<68x1x2x128xf32, #tpu.memory_space<vmem>>, vector<16xf32>,
      %get3A_714 = arith.index_cast %scan3A_636 : i32 to index
      %get3A_715 = arith.constant 16 : index
      %get3A_716 = tpu.vector_load %arg7[%get3A_714, %get3A_715] {strides = array<i32>} : memref<67x128xf32, #tpu.memory_space<vmem>>, vector<16xf32>,
      %sub3A_717 = arith.subf %scan3A_638, %get3A_704 : vector<16xf32>
      %abs3A_718 = math.absf %sub3A_717 : vector<16xf32>
      %sub3A_719 = arith.subf %scan3A_646, %get3A_713 : vector<16xf32>
      %abs3A_720 = math.absf %sub3A_719 : vector<16xf32>
      %add3A_721 = arith.addf %abs3A_718, %abs3A_720 : vector<16xf32>
      %mul3A_722 = arith.mulf %add3A_721, %get3A_716 : vector<16xf32>
      %add3A_723 = arith.addf %scan3A_654, %mul3A_722 : vector<16xf32>
      %add3A_724 = arith.addf %scan3A_662, %get3A_716 : vector<16xf32>
      %add3A_725 = arith.constant 1 : i32
      %add3A_726 = arith.addi %scan3A_636, %add3A_725 : i32
      %get3A_727 = arith.constant 0 : i32
      %get3A_728 = arith.constant 0 : i32
      %get3A_729 = arith.index_cast %add3A_726 : i32 to index
      %get3A_730 = arith.index_cast %get3A_727 : i32 to index
      %get3A_731 = arith.index_cast %get3A_728 : i32 to index
      %get3A_732 = arith.constant 32 : index
      %get3A_733 = tpu.vector_load %arg5[%get3A_729, %get3A_730, %get3A_731, %get3A_732] {strides = array<i32>} : memref<68x1x2x128xf32, #tpu.memory_space<vmem>>, vector<16xf32>,
      %add3A_734 = arith.constant 1 : i32
      %add3A_735 = arith.addi %scan3A_636, %add3A_734 : i32
      %get3A_736 = arith.constant 0 : i32
      %get3A_737 = arith.constant 1 : i32
      %get3A_738 = arith.index_cast %add3A_735 : i32 to index
      %get3A_739 = arith.index_cast %get3A_736 : i32 to index
      %get3A_740 = arith.index_cast %get3A_737 : i32 to index
      %get3A_741 = arith.constant 32 : index
      %get3A_742 = tpu.vector_load %arg5[%get3A_738, %get3A_739, %get3A_740, %get3A_741] {strides = array<i32>} : memref<68x1x2x128xf32, #tpu.memory_space<vmem>>, vector<16xf32>,
      %get3A_743 = arith.index_cast %scan3A_636 : i32 to index
      %get3A_744 = arith.constant 32 : index
      %get3A_745 = tpu.vector_load %arg7[%get3A_743, %get3A_744] {strides = array<i32>} : memref<67x128xf32, #tpu.memory_space<vmem>>, vector<16xf32>,
      %sub3A_746 = arith.subf %scan3A_639, %get3A_733 : vector<16xf32>
      %abs3A_747 = math.absf %sub3A_746 : vector<16xf32>
      %sub3A_748 = arith.subf %scan3A_647, %get3A_742 : vector<16xf32>
      %abs3A_749 = math.absf %sub3A_748 : vector<16xf32>
      %add3A_750 = arith.addf %abs3A_747, %abs3A_749 : vector<16xf32>
      %mul3A_751 = arith.mulf %add3A_750, %get3A_745 : vector<16xf32>
      %add3A_752 = arith.addf %scan3A_655, %mul3A_751 : vector<16xf32>
      %add3A_753 = arith.addf %scan3A_663, %get3A_745 : vector<16xf32>
      %add3A_754 = arith.constant 1 : i32
      %add3A_755 = arith.addi %scan3A_636, %add3A_754 : i32
      %get3A_756 = arith.constant 0 : i32
      %get3A_757 = arith.constant 0 : i32
      %get3A_758 = arith.index_cast %add3A_755 : i32 to index
      %get3A_759 = arith.index_cast %get3A_756 : i32 to index
      %get3A_760 = arith.index_cast %get3A_757 : i32 to index
      %get3A_761 = arith.constant 48 : index
      %get3A_762 = tpu.vector_load %arg5[%get3A_758, %get3A_759, %get3A_760, %get3A_761] {strides = array<i32>} : memref<68x1x2x128xf32, #tpu.memory_space<vmem>>, vector<16xf32>,
      %add3A_763 = arith.constant 1 : i32
      %add3A_764 = arith.addi %scan3A_636, %add3A_763 : i32
      %get3A_765 = arith.constant 0 : i32
      %get3A_766 = arith.constant 1 : i32
      %get3A_767 = arith.index_cast %add3A_764 : i32 to index
      %get3A_768 = arith.index_cast %get3A_765 : i32 to index
      %get3A_769 = arith.index_cast %get3A_766 : i32 to index
      %get3A_770 = arith.constant 48 : index
      %get3A_771 = tpu.vector_load %arg5[%get3A_767, %get3A_768, %get3A_769, %get3A_770] {strides = array<i32>} : memref<68x1x2x128xf32, #tpu.memory_space<vmem>>, vector<16xf32>,
      %get3A_772 = arith.index_cast %scan3A_636 : i32 to index
      %get3A_773 = arith.constant 48 : index
      %get3A_774 = tpu.vector_load %arg7[%get3A_772, %get3A_773] {strides = array<i32>} : memref<67x128xf32, #tpu.memory_space<vmem>>, vector<16xf32>,
      %sub3A_775 = arith.subf %scan3A_640, %get3A_762 : vector<16xf32>
      %abs3A_776 = math.absf %sub3A_775 : vector<16xf32>
      %sub3A_777 = arith.subf %scan3A_648, %get3A_771 : vector<16xf32>
      %abs3A_778 = math.absf %sub3A_777 : vector<16xf32>
      %add3A_779 = arith.addf %abs3A_776, %abs3A_778 : vector<16xf32>
      %mul3A_780 = arith.mulf %add3A_779, %get3A_774 : vector<16xf32>
      %add3A_781 = arith.addf %scan3A_656, %mul3A_780 : vector<16xf32>
      %add3A_782 = arith.addf %scan3A_664, %get3A_774 : vector<16xf32>
      %add3A_783 = arith.constant 1 : i32
      %add3A_784 = arith.addi %scan3A_636, %add3A_783 : i32
      %get3A_785 = arith.constant 0 : i32
      %get3A_786 = arith.constant 0 : i32
      %get3A_787 = arith.index_cast %add3A_784 : i32 to index
      %get3A_788 = arith.index_cast %get3A_785 : i32 to index
      %get3A_789 = arith.index_cast %get3A_786 : i32 to index
      %get3A_790 = arith.constant 64 : index
      %get3A_791 = tpu.vector_load %arg5[%get3A_787, %get3A_788, %get3A_789, %get3A_790] {strides = array<i32>} : memref<68x1x2x128xf32, #tpu.memory_space<vmem>>, vector<16xf32>,
      %add3A_792 = arith.constant 1 : i32
      %add3A_793 = arith.addi %scan3A_636, %add3A_792 : i32
      %get3A_794 = arith.constant 0 : i32
      %get3A_795 = arith.constant 1 : i32
      %get3A_796 = arith.index_cast %add3A_793 : i32 to index
      %get3A_797 = arith.index_cast %get3A_794 : i32 to index
      %get3A_798 = arith.index_cast %get3A_795 : i32 to index
      %get3A_799 = arith.constant 64 : index
      %get3A_800 = tpu.vector_load %arg5[%get3A_796, %get3A_797, %get3A_798, %get3A_799] {strides = array<i32>} : memref<68x1x2x128xf32, #tpu.memory_space<vmem>>, vector<16xf32>,
      %get3A_801 = arith.index_cast %scan3A_636 : i32 to index
      %get3A_802 = arith.constant 64 : index
      %get3A_803 = tpu.vector_load %arg7[%get3A_801, %get3A_802] {strides = array<i32>} : memref<67x128xf32, #tpu.memory_space<vmem>>, vector<16xf32>,
      %sub3A_804 = arith.subf %scan3A_641, %get3A_791 : vector<16xf32>
      %abs3A_805 = math.absf %sub3A_804 : vector<16xf32>
      %sub3A_806 = arith.subf %scan3A_649, %get3A_800 : vector<16xf32>
      %abs3A_807 = math.absf %sub3A_806 : vector<16xf32>
      %add3A_808 = arith.addf %abs3A_805, %abs3A_807 : vector<16xf32>
      %mul3A_809 = arith.mulf %add3A_808, %get3A_803 : vector<16xf32>
      %add3A_810 = arith.addf %scan3A_657, %mul3A_809 : vector<16xf32>
      %add3A_811 = arith.addf %scan3A_665, %get3A_803 : vector<16xf32>
      %add3A_812 = arith.constant 1 : i32
      %add3A_813 = arith.addi %scan3A_636, %add3A_812 : i32
      %get3A_814 = arith.constant 0 : i32
      %get3A_815 = arith.constant 0 : i32
      %get3A_816 = arith.index_cast %add3A_813 : i32 to index
      %get3A_817 = arith.index_cast %get3A_814 : i32 to index
      %get3A_818 = arith.index_cast %get3A_815 : i32 to index
      %get3A_819 = arith.constant 80 : index
      %get3A_820 = tpu.vector_load %arg5[%get3A_816, %get3A_817, %get3A_818, %get3A_819] {strides = array<i32>} : memref<68x1x2x128xf32, #tpu.memory_space<vmem>>, vector<16xf32>,
      %add3A_821 = arith.constant 1 : i32
      %add3A_822 = arith.addi %scan3A_636, %add3A_821 : i32
      %get3A_823 = arith.constant 0 : i32
      %get3A_824 = arith.constant 1 : i32
      %get3A_825 = arith.index_cast %add3A_822 : i32 to index
      %get3A_826 = arith.index_cast %get3A_823 : i32 to index
      %get3A_827 = arith.index_cast %get3A_824 : i32 to index
      %get3A_828 = arith.constant 80 : index
      %get3A_829 = tpu.vector_load %arg5[%get3A_825, %get3A_826, %get3A_827, %get3A_828] {strides = array<i32>} : memref<68x1x2x128xf32, #tpu.memory_space<vmem>>, vector<16xf32>,
      %get3A_830 = arith.index_cast %scan3A_636 : i32 to index
      %get3A_831 = arith.constant 80 : index
      %get3A_832 = tpu.vector_load %arg7[%get3A_830, %get3A_831] {strides = array<i32>} : memref<67x128xf32, #tpu.memory_space<vmem>>, vector<16xf32>,
      %sub3A_833 = arith.subf %scan3A_642, %get3A_820 : vector<16xf32>
      %abs3A_834 = math.absf %sub3A_833 : vector<16xf32>
      %sub3A_835 = arith.subf %scan3A_650, %get3A_829 : vector<16xf32>
      %abs3A_836 = math.absf %sub3A_835 : vector<16xf32>
      %add3A_837 = arith.addf %abs3A_834, %abs3A_836 : vector<16xf32>
      %mul3A_838 = arith.mulf %add3A_837, %get3A_832 : vector<16xf32>
      %add3A_839 = arith.addf %scan3A_658, %mul3A_838 : vector<16xf32>
      %add3A_840 = arith.addf %scan3A_666, %get3A_832 : vector<16xf32>
      %add3A_841 = arith.constant 1 : i32
      %add3A_842 = arith.addi %scan3A_636, %add3A_841 : i32
      %get3A_843 = arith.constant 0 : i32
      %get3A_844 = arith.constant 0 : i32
      %get3A_845 = arith.index_cast %add3A_842 : i32 to index
      %get3A_846 = arith.index_cast %get3A_843 : i32 to index
      %get3A_847 = arith.index_cast %get3A_844 : i32 to index
      %get3A_848 = arith.constant 96 : index
      %get3A_849 = tpu.vector_load %arg5[%get3A_845, %get3A_846, %get3A_847, %get3A_848] {strides = array<i32>} : memref<68x1x2x128xf32, #tpu.memory_space<vmem>>, vector<16xf32>,
      %add3A_850 = arith.constant 1 : i32
      %add3A_851 = arith.addi %scan3A_636, %add3A_850 : i32
      %get3A_852 = arith.constant 0 : i32
      %get3A_853 = arith.constant 1 : i32
      %get3A_854 = arith.index_cast %add3A_851 : i32 to index
      %get3A_855 = arith.index_cast %get3A_852 : i32 to index
      %get3A_856 = arith.index_cast %get3A_853 : i32 to index
      %get3A_857 = arith.constant 96 : index
      %get3A_858 = tpu.vector_load %arg5[%get3A_854, %get3A_855, %get3A_856, %get3A_857] {strides = array<i32>} : memref<68x1x2x128xf32, #tpu.memory_space<vmem>>, vector<16xf32>,
      %get3A_859 = arith.index_cast %scan3A_636 : i32 to index
      %get3A_860 = arith.constant 96 : index
      %get3A_861 = tpu.vector_load %arg7[%get3A_859, %get3A_860] {strides = array<i32>} : memref<67x128xf32, #tpu.memory_space<vmem>>, vector<16xf32>,
      %sub3A_862 = arith.subf %scan3A_643, %get3A_849 : vector<16xf32>
      %abs3A_863 = math.absf %sub3A_862 : vector<16xf32>
      %sub3A_864 = arith.subf %scan3A_651, %get3A_858 : vector<16xf32>
      %abs3A_865 = math.absf %sub3A_864 : vector<16xf32>
      %add3A_866 = arith.addf %abs3A_863, %abs3A_865 : vector<16xf32>
      %mul3A_867 = arith.mulf %add3A_866, %get3A_861 : vector<16xf32>
      %add3A_868 = arith.addf %scan3A_659, %mul3A_867 : vector<16xf32>
      %add3A_869 = arith.addf %scan3A_667, %get3A_861 : vector<16xf32>
      %add3A_870 = arith.constant 1 : i32
      %add3A_871 = arith.addi %scan3A_636, %add3A_870 : i32
      %get3A_872 = arith.constant 0 : i32
      %get3A_873 = arith.constant 0 : i32
      %get3A_874 = arith.index_cast %add3A_871 : i32 to index
      %get3A_875 = arith.index_cast %get3A_872 : i32 to index
      %get3A_876 = arith.index_cast %get3A_873 : i32 to index
      %get3A_877 = arith.constant 112 : index
      %get3A_878 = tpu.vector_load %arg5[%get3A_874, %get3A_875, %get3A_876, %get3A_877] {strides = array<i32>} : memref<68x1x2x128xf32, #tpu.memory_space<vmem>>, vector<16xf32>,
      %add3A_879 = arith.constant 1 : i32
      %add3A_880 = arith.addi %scan3A_636, %add3A_879 : i32
      %get3A_881 = arith.constant 0 : i32
      %get3A_882 = arith.constant 1 : i32
      %get3A_883 = arith.index_cast %add3A_880 : i32 to index
      %get3A_884 = arith.index_cast %get3A_881 : i32 to index
      %get3A_885 = arith.index_cast %get3A_882 : i32 to index
      %get3A_886 = arith.constant 112 : index
      %get3A_887 = tpu.vector_load %arg5[%get3A_883, %get3A_884, %get3A_885, %get3A_886] {strides = array<i32>} : memref<68x1x2x128xf32, #tpu.memory_space<vmem>>, vector<16xf32>,
      %get3A_888 = arith.index_cast %scan3A_636 : i32 to index
      %get3A_889 = arith.constant 112 : index
      %get3A_890 = tpu.vector_load %arg7[%get3A_888, %get3A_889] {strides = array<i32>} : memref<67x128xf32, #tpu.memory_space<vmem>>, vector<16xf32>,
      %sub3A_891 = arith.subf %scan3A_644, %get3A_878 : vector<16xf32>
      %abs3A_892 = math.absf %sub3A_891 : vector<16xf32>
      %sub3A_893 = arith.subf %scan3A_652, %get3A_887 : vector<16xf32>
      %abs3A_894 = math.absf %sub3A_893 : vector<16xf32>
      %add3A_895 = arith.addf %abs3A_892, %abs3A_894 : vector<16xf32>
      %mul3A_896 = arith.mulf %add3A_895, %get3A_890 : vector<16xf32>
      %add3A_897 = arith.addf %scan3A_660, %mul3A_896 : vector<16xf32>
      %add3A_898 = arith.addf %scan3A_668, %get3A_890 : vector<16xf32>
      scf.yield %get3A_677, %get3A_704, %get3A_733, %get3A_762, %get3A_791, %get3A_820, %get3A_849, %get3A_878, %get3A_686, %get3A_713, %get3A_742, %get3A_771, %get3A_800, %get3A_829, %get3A_858, %get3A_887, %add3A_694, %add3A_723, %add3A_752, %add3A_781, %add3A_810, %add3A_839, %add3A_868, %add3A_897, %add3A_695, %add3A_724, %add3A_753, %add3A_782, %add3A_811, %add3A_840, %add3A_869, %add3A_898 : vector<16xf32>, vector<16xf32>, vector<16xf32>, vector<16xf32>, vector<16xf32>, vector<16xf32>, vector<16xf32>, vector<16xf32>, vector<16xf32>, vector<16xf32>, vector<16xf32>, vector<16xf32>, vector<16xf32>, vector<16xf32>, vector<16xf32>, vector<16xf32>, vector<16xf32>, vector<16xf32>, vector<16xf32>, vector<16xf32>, vector<16xf32>, vector<16xf32>, vector<16xf32>, vector<16xf32>, vector<16xf32>, vector<16xf32>, vector<16xf32>, vector<16xf32>, vector<16xf32>, vector<16xf32>, vector<16xf32>, vector<16xf32>
    }
    %scan3A_587 = arith.constant 67 : i32
    %max3A_588 = arith.constant 1.000000e+00 : f32
    %max3A_589 = vector.broadcast %max3A_588 : f32 to vector<16xf32>
    %max3A_590 = arith.maximumf %scan3A_586#24, %max3A_589 : vector<16xf32>
    %div3A_591 = arith.divf %scan3A_586#16, %max3A_590 : vector<16xf32>
    %add3A_592 = arith.addf %add3A_400, %div3A_591 : vector<16xf32>
    %max3A_593 = arith.constant 1.000000e+00 : f32
    %max3A_594 = vector.broadcast %max3A_593 : f32 to vector<16xf32>
    %max3A_595 = arith.maximumf %scan3A_586#25, %max3A_594 : vector<16xf32>
    %div3A_596 = arith.divf %scan3A_586#17, %max3A_595 : vector<16xf32>
    %add3A_597 = arith.addf %add3A_405, %div3A_596 : vector<16xf32>
    %max3A_598 = arith.constant 1.000000e+00 : f32
    %max3A_599 = vector.broadcast %max3A_598 : f32 to vector<16xf32>
    %max3A_600 = arith.maximumf %scan3A_586#26, %max3A_599 : vector<16xf32>
    %div3A_601 = arith.divf %scan3A_586#18, %max3A_600 : vector<16xf32>
    %add3A_602 = arith.addf %add3A_410, %div3A_601 : vector<16xf32>
    %max3A_603 = arith.constant 1.000000e+00 : f32
    %max3A_604 = vector.broadcast %max3A_603 : f32 to vector<16xf32>
    %max3A_605 = arith.maximumf %scan3A_586#27, %max3A_604 : vector<16xf32>
    %div3A_606 = arith.divf %scan3A_586#19, %max3A_605 : vector<16xf32>
    %add3A_607 = arith.addf %add3A_415, %div3A_606 : vector<16xf32>
    %max3A_608 = arith.constant 1.000000e+00 : f32
    %max3A_609 = vector.broadcast %max3A_608 : f32 to vector<16xf32>
    %max3A_610 = arith.maximumf %scan3A_586#28, %max3A_609 : vector<16xf32>
    %div3A_611 = arith.divf %scan3A_586#20, %max3A_610 : vector<16xf32>
    %add3A_612 = arith.addf %add3A_420, %div3A_611 : vector<16xf32>
    %max3A_613 = arith.constant 1.000000e+00 : f32
    %max3A_614 = vector.broadcast %max3A_613 : f32 to vector<16xf32>
    %max3A_615 = arith.maximumf %scan3A_586#29, %max3A_614 : vector<16xf32>
    %div3A_616 = arith.divf %scan3A_586#21, %max3A_615 : vector<16xf32>
    %add3A_617 = arith.addf %add3A_425, %div3A_616 : vector<16xf32>
    %max3A_618 = arith.constant 1.000000e+00 : f32
    %max3A_619 = vector.broadcast %max3A_618 : f32 to vector<16xf32>
    %max3A_620 = arith.maximumf %scan3A_586#30, %max3A_619 : vector<16xf32>
    %div3A_621 = arith.divf %scan3A_586#22, %max3A_620 : vector<16xf32>
    %add3A_622 = arith.addf %add3A_430, %div3A_621 : vector<16xf32>
    %max3A_623 = arith.constant 1.000000e+00 : f32
    %max3A_624 = vector.broadcast %max3A_623 : f32 to vector<16xf32>
    %max3A_625 = arith.maximumf %scan3A_586#31, %max3A_624 : vector<16xf32>
    %div3A_626 = arith.divf %scan3A_586#23, %max3A_625 : vector<16xf32>
    %add3A_627 = arith.addf %add3A_435, %div3A_626 : vector<16xf32>
    %add3A_628 = arith.addf %add3A_592, %add3A_597 : vector<16xf32>
    %add3A_629 = arith.addf %add3A_628, %add3A_602 : vector<16xf32>
    %add3A_630 = arith.addf %add3A_629, %add3A_607 : vector<16xf32>
    %add3A_631 = arith.addf %add3A_630, %add3A_612 : vector<16xf32>
    %add3A_632 = arith.addf %add3A_631, %add3A_617 : vector<16xf32>
    %add3A_633 = arith.addf %add3A_632, %add3A_622 : vector<16xf32>
    %add3A_634 = arith.addf %add3A_633, %add3A_627 : vector<16xf32>
    %swap3A = arith.constant 0 : index
    %swap3A_635 = tpu.vector_load %arg9[%swap3A] {strides = array<i32>} : memref<16xf32, #tpu.memory_space<vmem>>, vector<16xf32>,
    tpu.vector_store %arg9[%swap3A], %add3A_634 {strides = array<i32>} : memref<16xf32, #tpu.memory_space<vmem>>, vector<16xf32>,
    "tpu.region"() ({
      %run_scoped3A = tpu.sem_alloc : memref<!tpu.dma_semaphore, #tpu.memory_space<semaphore_mem>>
      %dma_start3A_636 = arith.constant 0 : i32
      %dma_start3A_637 = tpu.memref_slice %arg4[%add3A, %dma_start3A_636] : memref<32x16xf32, #tpu.memory_space<hbm>> -> memref<1x16xf32, #tpu.memory_space<hbm>>
      %dma_start3A_638 = tpu.memref_squeeze %dma_start3A_637 : memref<1x16xf32, #tpu.memory_space<hbm>> -> memref<16xf32, #tpu.memory_space<hbm>>
      %dma_start3A_639 = arith.constant 0 : i32
      %dma_start3A_640 = tpu.memref_slice %arg4[%add3A, %dma_start3A_639] : memref<32x16xf32, #tpu.memory_space<hbm>> -> memref<1x16xf32, #tpu.memory_space<hbm>>
      %dma_start3A_641 = tpu.memref_squeeze %dma_start3A_640 : memref<1x16xf32, #tpu.memory_space<hbm>> -> memref<16xf32, #tpu.memory_space<hbm>>
      tpu.enqueue_dma source(%arg9 : memref<16xf32, #tpu.memory_space<vmem>>) target(%dma_start3A_641 : memref<16xf32, #tpu.memory_space<hbm>>) target_semaphore(%run_scoped3A : memref<!tpu.dma_semaphore, #tpu.memory_space<semaphore_mem>>)
      %dma_wait3A_642 = arith.constant 0 : i32
      %dma_wait3A_643 = tpu.memref_slice %arg4[%add3A, %dma_wait3A_642] : memref<32x16xf32, #tpu.memory_space<hbm>> -> memref<1x16xf32, #tpu.memory_space<hbm>>
      %dma_wait3A_644 = tpu.memref_squeeze %dma_wait3A_643 : memref<1x16xf32, #tpu.memory_space<hbm>> -> memref<16xf32, #tpu.memory_space<hbm>>
      %dma_wait3A_645 = arith.constant 0 : i32
      %dma_wait3A_646 = tpu.memref_slice %arg4[%add3A, %dma_wait3A_645] : memref<32x16xf32, #tpu.memory_space<hbm>> -> memref<1x16xf32, #tpu.memory_space<hbm>>
      %dma_wait3A_647 = tpu.memref_squeeze %dma_wait3A_646 : memref<1x16xf32, #tpu.memory_space<hbm>> -> memref<16xf32, #tpu.memory_space<hbm>>
      tpu.wait_dma2 semaphore(%run_scoped3A : memref<!tpu.dma_semaphore, #tpu.memory_space<semaphore_mem>>) src(%arg9 : memref<16xf32, #tpu.memory_space<vmem>>) dst(%dma_wait3A_647 : memref<16xf32, #tpu.memory_space<hbm>>)
      tpu.yield
    }) : () -> ()
    return
  }
}

module attributes {stable_mosaic.version = 14 : i64} {
  func.func @_tc_body(%arg0: i32, %arg1: memref<68x16x2x128xf32, #tpu.memory_space<vmem>>, %arg2: memref<67x2048xf32, #tpu.memory_space<vmem>>, %arg3: memref<1x128xf32, #tpu.memory_space<vmem>>) attributes {dimension_semantics = [#tpu.dimension_semantics<arbitrary>], iteration_bounds = array<i64: 2>, scalar_prefetch = 0 : i64, scratch_operands = 0 : i64, tpu.core_type = #tpu.core_type<tc>, window_params = [{transform_indices = @transform_0, window_bounds = array<i64: 68, 16, 2, 128>}, {transform_indices = @transform_1, window_bounds = array<i64: 67, 2048>}, {pipeline_mode = #tpu.pipeline_mode<synchronous>, transform_indices = @transform_2, window_bounds = array<i64: 1, 128>}]} {
    %eq3A = arith.constant 0 : i32
    %eq3A_0 = arith.cmpi eq, %arg0, %eq3A : i32
    %convert_element_type3A = arith.extui %eq3A_0 : i1 to i32
    %cond3A = arith.constant 0 : i32
    %cond3A_1 = arith.cmpi ne, %convert_element_type3A, %cond3A : i32
    scf.if %cond3A_1 {
      %broadcast_in_dim3A_576 = arith.constant 0.000000e+00 : f32
      %broadcast_in_dim3A_577 = vector.broadcast %broadcast_in_dim3A_576 : f32 to vector<1x128xf32>
      %swap3A_578 = arith.constant 0 : index
      %swap3A_579 = arith.constant 0 : index
      %swap3A_580 = vector.load %arg3[%swap3A_578, %swap3A_579] : memref<1x128xf32, #tpu.memory_space<vmem>>, vector<1x128xf32>
      tpu.vector_store %arg3[%swap3A_578, %swap3A_579], %broadcast_in_dim3A_577 {strides = array<i32>} : memref<1x128xf32, #tpu.memory_space<vmem>>, vector<1x128xf32>,
    } else {
    }
    %broadcast_in_dim3A = arith.constant 0.000000e+00 : f32
    %broadcast_in_dim3A_2 = vector.broadcast %broadcast_in_dim3A : f32 to vector<1x128xf32>
    %get3A = arith.constant 0 : index
    %get3A_3 = arith.constant 0 : index
    %get3A_4 = arith.constant 0 : index
    %get3A_5 = arith.constant 0 : index
    %get3A_6 = vector.load %arg1[%get3A, %get3A_3, %get3A_4, %get3A_5] : memref<68x16x2x128xf32, #tpu.memory_space<vmem>>, vector<68x1x1x128xf32>
    %get3A_7 = vector.shape_cast %get3A_6 : vector<68x1x1x128xf32> to vector<68x128xf32>
    %get3A_8 = arith.constant 0 : index
    %get3A_9 = arith.constant 0 : index
    %get3A_10 = arith.constant 1 : index
    %get3A_11 = arith.constant 0 : index
    %get3A_12 = vector.load %arg1[%get3A_8, %get3A_9, %get3A_10, %get3A_11] : memref<68x16x2x128xf32, #tpu.memory_space<vmem>>, vector<68x1x1x128xf32>
    %get3A_13 = vector.shape_cast %get3A_12 : vector<68x1x1x128xf32> to vector<68x128xf32>
    %slice3A = vector.extract_strided_slice %get3A_7 {offsets = [0, 0], sizes = [67, 128], strides = [1, 1]} : vector<68x128xf32> to vector<67x128xf32>
    %slice3A_14 = vector.extract_strided_slice %get3A_7 {offsets = [1, 0], sizes = [67, 128], strides = [1, 1]} : vector<68x128xf32> to vector<67x128xf32>
    %sub3A = arith.subf %slice3A, %slice3A_14 : vector<67x128xf32>
    %abs3A = math.absf %sub3A : vector<67x128xf32>
    %slice3A_15 = vector.extract_strided_slice %get3A_13 {offsets = [0, 0], sizes = [67, 128], strides = [1, 1]} : vector<68x128xf32> to vector<67x128xf32>
    %slice3A_16 = vector.extract_strided_slice %get3A_13 {offsets = [1, 0], sizes = [67, 128], strides = [1, 1]} : vector<68x128xf32> to vector<67x128xf32>
    %sub3A_17 = arith.subf %slice3A_15, %slice3A_16 : vector<67x128xf32>
    %abs3A_18 = math.absf %sub3A_17 : vector<67x128xf32>
    %add3A = arith.addf %abs3A, %abs3A_18 : vector<67x128xf32>
    %get3A_19 = arith.constant 0 : index
    %get3A_20 = arith.constant 0 : index
    %get3A_21 = vector.load %arg2[%get3A_19, %get3A_20] : memref<67x2048xf32, #tpu.memory_space<vmem>>, vector<67x128xf32>
    %mul3A = arith.mulf %add3A, %get3A_21 : vector<67x128xf32>
    %reduce_sum3A = arith.constant dense<0.000000e+00> : vector<128xf32>
    %reduce_sum3A_22 = vector.multi_reduction <add>, %mul3A, %reduce_sum3A [0] : vector<67x128xf32> to vector<128xf32>
    %broadcast_in_dim3A_23 = vector.shape_cast %reduce_sum3A_22 : vector<128xf32> to vector<1x128xf32>
    %reduce_sum3A_24 = arith.constant dense<0.000000e+00> : vector<128xf32>
    %reduce_sum3A_25 = vector.multi_reduction <add>, %get3A_21, %reduce_sum3A_24 [0] : vector<67x128xf32> to vector<128xf32>
    %broadcast_in_dim3A_26 = vector.shape_cast %reduce_sum3A_25 : vector<128xf32> to vector<1x128xf32>
    %max3A = arith.constant 1.000000e+00 : f32
    %max3A_27 = vector.broadcast %max3A : f32 to vector<1x128xf32>
    %max3A_28 = arith.maximumf %broadcast_in_dim3A_26, %max3A_27 : vector<1x128xf32>
    %div3A = arith.divf %broadcast_in_dim3A_23, %max3A_28 : vector<1x128xf32>
    %add3A_29 = arith.addf %broadcast_in_dim3A_2, %div3A : vector<1x128xf32>
    %get3A_30 = arith.constant 0 : index
    %get3A_31 = arith.constant 1 : index
    %get3A_32 = arith.constant 0 : index
    %get3A_33 = arith.constant 0 : index
    %get3A_34 = vector.load %arg1[%get3A_30, %get3A_31, %get3A_32, %get3A_33] : memref<68x16x2x128xf32, #tpu.memory_space<vmem>>, vector<68x1x1x128xf32>
    %get3A_35 = vector.shape_cast %get3A_34 : vector<68x1x1x128xf32> to vector<68x128xf32>
    %get3A_36 = arith.constant 0 : index
    %get3A_37 = arith.constant 1 : index
    %get3A_38 = arith.constant 1 : index
    %get3A_39 = arith.constant 0 : index
    %get3A_40 = vector.load %arg1[%get3A_36, %get3A_37, %get3A_38, %get3A_39] : memref<68x16x2x128xf32, #tpu.memory_space<vmem>>, vector<68x1x1x128xf32>
    %get3A_41 = vector.shape_cast %get3A_40 : vector<68x1x1x128xf32> to vector<68x128xf32>
    %slice3A_42 = vector.extract_strided_slice %get3A_35 {offsets = [0, 0], sizes = [67, 128], strides = [1, 1]} : vector<68x128xf32> to vector<67x128xf32>
    %slice3A_43 = vector.extract_strided_slice %get3A_35 {offsets = [1, 0], sizes = [67, 128], strides = [1, 1]} : vector<68x128xf32> to vector<67x128xf32>
    %sub3A_44 = arith.subf %slice3A_42, %slice3A_43 : vector<67x128xf32>
    %abs3A_45 = math.absf %sub3A_44 : vector<67x128xf32>
    %slice3A_46 = vector.extract_strided_slice %get3A_41 {offsets = [0, 0], sizes = [67, 128], strides = [1, 1]} : vector<68x128xf32> to vector<67x128xf32>
    %slice3A_47 = vector.extract_strided_slice %get3A_41 {offsets = [1, 0], sizes = [67, 128], strides = [1, 1]} : vector<68x128xf32> to vector<67x128xf32>
    %sub3A_48 = arith.subf %slice3A_46, %slice3A_47 : vector<67x128xf32>
    %abs3A_49 = math.absf %sub3A_48 : vector<67x128xf32>
    %add3A_50 = arith.addf %abs3A_45, %abs3A_49 : vector<67x128xf32>
    %get3A_51 = arith.constant 0 : index
    %get3A_52 = arith.constant 128 : index
    %get3A_53 = vector.load %arg2[%get3A_51, %get3A_52] : memref<67x2048xf32, #tpu.memory_space<vmem>>, vector<67x128xf32>
    %mul3A_54 = arith.mulf %add3A_50, %get3A_53 : vector<67x128xf32>
    %reduce_sum3A_55 = arith.constant dense<0.000000e+00> : vector<128xf32>
    %reduce_sum3A_56 = vector.multi_reduction <add>, %mul3A_54, %reduce_sum3A_55 [0] : vector<67x128xf32> to vector<128xf32>
    %broadcast_in_dim3A_57 = vector.shape_cast %reduce_sum3A_56 : vector<128xf32> to vector<1x128xf32>
    %reduce_sum3A_58 = arith.constant dense<0.000000e+00> : vector<128xf32>
    %reduce_sum3A_59 = vector.multi_reduction <add>, %get3A_53, %reduce_sum3A_58 [0] : vector<67x128xf32> to vector<128xf32>
    %broadcast_in_dim3A_60 = vector.shape_cast %reduce_sum3A_59 : vector<128xf32> to vector<1x128xf32>
    %max3A_61 = arith.constant 1.000000e+00 : f32
    %max3A_62 = vector.broadcast %max3A_61 : f32 to vector<1x128xf32>
    %max3A_63 = arith.maximumf %broadcast_in_dim3A_60, %max3A_62 : vector<1x128xf32>
    %div3A_64 = arith.divf %broadcast_in_dim3A_57, %max3A_63 : vector<1x128xf32>
    %add3A_65 = arith.addf %add3A_29, %div3A_64 : vector<1x128xf32>
    %get3A_66 = arith.constant 0 : index
    %get3A_67 = arith.constant 2 : index
    %get3A_68 = arith.constant 0 : index
    %get3A_69 = arith.constant 0 : index
    %get3A_70 = vector.load %arg1[%get3A_66, %get3A_67, %get3A_68, %get3A_69] : memref<68x16x2x128xf32, #tpu.memory_space<vmem>>, vector<68x1x1x128xf32>
    %get3A_71 = vector.shape_cast %get3A_70 : vector<68x1x1x128xf32> to vector<68x128xf32>
    %get3A_72 = arith.constant 0 : index
    %get3A_73 = arith.constant 2 : index
    %get3A_74 = arith.constant 1 : index
    %get3A_75 = arith.constant 0 : index
    %get3A_76 = vector.load %arg1[%get3A_72, %get3A_73, %get3A_74, %get3A_75] : memref<68x16x2x128xf32, #tpu.memory_space<vmem>>, vector<68x1x1x128xf32>
    %get3A_77 = vector.shape_cast %get3A_76 : vector<68x1x1x128xf32> to vector<68x128xf32>
    %slice3A_78 = vector.extract_strided_slice %get3A_71 {offsets = [0, 0], sizes = [67, 128], strides = [1, 1]} : vector<68x128xf32> to vector<67x128xf32>
    %slice3A_79 = vector.extract_strided_slice %get3A_71 {offsets = [1, 0], sizes = [67, 128], strides = [1, 1]} : vector<68x128xf32> to vector<67x128xf32>
    %sub3A_80 = arith.subf %slice3A_78, %slice3A_79 : vector<67x128xf32>
    %abs3A_81 = math.absf %sub3A_80 : vector<67x128xf32>
    %slice3A_82 = vector.extract_strided_slice %get3A_77 {offsets = [0, 0], sizes = [67, 128], strides = [1, 1]} : vector<68x128xf32> to vector<67x128xf32>
    %slice3A_83 = vector.extract_strided_slice %get3A_77 {offsets = [1, 0], sizes = [67, 128], strides = [1, 1]} : vector<68x128xf32> to vector<67x128xf32>
    %sub3A_84 = arith.subf %slice3A_82, %slice3A_83 : vector<67x128xf32>
    %abs3A_85 = math.absf %sub3A_84 : vector<67x128xf32>
    %add3A_86 = arith.addf %abs3A_81, %abs3A_85 : vector<67x128xf32>
    %get3A_87 = arith.constant 0 : index
    %get3A_88 = arith.constant 256 : index
    %get3A_89 = vector.load %arg2[%get3A_87, %get3A_88] : memref<67x2048xf32, #tpu.memory_space<vmem>>, vector<67x128xf32>
    %mul3A_90 = arith.mulf %add3A_86, %get3A_89 : vector<67x128xf32>
    %reduce_sum3A_91 = arith.constant dense<0.000000e+00> : vector<128xf32>
    %reduce_sum3A_92 = vector.multi_reduction <add>, %mul3A_90, %reduce_sum3A_91 [0] : vector<67x128xf32> to vector<128xf32>
    %broadcast_in_dim3A_93 = vector.shape_cast %reduce_sum3A_92 : vector<128xf32> to vector<1x128xf32>
    %reduce_sum3A_94 = arith.constant dense<0.000000e+00> : vector<128xf32>
    %reduce_sum3A_95 = vector.multi_reduction <add>, %get3A_89, %reduce_sum3A_94 [0] : vector<67x128xf32> to vector<128xf32>
    %broadcast_in_dim3A_96 = vector.shape_cast %reduce_sum3A_95 : vector<128xf32> to vector<1x128xf32>
    %max3A_97 = arith.constant 1.000000e+00 : f32
    %max3A_98 = vector.broadcast %max3A_97 : f32 to vector<1x128xf32>
    %max3A_99 = arith.maximumf %broadcast_in_dim3A_96, %max3A_98 : vector<1x128xf32>
    %div3A_100 = arith.divf %broadcast_in_dim3A_93, %max3A_99 : vector<1x128xf32>
    %add3A_101 = arith.addf %add3A_65, %div3A_100 : vector<1x128xf32>
    %get3A_102 = arith.constant 0 : index
    %get3A_103 = arith.constant 3 : index
    %get3A_104 = arith.constant 0 : index
    %get3A_105 = arith.constant 0 : index
    %get3A_106 = vector.load %arg1[%get3A_102, %get3A_103, %get3A_104, %get3A_105] : memref<68x16x2x128xf32, #tpu.memory_space<vmem>>, vector<68x1x1x128xf32>
    %get3A_107 = vector.shape_cast %get3A_106 : vector<68x1x1x128xf32> to vector<68x128xf32>
    %get3A_108 = arith.constant 0 : index
    %get3A_109 = arith.constant 3 : index
    %get3A_110 = arith.constant 1 : index
    %get3A_111 = arith.constant 0 : index
    %get3A_112 = vector.load %arg1[%get3A_108, %get3A_109, %get3A_110, %get3A_111] : memref<68x16x2x128xf32, #tpu.memory_space<vmem>>, vector<68x1x1x128xf32>
    %get3A_113 = vector.shape_cast %get3A_112 : vector<68x1x1x128xf32> to vector<68x128xf32>
    %slice3A_114 = vector.extract_strided_slice %get3A_107 {offsets = [0, 0], sizes = [67, 128], strides = [1, 1]} : vector<68x128xf32> to vector<67x128xf32>
    %slice3A_115 = vector.extract_strided_slice %get3A_107 {offsets = [1, 0], sizes = [67, 128], strides = [1, 1]} : vector<68x128xf32> to vector<67x128xf32>
    %sub3A_116 = arith.subf %slice3A_114, %slice3A_115 : vector<67x128xf32>
    %abs3A_117 = math.absf %sub3A_116 : vector<67x128xf32>
    %slice3A_118 = vector.extract_strided_slice %get3A_113 {offsets = [0, 0], sizes = [67, 128], strides = [1, 1]} : vector<68x128xf32> to vector<67x128xf32>
    %slice3A_119 = vector.extract_strided_slice %get3A_113 {offsets = [1, 0], sizes = [67, 128], strides = [1, 1]} : vector<68x128xf32> to vector<67x128xf32>
    %sub3A_120 = arith.subf %slice3A_118, %slice3A_119 : vector<67x128xf32>
    %abs3A_121 = math.absf %sub3A_120 : vector<67x128xf32>
    %add3A_122 = arith.addf %abs3A_117, %abs3A_121 : vector<67x128xf32>
    %get3A_123 = arith.constant 0 : index
    %get3A_124 = arith.constant 384 : index
    %get3A_125 = vector.load %arg2[%get3A_123, %get3A_124] : memref<67x2048xf32, #tpu.memory_space<vmem>>, vector<67x128xf32>
    %mul3A_126 = arith.mulf %add3A_122, %get3A_125 : vector<67x128xf32>
    %reduce_sum3A_127 = arith.constant dense<0.000000e+00> : vector<128xf32>
    %reduce_sum3A_128 = vector.multi_reduction <add>, %mul3A_126, %reduce_sum3A_127 [0] : vector<67x128xf32> to vector<128xf32>
    %broadcast_in_dim3A_129 = vector.shape_cast %reduce_sum3A_128 : vector<128xf32> to vector<1x128xf32>
    %reduce_sum3A_130 = arith.constant dense<0.000000e+00> : vector<128xf32>
    %reduce_sum3A_131 = vector.multi_reduction <add>, %get3A_125, %reduce_sum3A_130 [0] : vector<67x128xf32> to vector<128xf32>
    %broadcast_in_dim3A_132 = vector.shape_cast %reduce_sum3A_131 : vector<128xf32> to vector<1x128xf32>
    %max3A_133 = arith.constant 1.000000e+00 : f32
    %max3A_134 = vector.broadcast %max3A_133 : f32 to vector<1x128xf32>
    %max3A_135 = arith.maximumf %broadcast_in_dim3A_132, %max3A_134 : vector<1x128xf32>
    %div3A_136 = arith.divf %broadcast_in_dim3A_129, %max3A_135 : vector<1x128xf32>
    %add3A_137 = arith.addf %add3A_101, %div3A_136 : vector<1x128xf32>
    %get3A_138 = arith.constant 0 : index
    %get3A_139 = arith.constant 4 : index
    %get3A_140 = arith.constant 0 : index
    %get3A_141 = arith.constant 0 : index
    %get3A_142 = vector.load %arg1[%get3A_138, %get3A_139, %get3A_140, %get3A_141] : memref<68x16x2x128xf32, #tpu.memory_space<vmem>>, vector<68x1x1x128xf32>
    %get3A_143 = vector.shape_cast %get3A_142 : vector<68x1x1x128xf32> to vector<68x128xf32>
    %get3A_144 = arith.constant 0 : index
    %get3A_145 = arith.constant 4 : index
    %get3A_146 = arith.constant 1 : index
    %get3A_147 = arith.constant 0 : index
    %get3A_148 = vector.load %arg1[%get3A_144, %get3A_145, %get3A_146, %get3A_147] : memref<68x16x2x128xf32, #tpu.memory_space<vmem>>, vector<68x1x1x128xf32>
    %get3A_149 = vector.shape_cast %get3A_148 : vector<68x1x1x128xf32> to vector<68x128xf32>
    %slice3A_150 = vector.extract_strided_slice %get3A_143 {offsets = [0, 0], sizes = [67, 128], strides = [1, 1]} : vector<68x128xf32> to vector<67x128xf32>
    %slice3A_151 = vector.extract_strided_slice %get3A_143 {offsets = [1, 0], sizes = [67, 128], strides = [1, 1]} : vector<68x128xf32> to vector<67x128xf32>
    %sub3A_152 = arith.subf %slice3A_150, %slice3A_151 : vector<67x128xf32>
    %abs3A_153 = math.absf %sub3A_152 : vector<67x128xf32>
    %slice3A_154 = vector.extract_strided_slice %get3A_149 {offsets = [0, 0], sizes = [67, 128], strides = [1, 1]} : vector<68x128xf32> to vector<67x128xf32>
    %slice3A_155 = vector.extract_strided_slice %get3A_149 {offsets = [1, 0], sizes = [67, 128], strides = [1, 1]} : vector<68x128xf32> to vector<67x128xf32>
    %sub3A_156 = arith.subf %slice3A_154, %slice3A_155 : vector<67x128xf32>
    %abs3A_157 = math.absf %sub3A_156 : vector<67x128xf32>
    %add3A_158 = arith.addf %abs3A_153, %abs3A_157 : vector<67x128xf32>
    %get3A_159 = arith.constant 0 : index
    %get3A_160 = arith.constant 512 : index
    %get3A_161 = vector.load %arg2[%get3A_159, %get3A_160] : memref<67x2048xf32, #tpu.memory_space<vmem>>, vector<67x128xf32>
    %mul3A_162 = arith.mulf %add3A_158, %get3A_161 : vector<67x128xf32>
    %reduce_sum3A_163 = arith.constant dense<0.000000e+00> : vector<128xf32>
    %reduce_sum3A_164 = vector.multi_reduction <add>, %mul3A_162, %reduce_sum3A_163 [0] : vector<67x128xf32> to vector<128xf32>
    %broadcast_in_dim3A_165 = vector.shape_cast %reduce_sum3A_164 : vector<128xf32> to vector<1x128xf32>
    %reduce_sum3A_166 = arith.constant dense<0.000000e+00> : vector<128xf32>
    %reduce_sum3A_167 = vector.multi_reduction <add>, %get3A_161, %reduce_sum3A_166 [0] : vector<67x128xf32> to vector<128xf32>
    %broadcast_in_dim3A_168 = vector.shape_cast %reduce_sum3A_167 : vector<128xf32> to vector<1x128xf32>
    %max3A_169 = arith.constant 1.000000e+00 : f32
    %max3A_170 = vector.broadcast %max3A_169 : f32 to vector<1x128xf32>
    %max3A_171 = arith.maximumf %broadcast_in_dim3A_168, %max3A_170 : vector<1x128xf32>
    %div3A_172 = arith.divf %broadcast_in_dim3A_165, %max3A_171 : vector<1x128xf32>
    %add3A_173 = arith.addf %add3A_137, %div3A_172 : vector<1x128xf32>
    %get3A_174 = arith.constant 0 : index
    %get3A_175 = arith.constant 5 : index
    %get3A_176 = arith.constant 0 : index
    %get3A_177 = arith.constant 0 : index
    %get3A_178 = vector.load %arg1[%get3A_174, %get3A_175, %get3A_176, %get3A_177] : memref<68x16x2x128xf32, #tpu.memory_space<vmem>>, vector<68x1x1x128xf32>
    %get3A_179 = vector.shape_cast %get3A_178 : vector<68x1x1x128xf32> to vector<68x128xf32>
    %get3A_180 = arith.constant 0 : index
    %get3A_181 = arith.constant 5 : index
    %get3A_182 = arith.constant 1 : index
    %get3A_183 = arith.constant 0 : index
    %get3A_184 = vector.load %arg1[%get3A_180, %get3A_181, %get3A_182, %get3A_183] : memref<68x16x2x128xf32, #tpu.memory_space<vmem>>, vector<68x1x1x128xf32>
    %get3A_185 = vector.shape_cast %get3A_184 : vector<68x1x1x128xf32> to vector<68x128xf32>
    %slice3A_186 = vector.extract_strided_slice %get3A_179 {offsets = [0, 0], sizes = [67, 128], strides = [1, 1]} : vector<68x128xf32> to vector<67x128xf32>
    %slice3A_187 = vector.extract_strided_slice %get3A_179 {offsets = [1, 0], sizes = [67, 128], strides = [1, 1]} : vector<68x128xf32> to vector<67x128xf32>
    %sub3A_188 = arith.subf %slice3A_186, %slice3A_187 : vector<67x128xf32>
    %abs3A_189 = math.absf %sub3A_188 : vector<67x128xf32>
    %slice3A_190 = vector.extract_strided_slice %get3A_185 {offsets = [0, 0], sizes = [67, 128], strides = [1, 1]} : vector<68x128xf32> to vector<67x128xf32>
    %slice3A_191 = vector.extract_strided_slice %get3A_185 {offsets = [1, 0], sizes = [67, 128], strides = [1, 1]} : vector<68x128xf32> to vector<67x128xf32>
    %sub3A_192 = arith.subf %slice3A_190, %slice3A_191 : vector<67x128xf32>
    %abs3A_193 = math.absf %sub3A_192 : vector<67x128xf32>
    %add3A_194 = arith.addf %abs3A_189, %abs3A_193 : vector<67x128xf32>
    %get3A_195 = arith.constant 0 : index
    %get3A_196 = arith.constant 640 : index
    %get3A_197 = vector.load %arg2[%get3A_195, %get3A_196] : memref<67x2048xf32, #tpu.memory_space<vmem>>, vector<67x128xf32>
    %mul3A_198 = arith.mulf %add3A_194, %get3A_197 : vector<67x128xf32>
    %reduce_sum3A_199 = arith.constant dense<0.000000e+00> : vector<128xf32>
    %reduce_sum3A_200 = vector.multi_reduction <add>, %mul3A_198, %reduce_sum3A_199 [0] : vector<67x128xf32> to vector<128xf32>
    %broadcast_in_dim3A_201 = vector.shape_cast %reduce_sum3A_200 : vector<128xf32> to vector<1x128xf32>
    %reduce_sum3A_202 = arith.constant dense<0.000000e+00> : vector<128xf32>
    %reduce_sum3A_203 = vector.multi_reduction <add>, %get3A_197, %reduce_sum3A_202 [0] : vector<67x128xf32> to vector<128xf32>
    %broadcast_in_dim3A_204 = vector.shape_cast %reduce_sum3A_203 : vector<128xf32> to vector<1x128xf32>
    %max3A_205 = arith.constant 1.000000e+00 : f32
    %max3A_206 = vector.broadcast %max3A_205 : f32 to vector<1x128xf32>
    %max3A_207 = arith.maximumf %broadcast_in_dim3A_204, %max3A_206 : vector<1x128xf32>
    %div3A_208 = arith.divf %broadcast_in_dim3A_201, %max3A_207 : vector<1x128xf32>
    %add3A_209 = arith.addf %add3A_173, %div3A_208 : vector<1x128xf32>
    %get3A_210 = arith.constant 0 : index
    %get3A_211 = arith.constant 6 : index
    %get3A_212 = arith.constant 0 : index
    %get3A_213 = arith.constant 0 : index
    %get3A_214 = vector.load %arg1[%get3A_210, %get3A_211, %get3A_212, %get3A_213] : memref<68x16x2x128xf32, #tpu.memory_space<vmem>>, vector<68x1x1x128xf32>
    %get3A_215 = vector.shape_cast %get3A_214 : vector<68x1x1x128xf32> to vector<68x128xf32>
    %get3A_216 = arith.constant 0 : index
    %get3A_217 = arith.constant 6 : index
    %get3A_218 = arith.constant 1 : index
    %get3A_219 = arith.constant 0 : index
    %get3A_220 = vector.load %arg1[%get3A_216, %get3A_217, %get3A_218, %get3A_219] : memref<68x16x2x128xf32, #tpu.memory_space<vmem>>, vector<68x1x1x128xf32>
    %get3A_221 = vector.shape_cast %get3A_220 : vector<68x1x1x128xf32> to vector<68x128xf32>
    %slice3A_222 = vector.extract_strided_slice %get3A_215 {offsets = [0, 0], sizes = [67, 128], strides = [1, 1]} : vector<68x128xf32> to vector<67x128xf32>
    %slice3A_223 = vector.extract_strided_slice %get3A_215 {offsets = [1, 0], sizes = [67, 128], strides = [1, 1]} : vector<68x128xf32> to vector<67x128xf32>
    %sub3A_224 = arith.subf %slice3A_222, %slice3A_223 : vector<67x128xf32>
    %abs3A_225 = math.absf %sub3A_224 : vector<67x128xf32>
    %slice3A_226 = vector.extract_strided_slice %get3A_221 {offsets = [0, 0], sizes = [67, 128], strides = [1, 1]} : vector<68x128xf32> to vector<67x128xf32>
    %slice3A_227 = vector.extract_strided_slice %get3A_221 {offsets = [1, 0], sizes = [67, 128], strides = [1, 1]} : vector<68x128xf32> to vector<67x128xf32>
    %sub3A_228 = arith.subf %slice3A_226, %slice3A_227 : vector<67x128xf32>
    %abs3A_229 = math.absf %sub3A_228 : vector<67x128xf32>
    %add3A_230 = arith.addf %abs3A_225, %abs3A_229 : vector<67x128xf32>
    %get3A_231 = arith.constant 0 : index
    %get3A_232 = arith.constant 768 : index
    %get3A_233 = vector.load %arg2[%get3A_231, %get3A_232] : memref<67x2048xf32, #tpu.memory_space<vmem>>, vector<67x128xf32>
    %mul3A_234 = arith.mulf %add3A_230, %get3A_233 : vector<67x128xf32>
    %reduce_sum3A_235 = arith.constant dense<0.000000e+00> : vector<128xf32>
    %reduce_sum3A_236 = vector.multi_reduction <add>, %mul3A_234, %reduce_sum3A_235 [0] : vector<67x128xf32> to vector<128xf32>
    %broadcast_in_dim3A_237 = vector.shape_cast %reduce_sum3A_236 : vector<128xf32> to vector<1x128xf32>
    %reduce_sum3A_238 = arith.constant dense<0.000000e+00> : vector<128xf32>
    %reduce_sum3A_239 = vector.multi_reduction <add>, %get3A_233, %reduce_sum3A_238 [0] : vector<67x128xf32> to vector<128xf32>
    %broadcast_in_dim3A_240 = vector.shape_cast %reduce_sum3A_239 : vector<128xf32> to vector<1x128xf32>
    %max3A_241 = arith.constant 1.000000e+00 : f32
    %max3A_242 = vector.broadcast %max3A_241 : f32 to vector<1x128xf32>
    %max3A_243 = arith.maximumf %broadcast_in_dim3A_240, %max3A_242 : vector<1x128xf32>
    %div3A_244 = arith.divf %broadcast_in_dim3A_237, %max3A_243 : vector<1x128xf32>
    %add3A_245 = arith.addf %add3A_209, %div3A_244 : vector<1x128xf32>
    %get3A_246 = arith.constant 0 : index
    %get3A_247 = arith.constant 7 : index
    %get3A_248 = arith.constant 0 : index
    %get3A_249 = arith.constant 0 : index
    %get3A_250 = vector.load %arg1[%get3A_246, %get3A_247, %get3A_248, %get3A_249] : memref<68x16x2x128xf32, #tpu.memory_space<vmem>>, vector<68x1x1x128xf32>
    %get3A_251 = vector.shape_cast %get3A_250 : vector<68x1x1x128xf32> to vector<68x128xf32>
    %get3A_252 = arith.constant 0 : index
    %get3A_253 = arith.constant 7 : index
    %get3A_254 = arith.constant 1 : index
    %get3A_255 = arith.constant 0 : index
    %get3A_256 = vector.load %arg1[%get3A_252, %get3A_253, %get3A_254, %get3A_255] : memref<68x16x2x128xf32, #tpu.memory_space<vmem>>, vector<68x1x1x128xf32>
    %get3A_257 = vector.shape_cast %get3A_256 : vector<68x1x1x128xf32> to vector<68x128xf32>
    %slice3A_258 = vector.extract_strided_slice %get3A_251 {offsets = [0, 0], sizes = [67, 128], strides = [1, 1]} : vector<68x128xf32> to vector<67x128xf32>
    %slice3A_259 = vector.extract_strided_slice %get3A_251 {offsets = [1, 0], sizes = [67, 128], strides = [1, 1]} : vector<68x128xf32> to vector<67x128xf32>
    %sub3A_260 = arith.subf %slice3A_258, %slice3A_259 : vector<67x128xf32>
    %abs3A_261 = math.absf %sub3A_260 : vector<67x128xf32>
    %slice3A_262 = vector.extract_strided_slice %get3A_257 {offsets = [0, 0], sizes = [67, 128], strides = [1, 1]} : vector<68x128xf32> to vector<67x128xf32>
    %slice3A_263 = vector.extract_strided_slice %get3A_257 {offsets = [1, 0], sizes = [67, 128], strides = [1, 1]} : vector<68x128xf32> to vector<67x128xf32>
    %sub3A_264 = arith.subf %slice3A_262, %slice3A_263 : vector<67x128xf32>
    %abs3A_265 = math.absf %sub3A_264 : vector<67x128xf32>
    %add3A_266 = arith.addf %abs3A_261, %abs3A_265 : vector<67x128xf32>
    %get3A_267 = arith.constant 0 : index
    %get3A_268 = arith.constant 896 : index
    %get3A_269 = vector.load %arg2[%get3A_267, %get3A_268] : memref<67x2048xf32, #tpu.memory_space<vmem>>, vector<67x128xf32>
    %mul3A_270 = arith.mulf %add3A_266, %get3A_269 : vector<67x128xf32>
    %reduce_sum3A_271 = arith.constant dense<0.000000e+00> : vector<128xf32>
    %reduce_sum3A_272 = vector.multi_reduction <add>, %mul3A_270, %reduce_sum3A_271 [0] : vector<67x128xf32> to vector<128xf32>
    %broadcast_in_dim3A_273 = vector.shape_cast %reduce_sum3A_272 : vector<128xf32> to vector<1x128xf32>
    %reduce_sum3A_274 = arith.constant dense<0.000000e+00> : vector<128xf32>
    %reduce_sum3A_275 = vector.multi_reduction <add>, %get3A_269, %reduce_sum3A_274 [0] : vector<67x128xf32> to vector<128xf32>
    %broadcast_in_dim3A_276 = vector.shape_cast %reduce_sum3A_275 : vector<128xf32> to vector<1x128xf32>
    %max3A_277 = arith.constant 1.000000e+00 : f32
    %max3A_278 = vector.broadcast %max3A_277 : f32 to vector<1x128xf32>
    %max3A_279 = arith.maximumf %broadcast_in_dim3A_276, %max3A_278 : vector<1x128xf32>
    %div3A_280 = arith.divf %broadcast_in_dim3A_273, %max3A_279 : vector<1x128xf32>
    %add3A_281 = arith.addf %add3A_245, %div3A_280 : vector<1x128xf32>
    %get3A_282 = arith.constant 0 : index
    %get3A_283 = arith.constant 8 : index
    %get3A_284 = arith.constant 0 : index
    %get3A_285 = arith.constant 0 : index
    %get3A_286 = vector.load %arg1[%get3A_282, %get3A_283, %get3A_284, %get3A_285] : memref<68x16x2x128xf32, #tpu.memory_space<vmem>>, vector<68x1x1x128xf32>
    %get3A_287 = vector.shape_cast %get3A_286 : vector<68x1x1x128xf32> to vector<68x128xf32>
    %get3A_288 = arith.constant 0 : index
    %get3A_289 = arith.constant 8 : index
    %get3A_290 = arith.constant 1 : index
    %get3A_291 = arith.constant 0 : index
    %get3A_292 = vector.load %arg1[%get3A_288, %get3A_289, %get3A_290, %get3A_291] : memref<68x16x2x128xf32, #tpu.memory_space<vmem>>, vector<68x1x1x128xf32>
    %get3A_293 = vector.shape_cast %get3A_292 : vector<68x1x1x128xf32> to vector<68x128xf32>
    %slice3A_294 = vector.extract_strided_slice %get3A_287 {offsets = [0, 0], sizes = [67, 128], strides = [1, 1]} : vector<68x128xf32> to vector<67x128xf32>
    %slice3A_295 = vector.extract_strided_slice %get3A_287 {offsets = [1, 0], sizes = [67, 128], strides = [1, 1]} : vector<68x128xf32> to vector<67x128xf32>
    %sub3A_296 = arith.subf %slice3A_294, %slice3A_295 : vector<67x128xf32>
    %abs3A_297 = math.absf %sub3A_296 : vector<67x128xf32>
    %slice3A_298 = vector.extract_strided_slice %get3A_293 {offsets = [0, 0], sizes = [67, 128], strides = [1, 1]} : vector<68x128xf32> to vector<67x128xf32>
    %slice3A_299 = vector.extract_strided_slice %get3A_293 {offsets = [1, 0], sizes = [67, 128], strides = [1, 1]} : vector<68x128xf32> to vector<67x128xf32>
    %sub3A_300 = arith.subf %slice3A_298, %slice3A_299 : vector<67x128xf32>
    %abs3A_301 = math.absf %sub3A_300 : vector<67x128xf32>
    %add3A_302 = arith.addf %abs3A_297, %abs3A_301 : vector<67x128xf32>
    %get3A_303 = arith.constant 0 : index
    %get3A_304 = arith.constant 1024 : index
    %get3A_305 = vector.load %arg2[%get3A_303, %get3A_304] : memref<67x2048xf32, #tpu.memory_space<vmem>>, vector<67x128xf32>
    %mul3A_306 = arith.mulf %add3A_302, %get3A_305 : vector<67x128xf32>
    %reduce_sum3A_307 = arith.constant dense<0.000000e+00> : vector<128xf32>
    %reduce_sum3A_308 = vector.multi_reduction <add>, %mul3A_306, %reduce_sum3A_307 [0] : vector<67x128xf32> to vector<128xf32>
    %broadcast_in_dim3A_309 = vector.shape_cast %reduce_sum3A_308 : vector<128xf32> to vector<1x128xf32>
    %reduce_sum3A_310 = arith.constant dense<0.000000e+00> : vector<128xf32>
    %reduce_sum3A_311 = vector.multi_reduction <add>, %get3A_305, %reduce_sum3A_310 [0] : vector<67x128xf32> to vector<128xf32>
    %broadcast_in_dim3A_312 = vector.shape_cast %reduce_sum3A_311 : vector<128xf32> to vector<1x128xf32>
    %max3A_313 = arith.constant 1.000000e+00 : f32
    %max3A_314 = vector.broadcast %max3A_313 : f32 to vector<1x128xf32>
    %max3A_315 = arith.maximumf %broadcast_in_dim3A_312, %max3A_314 : vector<1x128xf32>
    %div3A_316 = arith.divf %broadcast_in_dim3A_309, %max3A_315 : vector<1x128xf32>
    %add3A_317 = arith.addf %add3A_281, %div3A_316 : vector<1x128xf32>
    %get3A_318 = arith.constant 0 : index
    %get3A_319 = arith.constant 9 : index
    %get3A_320 = arith.constant 0 : index
    %get3A_321 = arith.constant 0 : index
    %get3A_322 = vector.load %arg1[%get3A_318, %get3A_319, %get3A_320, %get3A_321] : memref<68x16x2x128xf32, #tpu.memory_space<vmem>>, vector<68x1x1x128xf32>
    %get3A_323 = vector.shape_cast %get3A_322 : vector<68x1x1x128xf32> to vector<68x128xf32>
    %get3A_324 = arith.constant 0 : index
    %get3A_325 = arith.constant 9 : index
    %get3A_326 = arith.constant 1 : index
    %get3A_327 = arith.constant 0 : index
    %get3A_328 = vector.load %arg1[%get3A_324, %get3A_325, %get3A_326, %get3A_327] : memref<68x16x2x128xf32, #tpu.memory_space<vmem>>, vector<68x1x1x128xf32>
    %get3A_329 = vector.shape_cast %get3A_328 : vector<68x1x1x128xf32> to vector<68x128xf32>
    %slice3A_330 = vector.extract_strided_slice %get3A_323 {offsets = [0, 0], sizes = [67, 128], strides = [1, 1]} : vector<68x128xf32> to vector<67x128xf32>
    %slice3A_331 = vector.extract_strided_slice %get3A_323 {offsets = [1, 0], sizes = [67, 128], strides = [1, 1]} : vector<68x128xf32> to vector<67x128xf32>
    %sub3A_332 = arith.subf %slice3A_330, %slice3A_331 : vector<67x128xf32>
    %abs3A_333 = math.absf %sub3A_332 : vector<67x128xf32>
    %slice3A_334 = vector.extract_strided_slice %get3A_329 {offsets = [0, 0], sizes = [67, 128], strides = [1, 1]} : vector<68x128xf32> to vector<67x128xf32>
    %slice3A_335 = vector.extract_strided_slice %get3A_329 {offsets = [1, 0], sizes = [67, 128], strides = [1, 1]} : vector<68x128xf32> to vector<67x128xf32>
    %sub3A_336 = arith.subf %slice3A_334, %slice3A_335 : vector<67x128xf32>
    %abs3A_337 = math.absf %sub3A_336 : vector<67x128xf32>
    %add3A_338 = arith.addf %abs3A_333, %abs3A_337 : vector<67x128xf32>
    %get3A_339 = arith.constant 0 : index
    %get3A_340 = arith.constant 1152 : index
    %get3A_341 = vector.load %arg2[%get3A_339, %get3A_340] : memref<67x2048xf32, #tpu.memory_space<vmem>>, vector<67x128xf32>
    %mul3A_342 = arith.mulf %add3A_338, %get3A_341 : vector<67x128xf32>
    %reduce_sum3A_343 = arith.constant dense<0.000000e+00> : vector<128xf32>
    %reduce_sum3A_344 = vector.multi_reduction <add>, %mul3A_342, %reduce_sum3A_343 [0] : vector<67x128xf32> to vector<128xf32>
    %broadcast_in_dim3A_345 = vector.shape_cast %reduce_sum3A_344 : vector<128xf32> to vector<1x128xf32>
    %reduce_sum3A_346 = arith.constant dense<0.000000e+00> : vector<128xf32>
    %reduce_sum3A_347 = vector.multi_reduction <add>, %get3A_341, %reduce_sum3A_346 [0] : vector<67x128xf32> to vector<128xf32>
    %broadcast_in_dim3A_348 = vector.shape_cast %reduce_sum3A_347 : vector<128xf32> to vector<1x128xf32>
    %max3A_349 = arith.constant 1.000000e+00 : f32
    %max3A_350 = vector.broadcast %max3A_349 : f32 to vector<1x128xf32>
    %max3A_351 = arith.maximumf %broadcast_in_dim3A_348, %max3A_350 : vector<1x128xf32>
    %div3A_352 = arith.divf %broadcast_in_dim3A_345, %max3A_351 : vector<1x128xf32>
    %add3A_353 = arith.addf %add3A_317, %div3A_352 : vector<1x128xf32>
    %get3A_354 = arith.constant 0 : index
    %get3A_355 = arith.constant 10 : index
    %get3A_356 = arith.constant 0 : index
    %get3A_357 = arith.constant 0 : index
    %get3A_358 = vector.load %arg1[%get3A_354, %get3A_355, %get3A_356, %get3A_357] : memref<68x16x2x128xf32, #tpu.memory_space<vmem>>, vector<68x1x1x128xf32>
    %get3A_359 = vector.shape_cast %get3A_358 : vector<68x1x1x128xf32> to vector<68x128xf32>
    %get3A_360 = arith.constant 0 : index
    %get3A_361 = arith.constant 10 : index
    %get3A_362 = arith.constant 1 : index
    %get3A_363 = arith.constant 0 : index
    %get3A_364 = vector.load %arg1[%get3A_360, %get3A_361, %get3A_362, %get3A_363] : memref<68x16x2x128xf32, #tpu.memory_space<vmem>>, vector<68x1x1x128xf32>
    %get3A_365 = vector.shape_cast %get3A_364 : vector<68x1x1x128xf32> to vector<68x128xf32>
    %slice3A_366 = vector.extract_strided_slice %get3A_359 {offsets = [0, 0], sizes = [67, 128], strides = [1, 1]} : vector<68x128xf32> to vector<67x128xf32>
    %slice3A_367 = vector.extract_strided_slice %get3A_359 {offsets = [1, 0], sizes = [67, 128], strides = [1, 1]} : vector<68x128xf32> to vector<67x128xf32>
    %sub3A_368 = arith.subf %slice3A_366, %slice3A_367 : vector<67x128xf32>
    %abs3A_369 = math.absf %sub3A_368 : vector<67x128xf32>
    %slice3A_370 = vector.extract_strided_slice %get3A_365 {offsets = [0, 0], sizes = [67, 128], strides = [1, 1]} : vector<68x128xf32> to vector<67x128xf32>
    %slice3A_371 = vector.extract_strided_slice %get3A_365 {offsets = [1, 0], sizes = [67, 128], strides = [1, 1]} : vector<68x128xf32> to vector<67x128xf32>
    %sub3A_372 = arith.subf %slice3A_370, %slice3A_371 : vector<67x128xf32>
    %abs3A_373 = math.absf %sub3A_372 : vector<67x128xf32>
    %add3A_374 = arith.addf %abs3A_369, %abs3A_373 : vector<67x128xf32>
    %get3A_375 = arith.constant 0 : index
    %get3A_376 = arith.constant 1280 : index
    %get3A_377 = vector.load %arg2[%get3A_375, %get3A_376] : memref<67x2048xf32, #tpu.memory_space<vmem>>, vector<67x128xf32>
    %mul3A_378 = arith.mulf %add3A_374, %get3A_377 : vector<67x128xf32>
    %reduce_sum3A_379 = arith.constant dense<0.000000e+00> : vector<128xf32>
    %reduce_sum3A_380 = vector.multi_reduction <add>, %mul3A_378, %reduce_sum3A_379 [0] : vector<67x128xf32> to vector<128xf32>
    %broadcast_in_dim3A_381 = vector.shape_cast %reduce_sum3A_380 : vector<128xf32> to vector<1x128xf32>
    %reduce_sum3A_382 = arith.constant dense<0.000000e+00> : vector<128xf32>
    %reduce_sum3A_383 = vector.multi_reduction <add>, %get3A_377, %reduce_sum3A_382 [0] : vector<67x128xf32> to vector<128xf32>
    %broadcast_in_dim3A_384 = vector.shape_cast %reduce_sum3A_383 : vector<128xf32> to vector<1x128xf32>
    %max3A_385 = arith.constant 1.000000e+00 : f32
    %max3A_386 = vector.broadcast %max3A_385 : f32 to vector<1x128xf32>
    %max3A_387 = arith.maximumf %broadcast_in_dim3A_384, %max3A_386 : vector<1x128xf32>
    %div3A_388 = arith.divf %broadcast_in_dim3A_381, %max3A_387 : vector<1x128xf32>
    %add3A_389 = arith.addf %add3A_353, %div3A_388 : vector<1x128xf32>
    %get3A_390 = arith.constant 0 : index
    %get3A_391 = arith.constant 11 : index
    %get3A_392 = arith.constant 0 : index
    %get3A_393 = arith.constant 0 : index
    %get3A_394 = vector.load %arg1[%get3A_390, %get3A_391, %get3A_392, %get3A_393] : memref<68x16x2x128xf32, #tpu.memory_space<vmem>>, vector<68x1x1x128xf32>
    %get3A_395 = vector.shape_cast %get3A_394 : vector<68x1x1x128xf32> to vector<68x128xf32>
    %get3A_396 = arith.constant 0 : index
    %get3A_397 = arith.constant 11 : index
    %get3A_398 = arith.constant 1 : index
    %get3A_399 = arith.constant 0 : index
    %get3A_400 = vector.load %arg1[%get3A_396, %get3A_397, %get3A_398, %get3A_399] : memref<68x16x2x128xf32, #tpu.memory_space<vmem>>, vector<68x1x1x128xf32>
    %get3A_401 = vector.shape_cast %get3A_400 : vector<68x1x1x128xf32> to vector<68x128xf32>
    %slice3A_402 = vector.extract_strided_slice %get3A_395 {offsets = [0, 0], sizes = [67, 128], strides = [1, 1]} : vector<68x128xf32> to vector<67x128xf32>
    %slice3A_403 = vector.extract_strided_slice %get3A_395 {offsets = [1, 0], sizes = [67, 128], strides = [1, 1]} : vector<68x128xf32> to vector<67x128xf32>
    %sub3A_404 = arith.subf %slice3A_402, %slice3A_403 : vector<67x128xf32>
    %abs3A_405 = math.absf %sub3A_404 : vector<67x128xf32>
    %slice3A_406 = vector.extract_strided_slice %get3A_401 {offsets = [0, 0], sizes = [67, 128], strides = [1, 1]} : vector<68x128xf32> to vector<67x128xf32>
    %slice3A_407 = vector.extract_strided_slice %get3A_401 {offsets = [1, 0], sizes = [67, 128], strides = [1, 1]} : vector<68x128xf32> to vector<67x128xf32>
    %sub3A_408 = arith.subf %slice3A_406, %slice3A_407 : vector<67x128xf32>
    %abs3A_409 = math.absf %sub3A_408 : vector<67x128xf32>
    %add3A_410 = arith.addf %abs3A_405, %abs3A_409 : vector<67x128xf32>
    %get3A_411 = arith.constant 0 : index
    %get3A_412 = arith.constant 1408 : index
    %get3A_413 = vector.load %arg2[%get3A_411, %get3A_412] : memref<67x2048xf32, #tpu.memory_space<vmem>>, vector<67x128xf32>
    %mul3A_414 = arith.mulf %add3A_410, %get3A_413 : vector<67x128xf32>
    %reduce_sum3A_415 = arith.constant dense<0.000000e+00> : vector<128xf32>
    %reduce_sum3A_416 = vector.multi_reduction <add>, %mul3A_414, %reduce_sum3A_415 [0] : vector<67x128xf32> to vector<128xf32>
    %broadcast_in_dim3A_417 = vector.shape_cast %reduce_sum3A_416 : vector<128xf32> to vector<1x128xf32>
    %reduce_sum3A_418 = arith.constant dense<0.000000e+00> : vector<128xf32>
    %reduce_sum3A_419 = vector.multi_reduction <add>, %get3A_413, %reduce_sum3A_418 [0] : vector<67x128xf32> to vector<128xf32>
    %broadcast_in_dim3A_420 = vector.shape_cast %reduce_sum3A_419 : vector<128xf32> to vector<1x128xf32>
    %max3A_421 = arith.constant 1.000000e+00 : f32
    %max3A_422 = vector.broadcast %max3A_421 : f32 to vector<1x128xf32>
    %max3A_423 = arith.maximumf %broadcast_in_dim3A_420, %max3A_422 : vector<1x128xf32>
    %div3A_424 = arith.divf %broadcast_in_dim3A_417, %max3A_423 : vector<1x128xf32>
    %add3A_425 = arith.addf %add3A_389, %div3A_424 : vector<1x128xf32>
    %get3A_426 = arith.constant 0 : index
    %get3A_427 = arith.constant 12 : index
    %get3A_428 = arith.constant 0 : index
    %get3A_429 = arith.constant 0 : index
    %get3A_430 = vector.load %arg1[%get3A_426, %get3A_427, %get3A_428, %get3A_429] : memref<68x16x2x128xf32, #tpu.memory_space<vmem>>, vector<68x1x1x128xf32>
    %get3A_431 = vector.shape_cast %get3A_430 : vector<68x1x1x128xf32> to vector<68x128xf32>
    %get3A_432 = arith.constant 0 : index
    %get3A_433 = arith.constant 12 : index
    %get3A_434 = arith.constant 1 : index
    %get3A_435 = arith.constant 0 : index
    %get3A_436 = vector.load %arg1[%get3A_432, %get3A_433, %get3A_434, %get3A_435] : memref<68x16x2x128xf32, #tpu.memory_space<vmem>>, vector<68x1x1x128xf32>
    %get3A_437 = vector.shape_cast %get3A_436 : vector<68x1x1x128xf32> to vector<68x128xf32>
    %slice3A_438 = vector.extract_strided_slice %get3A_431 {offsets = [0, 0], sizes = [67, 128], strides = [1, 1]} : vector<68x128xf32> to vector<67x128xf32>
    %slice3A_439 = vector.extract_strided_slice %get3A_431 {offsets = [1, 0], sizes = [67, 128], strides = [1, 1]} : vector<68x128xf32> to vector<67x128xf32>
    %sub3A_440 = arith.subf %slice3A_438, %slice3A_439 : vector<67x128xf32>
    %abs3A_441 = math.absf %sub3A_440 : vector<67x128xf32>
    %slice3A_442 = vector.extract_strided_slice %get3A_437 {offsets = [0, 0], sizes = [67, 128], strides = [1, 1]} : vector<68x128xf32> to vector<67x128xf32>
    %slice3A_443 = vector.extract_strided_slice %get3A_437 {offsets = [1, 0], sizes = [67, 128], strides = [1, 1]} : vector<68x128xf32> to vector<67x128xf32>
    %sub3A_444 = arith.subf %slice3A_442, %slice3A_443 : vector<67x128xf32>
    %abs3A_445 = math.absf %sub3A_444 : vector<67x128xf32>
    %add3A_446 = arith.addf %abs3A_441, %abs3A_445 : vector<67x128xf32>
    %get3A_447 = arith.constant 0 : index
    %get3A_448 = arith.constant 1536 : index
    %get3A_449 = vector.load %arg2[%get3A_447, %get3A_448] : memref<67x2048xf32, #tpu.memory_space<vmem>>, vector<67x128xf32>
    %mul3A_450 = arith.mulf %add3A_446, %get3A_449 : vector<67x128xf32>
    %reduce_sum3A_451 = arith.constant dense<0.000000e+00> : vector<128xf32>
    %reduce_sum3A_452 = vector.multi_reduction <add>, %mul3A_450, %reduce_sum3A_451 [0] : vector<67x128xf32> to vector<128xf32>
    %broadcast_in_dim3A_453 = vector.shape_cast %reduce_sum3A_452 : vector<128xf32> to vector<1x128xf32>
    %reduce_sum3A_454 = arith.constant dense<0.000000e+00> : vector<128xf32>
    %reduce_sum3A_455 = vector.multi_reduction <add>, %get3A_449, %reduce_sum3A_454 [0] : vector<67x128xf32> to vector<128xf32>
    %broadcast_in_dim3A_456 = vector.shape_cast %reduce_sum3A_455 : vector<128xf32> to vector<1x128xf32>
    %max3A_457 = arith.constant 1.000000e+00 : f32
    %max3A_458 = vector.broadcast %max3A_457 : f32 to vector<1x128xf32>
    %max3A_459 = arith.maximumf %broadcast_in_dim3A_456, %max3A_458 : vector<1x128xf32>
    %div3A_460 = arith.divf %broadcast_in_dim3A_453, %max3A_459 : vector<1x128xf32>
    %add3A_461 = arith.addf %add3A_425, %div3A_460 : vector<1x128xf32>
    %get3A_462 = arith.constant 0 : index
    %get3A_463 = arith.constant 13 : index
    %get3A_464 = arith.constant 0 : index
    %get3A_465 = arith.constant 0 : index
    %get3A_466 = vector.load %arg1[%get3A_462, %get3A_463, %get3A_464, %get3A_465] : memref<68x16x2x128xf32, #tpu.memory_space<vmem>>, vector<68x1x1x128xf32>
    %get3A_467 = vector.shape_cast %get3A_466 : vector<68x1x1x128xf32> to vector<68x128xf32>
    %get3A_468 = arith.constant 0 : index
    %get3A_469 = arith.constant 13 : index
    %get3A_470 = arith.constant 1 : index
    %get3A_471 = arith.constant 0 : index
    %get3A_472 = vector.load %arg1[%get3A_468, %get3A_469, %get3A_470, %get3A_471] : memref<68x16x2x128xf32, #tpu.memory_space<vmem>>, vector<68x1x1x128xf32>
    %get3A_473 = vector.shape_cast %get3A_472 : vector<68x1x1x128xf32> to vector<68x128xf32>
    %slice3A_474 = vector.extract_strided_slice %get3A_467 {offsets = [0, 0], sizes = [67, 128], strides = [1, 1]} : vector<68x128xf32> to vector<67x128xf32>
    %slice3A_475 = vector.extract_strided_slice %get3A_467 {offsets = [1, 0], sizes = [67, 128], strides = [1, 1]} : vector<68x128xf32> to vector<67x128xf32>
    %sub3A_476 = arith.subf %slice3A_474, %slice3A_475 : vector<67x128xf32>
    %abs3A_477 = math.absf %sub3A_476 : vector<67x128xf32>
    %slice3A_478 = vector.extract_strided_slice %get3A_473 {offsets = [0, 0], sizes = [67, 128], strides = [1, 1]} : vector<68x128xf32> to vector<67x128xf32>
    %slice3A_479 = vector.extract_strided_slice %get3A_473 {offsets = [1, 0], sizes = [67, 128], strides = [1, 1]} : vector<68x128xf32> to vector<67x128xf32>
    %sub3A_480 = arith.subf %slice3A_478, %slice3A_479 : vector<67x128xf32>
    %abs3A_481 = math.absf %sub3A_480 : vector<67x128xf32>
    %add3A_482 = arith.addf %abs3A_477, %abs3A_481 : vector<67x128xf32>
    %get3A_483 = arith.constant 0 : index
    %get3A_484 = arith.constant 1664 : index
    %get3A_485 = vector.load %arg2[%get3A_483, %get3A_484] : memref<67x2048xf32, #tpu.memory_space<vmem>>, vector<67x128xf32>
    %mul3A_486 = arith.mulf %add3A_482, %get3A_485 : vector<67x128xf32>
    %reduce_sum3A_487 = arith.constant dense<0.000000e+00> : vector<128xf32>
    %reduce_sum3A_488 = vector.multi_reduction <add>, %mul3A_486, %reduce_sum3A_487 [0] : vector<67x128xf32> to vector<128xf32>
    %broadcast_in_dim3A_489 = vector.shape_cast %reduce_sum3A_488 : vector<128xf32> to vector<1x128xf32>
    %reduce_sum3A_490 = arith.constant dense<0.000000e+00> : vector<128xf32>
    %reduce_sum3A_491 = vector.multi_reduction <add>, %get3A_485, %reduce_sum3A_490 [0] : vector<67x128xf32> to vector<128xf32>
    %broadcast_in_dim3A_492 = vector.shape_cast %reduce_sum3A_491 : vector<128xf32> to vector<1x128xf32>
    %max3A_493 = arith.constant 1.000000e+00 : f32
    %max3A_494 = vector.broadcast %max3A_493 : f32 to vector<1x128xf32>
    %max3A_495 = arith.maximumf %broadcast_in_dim3A_492, %max3A_494 : vector<1x128xf32>
    %div3A_496 = arith.divf %broadcast_in_dim3A_489, %max3A_495 : vector<1x128xf32>
    %add3A_497 = arith.addf %add3A_461, %div3A_496 : vector<1x128xf32>
    %get3A_498 = arith.constant 0 : index
    %get3A_499 = arith.constant 14 : index
    %get3A_500 = arith.constant 0 : index
    %get3A_501 = arith.constant 0 : index
    %get3A_502 = vector.load %arg1[%get3A_498, %get3A_499, %get3A_500, %get3A_501] : memref<68x16x2x128xf32, #tpu.memory_space<vmem>>, vector<68x1x1x128xf32>
    %get3A_503 = vector.shape_cast %get3A_502 : vector<68x1x1x128xf32> to vector<68x128xf32>
    %get3A_504 = arith.constant 0 : index
    %get3A_505 = arith.constant 14 : index
    %get3A_506 = arith.constant 1 : index
    %get3A_507 = arith.constant 0 : index
    %get3A_508 = vector.load %arg1[%get3A_504, %get3A_505, %get3A_506, %get3A_507] : memref<68x16x2x128xf32, #tpu.memory_space<vmem>>, vector<68x1x1x128xf32>
    %get3A_509 = vector.shape_cast %get3A_508 : vector<68x1x1x128xf32> to vector<68x128xf32>
    %slice3A_510 = vector.extract_strided_slice %get3A_503 {offsets = [0, 0], sizes = [67, 128], strides = [1, 1]} : vector<68x128xf32> to vector<67x128xf32>
    %slice3A_511 = vector.extract_strided_slice %get3A_503 {offsets = [1, 0], sizes = [67, 128], strides = [1, 1]} : vector<68x128xf32> to vector<67x128xf32>
    %sub3A_512 = arith.subf %slice3A_510, %slice3A_511 : vector<67x128xf32>
    %abs3A_513 = math.absf %sub3A_512 : vector<67x128xf32>
    %slice3A_514 = vector.extract_strided_slice %get3A_509 {offsets = [0, 0], sizes = [67, 128], strides = [1, 1]} : vector<68x128xf32> to vector<67x128xf32>
    %slice3A_515 = vector.extract_strided_slice %get3A_509 {offsets = [1, 0], sizes = [67, 128], strides = [1, 1]} : vector<68x128xf32> to vector<67x128xf32>
    %sub3A_516 = arith.subf %slice3A_514, %slice3A_515 : vector<67x128xf32>
    %abs3A_517 = math.absf %sub3A_516 : vector<67x128xf32>
    %add3A_518 = arith.addf %abs3A_513, %abs3A_517 : vector<67x128xf32>
    %get3A_519 = arith.constant 0 : index
    %get3A_520 = arith.constant 1792 : index
    %get3A_521 = vector.load %arg2[%get3A_519, %get3A_520] : memref<67x2048xf32, #tpu.memory_space<vmem>>, vector<67x128xf32>
    %mul3A_522 = arith.mulf %add3A_518, %get3A_521 : vector<67x128xf32>
    %reduce_sum3A_523 = arith.constant dense<0.000000e+00> : vector<128xf32>
    %reduce_sum3A_524 = vector.multi_reduction <add>, %mul3A_522, %reduce_sum3A_523 [0] : vector<67x128xf32> to vector<128xf32>
    %broadcast_in_dim3A_525 = vector.shape_cast %reduce_sum3A_524 : vector<128xf32> to vector<1x128xf32>
    %reduce_sum3A_526 = arith.constant dense<0.000000e+00> : vector<128xf32>
    %reduce_sum3A_527 = vector.multi_reduction <add>, %get3A_521, %reduce_sum3A_526 [0] : vector<67x128xf32> to vector<128xf32>
    %broadcast_in_dim3A_528 = vector.shape_cast %reduce_sum3A_527 : vector<128xf32> to vector<1x128xf32>
    %max3A_529 = arith.constant 1.000000e+00 : f32
    %max3A_530 = vector.broadcast %max3A_529 : f32 to vector<1x128xf32>
    %max3A_531 = arith.maximumf %broadcast_in_dim3A_528, %max3A_530 : vector<1x128xf32>
    %div3A_532 = arith.divf %broadcast_in_dim3A_525, %max3A_531 : vector<1x128xf32>
    %add3A_533 = arith.addf %add3A_497, %div3A_532 : vector<1x128xf32>
    %get3A_534 = arith.constant 0 : index
    %get3A_535 = arith.constant 15 : index
    %get3A_536 = arith.constant 0 : index
    %get3A_537 = arith.constant 0 : index
    %get3A_538 = vector.load %arg1[%get3A_534, %get3A_535, %get3A_536, %get3A_537] : memref<68x16x2x128xf32, #tpu.memory_space<vmem>>, vector<68x1x1x128xf32>
    %get3A_539 = vector.shape_cast %get3A_538 : vector<68x1x1x128xf32> to vector<68x128xf32>
    %get3A_540 = arith.constant 0 : index
    %get3A_541 = arith.constant 15 : index
    %get3A_542 = arith.constant 1 : index
    %get3A_543 = arith.constant 0 : index
    %get3A_544 = vector.load %arg1[%get3A_540, %get3A_541, %get3A_542, %get3A_543] : memref<68x16x2x128xf32, #tpu.memory_space<vmem>>, vector<68x1x1x128xf32>
    %get3A_545 = vector.shape_cast %get3A_544 : vector<68x1x1x128xf32> to vector<68x128xf32>
    %slice3A_546 = vector.extract_strided_slice %get3A_539 {offsets = [0, 0], sizes = [67, 128], strides = [1, 1]} : vector<68x128xf32> to vector<67x128xf32>
    %slice3A_547 = vector.extract_strided_slice %get3A_539 {offsets = [1, 0], sizes = [67, 128], strides = [1, 1]} : vector<68x128xf32> to vector<67x128xf32>
    %sub3A_548 = arith.subf %slice3A_546, %slice3A_547 : vector<67x128xf32>
    %abs3A_549 = math.absf %sub3A_548 : vector<67x128xf32>
    %slice3A_550 = vector.extract_strided_slice %get3A_545 {offsets = [0, 0], sizes = [67, 128], strides = [1, 1]} : vector<68x128xf32> to vector<67x128xf32>
    %slice3A_551 = vector.extract_strided_slice %get3A_545 {offsets = [1, 0], sizes = [67, 128], strides = [1, 1]} : vector<68x128xf32> to vector<67x128xf32>
    %sub3A_552 = arith.subf %slice3A_550, %slice3A_551 : vector<67x128xf32>
    %abs3A_553 = math.absf %sub3A_552 : vector<67x128xf32>
    %add3A_554 = arith.addf %abs3A_549, %abs3A_553 : vector<67x128xf32>
    %get3A_555 = arith.constant 0 : index
    %get3A_556 = arith.constant 1920 : index
    %get3A_557 = vector.load %arg2[%get3A_555, %get3A_556] : memref<67x2048xf32, #tpu.memory_space<vmem>>, vector<67x128xf32>
    %mul3A_558 = arith.mulf %add3A_554, %get3A_557 : vector<67x128xf32>
    %reduce_sum3A_559 = arith.constant dense<0.000000e+00> : vector<128xf32>
    %reduce_sum3A_560 = vector.multi_reduction <add>, %mul3A_558, %reduce_sum3A_559 [0] : vector<67x128xf32> to vector<128xf32>
    %broadcast_in_dim3A_561 = vector.shape_cast %reduce_sum3A_560 : vector<128xf32> to vector<1x128xf32>
    %reduce_sum3A_562 = arith.constant dense<0.000000e+00> : vector<128xf32>
    %reduce_sum3A_563 = vector.multi_reduction <add>, %get3A_557, %reduce_sum3A_562 [0] : vector<67x128xf32> to vector<128xf32>
    %broadcast_in_dim3A_564 = vector.shape_cast %reduce_sum3A_563 : vector<128xf32> to vector<1x128xf32>
    %max3A_565 = arith.constant 1.000000e+00 : f32
    %max3A_566 = vector.broadcast %max3A_565 : f32 to vector<1x128xf32>
    %max3A_567 = arith.maximumf %broadcast_in_dim3A_564, %max3A_566 : vector<1x128xf32>
    %div3A_568 = arith.divf %broadcast_in_dim3A_561, %max3A_567 : vector<1x128xf32>
    %add3A_569 = arith.addf %add3A_533, %div3A_568 : vector<1x128xf32>
    %get3A_570 = arith.constant 0 : index
    %get3A_571 = arith.constant 0 : index
    %get3A_572 = vector.load %arg3[%get3A_570, %get3A_571] : memref<1x128xf32, #tpu.memory_space<vmem>>, vector<1x128xf32>
    %add3A_573 = arith.addf %get3A_572, %add3A_569 : vector<1x128xf32>
    %swap3A = arith.constant 0 : index
    %swap3A_574 = arith.constant 0 : index
    %swap3A_575 = vector.load %arg3[%swap3A, %swap3A_574] : memref<1x128xf32, #tpu.memory_space<vmem>>, vector<1x128xf32>
    tpu.vector_store %arg3[%swap3A, %swap3A_574], %add3A_573 {strides = array<i32>} : memref<1x128xf32, #tpu.memory_space<vmem>>, vector<1x128xf32>,
    return
  }
  func.func @transform_0(%arg0: i32) -> (i32, i32, i32, i32) {
    %add3A = arith.constant 6 : i32
    %add3A_0 = arith.addi %add3A, %arg0 : i32
    %c0_i32 = arith.constant 0 : i32
    %c0_i32_1 = arith.constant 0 : i32
    %c0_i32_2 = arith.constant 0 : i32
    %c0_i32_3 = arith.constant 0 : i32
    return %c0_i32, %add3A_0, %c0_i32_1, %c0_i32_2 : i32, i32, i32, i32
  }
  func.func @transform_1(%arg0: i32) -> (i32, i32) {
    %add3A = arith.constant 6 : i32
    %add3A_0 = arith.addi %add3A, %arg0 : i32
    %c0_i32 = arith.constant 0 : i32
    %c0_i32_1 = arith.constant 0 : i32
    return %c0_i32, %add3A_0 : i32, i32
  }
  func.func @transform_2(%arg0: i32) -> (i32, i32) {
    %c0_i32 = arith.constant 0 : i32
    %c0_i32_0 = arith.constant 0 : i32
    %c0_i32_1 = arith.constant 0 : i32
    return %c0_i32, %c0_i32_0 : i32, i32
  }
}

</mosaic_0001>

<sc_bundles>
// kernel: kernel.4.cloned.1.call-start
scs
__scs_entry_jumppad:
0x0: {  	(pc) =	sbr.rel $0x88, $3  }
0x1: {  	(tag) =	ssettag $0x0;
	lr =	simm.s32 $0x1  }
0x2: {  	[smem:$0x3F9F] =	sst lr;
	_ =	strace $0xD0000000  }
0x3: {  	_ = 	snop  }
0x4: {  	_ = 	snop  }
0x5: {  	_ = 	snop  }
0x6: {  	_ = 	snop  }
0x7: {  	_ = 	snop  }
__scs_overlays_trampoline_lowered:
0x8: {  	[smem:$0x3FAE] =	sst s0  }
0x9: {  	[smem:$0x3FAF] =	sst s1  }
0xa: {  	[smem:$0x3FB0] =	sst s2  }
0xb: {  	[smem:$0x3FB1] =	sst s3  }
0xc: {  	[smem:$0x3FB2] =	sst s4  }
0xd: {  	[smem:$0x3FB3] =	sst s5  }
0xe: {  	[smem:$0x3FB4] =	sst s6  }
0xf: {  	[smem:$0x3FB5] =	sst s7  }
0x10: {  	[smem:$0x3FB6] =	sst s8  }
0x11: {  	[smem:$0x3FB7] =	sst s9;
	s0 =	simm.s32 @!p0 $0x0  }
0x12: {  	s1 =	sld [smem:$0x3F9D];
	s0 =	simm.s32 @p0 $0x1  }
0x13: {  	[smem:$0x3FB8] =	sst s0;
	s0 =	simm.s32 @!p1 $0x0  }
0x14: {  	s2 =	sld [smem:$0x3F9C];
	s0 =	simm.s32 @p1 $0x1  }
0x15: {  	[smem:$0x3FB9] =	sst s0;
	s0 =	simm.s32 @!p2 $0x0  }
0x16: {  	s3 =	sld [smem:$0x3FDB];
	s0 =	simm.s32 @p2 $0x1  }
0x17: {  	s4 =	simm.s32 $0x1BF5;
	[smem:$0x3FBB] =	sst s0  }
0x18: {  	s0 =	sld [smem:$0x3F9E];
	_ =	swait.ge [sflag:s4], $0x0  }
0x19: {  	s7 =	sld [smem:$0x3F9F]  }
0x1a: {  	s8 =	sadd.s32 $0xFFFFE003, lr  }
0x1b: {  	s9 =	sadd.s32 $0xFFFFFEF7, lr;
	s5 =	simm.s32 $0xFFFFFFFF;
	p2 =	slt.u32 s8, $0xFFFFF086  }
0x1c: {  	p1 =	slt.u32 s9, $0xF7A;
	s5 =	simm.s32 @!p2 $0x0  }
0x1d: {  	s5 =	simm.s32 @p1 $0x1;
	p0 =	seq.s32 s7, s2  }
0x1e: {  	s7 =	smul.u32 @!p0 $0xF7A, s2;
	p2 =	seq.s32 @!p0 s5, $0x0  }
0x1f: {  	s9 =	smul.u32 $0xF7A, s1;
	s8 =	simm.s32 @!p0 $0x1BF5;
	p2 =	por !p2, p0  }
0x20: {  	[sflag:s8] =	ssyncset.s32 @!p0 $0xFFFFF086;
	s6 =	sadd.s32 @!p0 s3, s7;
	s7 =	simm.s32 @!p0 $0x108  }
0x21: {  	s3 =	sadd.s32 s3, s9;
	s6 =	sadd.s32 @!p0 $0x88, s6;
	s7 =	simm.s32 @p2 $0x1082  }
0x22: {  	[simem:s7], [sflag:s8] =	dma.local @!p0 [hbm:s6], $0xF7A  }
0x23: {  	s9 =	sor.u32 $0xD0000000, s2;
	s6 =	simm.s32 $0x108;
	_ =	swait.ge @!p0 [sflag:s8], $0x0  }
0x24: {  	s3 =	sadd.s32 $0x88, s3;
	s6 =	simm.s32 @!p1 $0x1082;
	[sflag:s4] =	ssyncset.s32 $0xFFFFF086  }
0x25: {  	[simem:s6], [sflag:s4] =	dma.local [hbm:s3], $0xF7A  }
0x26: {  	[smem:$0x3F9F] =	sst s1;
	(tag) =	ssettag s2;
	_ =	strace s9  }
0x27: {  	s1 =	sld [smem:$0x3FAF]  }
0x28: {  	s2 =	sld [smem:$0x3FB0]  }
0x29: {  	s4 =	sld [smem:$0x3FB2]  }
0x2a: {  	p0 =	seq.s32 s5, $0x0;
	s5 =	sld [smem:$0x3FB3]  }
0x2b: {  	s6 =	sld [smem:$0x3FB4]  }
0x2c: {  	s7 =	sld [smem:$0x3FB5]  }
0x2d: {  	s3 =	simm.s32 $0x108;
	s8 =	sld [smem:$0x3FB6]  }
0x2e: {  	s3 =	simm.s32 @!p0 $0x1082;
	s9 =	sld [smem:$0x3FB7]  }
0x2f: {  	lr =	sadd.s32 s0, s3;
	s0 =	sld [smem:$0x3FAE]  }
0x30: {  	s3 =	sld [smem:$0x3FB1]  }
0x31: {  	[smem:$0x3FBA] =	sst s10  }
0x32: {  	s10 =	sld [smem:$0x3FB8];
	_ =	sdelay $0x3  }
0x33: {  	p0 =	seq.s32 s10, $0x1;
	s10 =	sld [smem:$0x3FBA];
	_ =	sdelay $0x3  }
0x34: {  	[smem:$0x3FBA] =	sst s10  }
0x35: {  	s10 =	sld [smem:$0x3FB9];
	_ =	sdelay $0x3  }
0x36: {  	p1 =	seq.s32 s10, $0x1;
	s10 =	sld [smem:$0x3FBA];
	_ =	sdelay $0x3  }
0x37: {  	[smem:$0x3FBA] =	sst s10  }
0x38: {  	s10 =	sld [smem:$0x3FBB]  }
0x39: {  	_ = 	snop;
	(pc) =	sbr.ind lr, $3  }
0x3a: {  	_ = 	snop  }
0x3b: {  	_ = 	snop  }
0x3c: {  	p2 =	seq.s32 s10, $0x1;
	s10 =	sld [smem:$0x3FBA]  }
0x3d: {  	_ =	shalt  }
0x3e: {  	_ =	shalt  }
0x3f: {  	_ =	shalt  }
0x40: {  	_ =	shalt  }
0x41: {  	_ =	shalt  }
0x42: {  	_ =	shalt  }
0x43: {  	_ =	shalt  }
0x44: {  	_ =	shalt  }
0x45: {  	_ =	shalt  }
0x46: {  	_ =	shalt  }
0x47: {  	_ =	shalt  }
0x48: {  	_ =	shalt  }
0x49: {  	_ =	shalt  }
0x4a: {  	_ =	shalt  }
0x4b: {  	_ =	shalt  }
0x4c: {  	_ =	shalt  }
0x4d: {  	_ =	shalt  }
0x4e: {  	_ =	shalt  }
0x4f: {  	_ =	shalt  }
0x50: {  	_ =	shalt  }
0x51: {  	_ =	shalt  }
0x52: {  	_ =	shalt  }
0x53: {  	_ =	shalt  }
0x54: {  	_ =	shalt  }
0x55: {  	_ =	shalt  }
0x56: {  	_ =	shalt  }
0x57: {  	_ =	shalt  }
0x58: {  	_ =	shalt  }
0x59: {  	_ =	shalt  }
0x5a: {  	_ =	shalt  }
0x5b: {  	_ =	shalt  }
0x5c: {  	_ =	shalt  }
0x5d: {  	_ =	shalt  }
0x5e: {  	_ =	shalt  }
0x5f: {  	_ =	shalt  }
0x60: {  	_ =	shalt  }
0x61: {  	_ =	shalt  }
0x62: {  	_ =	shalt  }
0x63: {  	_ =	shalt  }
0x64: {  	_ =	shalt  }
0x65: {  	_ =	shalt  }
0x66: {  	_ =	shalt  }
0x67: {  	_ =	shalt  }
0x68: {  	_ =	shalt  }
0x69: {  	_ =	shalt  }
0x6a: {  	_ =	shalt  }
0x6b: {  	_ =	shalt  }
0x6c: {  	_ =	shalt  }
0x6d: {  	_ =	shalt  }
0x6e: {  	_ =	shalt  }
0x6f: {  	_ =	shalt  }
0x70: {  	_ =	shalt  }
0x71: {  	_ =	shalt  }
0x72: {  	_ =	shalt  }
0x73: {  	_ =	shalt  }
0x74: {  	_ =	shalt  }
0x75: {  	_ =	shalt  }
0x76: {  	_ =	shalt  }
0x77: {  	_ =	shalt  }
0x78: {  	_ =	shalt  }
0x79: {  	_ =	shalt  }
0x7a: {  	_ =	shalt  }
0x7b: {  	_ =	shalt  }
0x7c: {  	_ =	shalt  }
0x7d: {  	_ =	shalt  }
0x7e: {  	_ =	shalt  }
0x7f: {  	_ =	shalt  }
0x80: {  	_ =	shalt  }
0x81: {  	_ =	shalt  }
0x82: {  	_ =	shalt  }
0x83: {  	_ =	shalt  }
0x84: {  	_ =	shalt  }
0x85: {  	_ =	shalt  }
0x86: {  	_ =	shalt  }
0x87: {  	_ =	shalt  }
.Lfunc_end0:
.L_simem_size_0:
called_computation_lowered:
.L_overlay_start_0:
0x88: {  	s2 =	sld [smem:$0x3FD9]  }
0x89: {  	s3 =	sld [smem:$0x3FFE];
	_ =	sdelay $0x1  }
0x8a: {  	s1 =	srdreg.scid  }
0x8b: {  	s0 =	sand.u32 $0x1, s1  }
0x8c: {  	s17 =	sshll.u32 s0, $0xA;
	s2 =	sadd.s32 s3, s2  }
0x8d: {  	s2 =	sadd.s32 s2, s17  }
0x8e: {  	[smem:$0x3FC6] =	sst s2  }
0x8f: {  	_ = 	snop  }
0x90: {  	s2 =	sld [smem:$0x3FC9]  }
0x91: {  	s18 =	sld [smem:$0x3FC8];
	(tm) =	ssettm $0x1  }
0x92: {  	s4 =	sld [smem:$0x3FFB];
	_ =	sdelay $0x3  }
0x93: {  	_ =	strace s4  }
0x94: {  	s4 =	sld [smem:$0x3FFC];
	_ =	sdelay $0x3  }
0x95: {  	_ =	strace s4  }
0x96: {  	s4 =	sld [smem:$0x3FFD];
	_ =	sdelay $0x3  }
0x97: {  	_ =	strace s4  }
0x98: {  	_ =	strace $0x8FFFFFFF  }
0x99: {  	s19 =	sld [smem:$0x3FDB];
	_ =	sdelay $0x1  }
0x9a: {  	s5 =	simm.s32 $_scs_section_size  }
0x9b: {  	s6 =	simm.s32 $_size__tile_overlayer_lowered;
	s7 =	simm.s32 $_tile_overlayer_lowered  }
0x9c: {  	s22 =	simm.s32 $0x1BFF;
	s21 =	sshll.u32 s7, $0x1;
	s4 =	sadd.s32 s5, s19  }
0x9d: {  	s8 =	simm.s32 $0x0;
	s20 =	sshll.u32 s6, $0x1;
	s6 =	sadd.s32 s21, s4  }
0x9e: {  	[timem:s8], [sflag:s22] =	dma.local [hbm:s6], s20  }
0x9f: {  	_ =	swait.ge [sflag:s22], s20  }
0xa0: {  	s5 =	ssub.s32 $0x0, s20;
	[sflag:s22] =	ssyncset.done $0x0  }
0xa1: {  	[sflag:s22] =	ssyncadd.s32 s5;
	_ =	sdelay $0x1  }
0xa2: {  	s23 =	simm.s32 $0x1B8B  }
0xa3: {  	_ =	swait.ge [sflag:s23], $0x1  }
0xa4: {  	[sflag:s23] =	ssyncset.done $0x0  }
0xa5: {  	s25 =	simm.s32 $0x1B8E;
	s24 =	sld [smem:$0x3FFE];
	[sflag:s23] =	ssyncadd.s32 $0xFFFFFFFF  }
0xa6: {  	s26 =	simm.s32 $execute0_lowered;
	[smem:$0x3FD2] =	sst s25  }
0xa7: {  	s6 =	sshll.u32 s26, $0x1;
	_ =	strace $0x80000046;
	[dreg:$0x1] =	wrdreg $0xFFFFFFFF  }
0xa8: {  	s28 =	simm.s32 $_size_execute0_lowered;
	s4 =	sadd.s32 s4, s6;
	[dreg:$0x0] =	wrdreg $0x0  }
0xa9: {  	s6 =	sshll.u32 s28, $0x1;
	[dreg:$0x2] =	wrdreg s4  }
0xaa: {  	[dreg:$0x3] =	wrdreg s6  }
0xab: {  	[dreg:$0x4] =	wrdreg $0xC0  }
0xac: {  	_ =	task [dreg:s8], $0x5FFFF  }
0xad: {  	[dreg:$0x1] =	wrdreg $0xFFFFFFFF  }
0xae: {  	[dreg:$0x0] =	wrdreg $0x60  }
0xaf: {  	[dreg:$0x2] =	wrdreg s2  }
0xb0: {  	[dreg:$0x3] =	wrdreg s18  }
0xb1: {  	[dreg:$0x4] =	wrdreg s24  }
0xb2: {  	[dreg:$0x5] =	wrdreg $0x9  }
0xb3: {  	_ =	task.clear_ibuf [dreg:s8], $0x6FFFF;
	_ =	strace $0x90000046  }
0xb4: {  	s29 =	simm.s32 $0x9;
	_ =	strace $0x80000048  }
0xb5: {  	_ =	swait.ge [sflag:s29], $0x1  }
0xb6: {  	[sflag:s29] =	ssyncadd.s32 $0xFFFFFFFF  }
0xb7: {  	_ =	strace $0x90000048  }
0xb8: {  	_ =	sfence  }
0xb9: {  	s30 =	sld [smem:$0x0];
	_ =	sdelay $0x2  }
0xba: {  	s31 =	sshll.u32 s1, $0xD;
	s1 =	sshrl.u32 s1, $0x2  }
0xbb: {  	s3 =	sand.u32 $0x4000, s31;
	s1 =	sadd.s32 s1, s30  }
0xbc: {  	s0 =	sor.u32 s3, s0;
	s1 =	sshll.u32 s1, $0x11  }
0xbd: {  	s0 =	sor.u32 s1, s0  }
0xbe: {  	s0 =	sadd.s32 $0x8F2B, s0  }
0xbf: {  	[sflag:s0] =	ssyncadd.remote.s32 $0x1  }
0xc0: {  	_ =	sfence.sel $0xFFFF  }
0xc1: {  	[dreg:$0x0] =	wrdreg $0xFFFFFFFF;
	(pc) =	sbr.abs _section_cstart, $3  }
0xc2: {  	[dreg:$0x1] =	wrdreg $0xFFFFFFFF  }
0xc3: {  	_ =	task.clear_ibuf [dreg:s8], $0x2FFFF;
	_ =	strace $0x9FFFFFFF  }
0xc4: {  	(tm) =	ssettm $0x7FFFFFFF  }
0xc5: {  	_ =	shalt  }
tec
execute0_lowered:
.L_overlay_start_1:
0x0: {  	(tag) =	ssettag $0x1  }
0x1: {  	s9 =	rddreg [dreg:$0x0];
	s1 =	srdreg.scid  }
0x2: {  	s0 =	stileid.u32;
	s10 =	rddreg [dreg:$0x1]  }
0x3: {  	s11 =	rddreg [dreg:$0x2];
	s2 =	simm.s32 $0x0;
	s16 =	simm.s32 $0x20000  }
0x4: {  	s17 =	simm.s32 $0x8800;
	s18 =	simm.s32 $0xA800;
	s19 =	simm.s32 $0x4400  }
0x5: {  	s20 =	simm.s32 $0xAC00;
	s21 =	simm.s32 $0xCC00;
	s22 =	simm.s32 $0x1  }
0x6: {  	s23 =	simm.s32 $0x2;
	s3 =	sand.u32 $0x1, s1;
	s30 =	sshll.u32 s0, $0x1  }
0x7: {  	s24 =	simm.s32 $0xD000;
	s25 =	simm.s32 $0x3;
	s12 =	sor.u32 s3, s30  }
0x8: {  	s26 =	simm.s32 $0x0;
	s1 =	rddreg [dreg:$0x3];
	s13 =	smul.u32 $0x3, s12  }
0x9: {  	[smem:$0x7FF] =	sst s2;
	s3 =	ssub.s32 $0x2, s3;
	s4 =	smul.u32 $0x60, s12  }
0xa: {  	s5 =	sshrl.u32 s3, $0x1;
	s6 =	smul.u32 $0x180, s12;
	s12 =	sshll.u32 s12, $0x4  }
0xb: {  	_ =	strace $0x80000047;
	s14 =	ssub.s32 s3, s5;
	s11 =	sadd.s32 s11, s12  }
0xc: {  	s7 =	sadd.s32 $0x1, s13;
	s3 =	sadd.s32 s9, s4;
	s4 =	sadd.s32 s10, s6  }
0xd: {  	s13 =	sadd.s32 $0x2, s13;
	s12 =	smax.u32 s14, $0x1;
	s14 =	simm.s32 $0x8000  }
0xe: {  	s31 =	sshll.u32 s7, $0x7;
	s5 =	sadd.s32 $0x20000, s4;
	s7 =	sshll.u32 s7, $0x5  }
0xf: {  	s15 =	sshll.u32 s13, $0x5;
	s13 =	sshll.u32 s13, $0x7;
	s6 =	sadd.s32 s10, s31  }
0x10: {  	s7 =	sadd.s32 s9, s7;
	s9 =	sadd.s32 s9, s15;
	s10 =	sadd.s32 s10, s13  }
0x11: {  	s13 =	simm.s32 $0x100;
	s15 =	simm.s32 $0x400;
	s8 =	sadd.s32 $0x20000, s6  }
.LBB2_1:
0x12: {  	[tilespmem:s2], [sflag:$0x1] =	stream.strided.gather [hbm4b:s3+s13], $0x4400, s14, s13, $0x38;
	[tilespmem:$0xD080] =	vst v63  }
0x13: {  	_ = 	snop  }
0x14: {  	[tilespmem:s17], [sflag:$0x1] =	stream.strided.gather [hbm4b:s4+s15], $0x2000, s16, s15, $0x38;
	[tilespmem:$0xD080] =	vst v63  }
0x15: {  	_ = 	snop  }
0x16: {  	[tilespmem:s18], [sflag:$0x1] =	stream.linear.gather [hbm4b:s5+s2], $0x180, $0x38;
	[tilespmem:$0xD080] =	vst v63  }
0x17: {  	_ = 	snop  }
0x18: {  	[tilespmem:s19], [sflag:$0x2] =	stream.strided.gather [hbm4b:s7+s13], $0x4400, s14, s13, $0x38;
	[tilespmem:$0xD080] =	vst v63  }
0x19: {  	_ = 	snop  }
0x1a: {  	[tilespmem:s20], [sflag:$0x2] =	stream.strided.gather [hbm4b:s6+s15], $0x2000, s16, s15, $0x38;
	[tilespmem:$0xD080] =	vst v63  }
0x1b: {  	_ = 	snop  }
0x1c: {  	[tilespmem:s21], [sflag:$0x2] =	stream.linear.gather [hbm4b:s8+s2], $0x180, $0x38;
	[tilespmem:$0xD080] =	vst v63  }
0x1d: {  	_ =	swait.ge [sflag:s22], $0x4400  }
0x1e: {  	[sflag:s22] =	ssyncset.done $0x0  }
0x1f: {  	[sflag:s22] =	ssyncadd.s32 $0xFFFFBC00  }
0x20: {  	_ =	swait.ge [sflag:s22], $0x2180  }
0x21: {  	[sflag:s22] =	ssyncset.done $0x0  }
0x22: {  	[sflag:s22] =	ssyncadd.s32 $0xFFFFDE80  }
0x23: {  	v13 =	vld [tilespmem:$0x0]  }
0x24: {  	v1 =	vld [tilespmem:$0x10]  }
0x25: {  	v2 =	vld [tilespmem:$0x20]  }
0x26: {  	v5 =	vld [tilespmem:$0x30]  }
0x27: {  	v9 =	vld [tilespmem:$0x40]  }
0x28: {  	v14 =	vld [tilespmem:$0x50]  }
0x29: {  	v18 =	vld [tilespmem:$0x60]  }
0x2a: {  	v0 =	vld [tilespmem:$0x70]  }
0x2b: {  	v3 =	vld [tilespmem:$0x80]  }
0x2c: {  	v6 =	vld [tilespmem:$0x90]  }
0x2d: {  	v7 =	vld [tilespmem:$0xA0]  }
0x2e: {  	v20 =	vld [tilespmem:$0xB0]  }
0x2f: {  	v21 =	vld [tilespmem:$0xC0]  }
0x30: {  	v23 =	vld [tilespmem:$0xD0]  }
0x31: {  	s29 =	simm.s32 $0x1F0;
	v4 =	vld [tilespmem:$0xF0]  }
0x32: {  	v15 =	vld [tilespmem:s29+$0xFFFFFF80]  }
0x33: {  	v16 =	vld [tilespmem:s29+$0x0]  }
0x34: {  	v12 =	vld [tilespmem:s29+$0xFFFFFF90]  }
0x35: {  	v17 =	vld [tilespmem:s29+$0xFFFFFF20]  }
0x36: {  	v10 =	vld [tilespmem:s29+$0xFFFFFF30]  }
0x37: {  	s28 =	simm.s32 $0x0;
	v11 =	vld [tilespmem:s29+$0xFFFFFFA0]  }
0x38: {  	v25 =	vld [tilespmem:s28+$0x8870]  }
0x39: {  	v8 =	vld [tilespmem:s29+$0xFFFFFFB0]  }
0x3a: {  	v19 =	vsub.f32 v0, v15;
	v0 =	vld [tilespmem:s29+$0xFFFFFF40]  }
0x3b: {  	v4 =	vsub.f32 v4, v16;
	v28 =	vsub.f32 v2, v10;
	v2 =	vld [tilespmem:s29+$0xFFFFFFD0]  }
0x3c: {  	v26 =	vsub.f32 v1, v17;
	v27 =	vsub.f32 v3, v12;
	v3 =	vld [tilespmem:s29+$0xFFFFFF60]  }
0x3d: {  	v6 =	vsub.f32 v6, v11;
	v1 =	vand.u32 $0x7FFFFFFF, v19;
	v19 =	vand.u32 $0x7FFFFFFF, v4;
	v4 =	vld [tilespmem:s29+$0xFFFFFFC0]  }
0x3e: {  	v22 =	vimm.f32 $0.0e+00;
	v24 =	vld [tilespmem:$0xE0];
	v19 =	vadd.f32 v19, v1  }
0x3f: {  	v7 =	vsub.f32 v7, v8;
	v26 =	vand.u32 $0x7FFFFFFF, v26;
	v6 =	vand.u32 $0x7FFFFFFF, v6;
	v1 =	vld [tilespmem:s29+$0xFFFFFF50]  }
0x40: {  	v26 =	vadd.f32 v6, v26;
	v19 =	vmul.f32 v19, v25;
	v29 =	vsub.f32 v5, v0;
	v5 =	vld [tilespmem:s29+$0xFFFFFFE0]  }
0x41: {  	v28 =	vand.u32 $0x7FFFFFFF, v28;
	v6 =	vld [tilespmem:s29+$0xFFFFFF70];
	v21 =	vsub.f32 v21, v2;
	v14 =	vsub.f32 v14, v3  }
0x42: {  	v36 =	vld [tilespmem:s28+$0x8830];
	v7 =	vand.u32 $0x7FFFFFFF, v7;
	v19 =	vadd.f32 v19, v22;
	v30 =	vsub.f32 v20, v4  }
0x43: {  	v20 =	vadd.f32 v25, v22;
	v25 =	vadd.f32 v7, v28;
	v7 =	vld [tilespmem:s29+$0xFFFFFFF0]  }
0x44: {  	v29 =	vand.u32 $0x7FFFFFFF, v29;
	v21 =	vand.u32 $0x7FFFFFFF, v21;
	v28 =	vsub.f32 v9, v1;
	v9 =	vld [tilespmem:s29+$0xFFFFFF10]  }
0x45: {  	v34 =	vld [tilespmem:s28+$0x8800];
	v14 =	vand.u32 $0x7FFFFFFF, v14;
	v30 =	vand.u32 $0x7FFFFFFF, v30;
	v23 =	vsub.f32 v23, v5  }
0x46: {  	v31 =	vld [tilespmem:s28+$0x8810];
	v18 =	vsub.f32 v18, v6;
	v28 =	vand.u32 $0x7FFFFFFF, v28;
	v29 =	vadd.f32 v30, v29  }
0x47: {  	v30 =	vld [tilespmem:s28+$0x8820];
	v35 =	vadd.f32 v21, v28;
	v28 =	vimm.f32 $0.0e+00;
	v21 =	vand.u32 $0x7FFFFFFF, v23  }
0x48: {  	v23 =	vsub.f32 v24, v7;
	v24 =	vand.u32 $0x7FFFFFFF, v27;
	v44 =	vmul.f32 v29, v36  }
0x49: {  	v29 =	vimm.f32 $0.0e+00;
	v27 =	vimm.f32 $0.0e+00;
	v13 =	vsub.f32 v13, v9  }
0x4a: {  	v38 =	vadd.f32 v21, v14;
	v14 =	vand.u32 $0x7FFFFFFF, v18;
	v21 =	vadd.f32 v34, v22  }
0x4b: {  	v37 =	vld [tilespmem:s28+$0x8840];
	v18 =	vand.u32 $0x7FFFFFFF, v23;
	v23 =	vmul.f32 v26, v31;
	v26 =	vimm.f32 $0.0e+00  }
0x4c: {  	v33 =	vld [tilespmem:s28+$0x8850];
	v13 =	vand.u32 $0x7FFFFFFF, v13;
	v39 =	vadd.f32 v18, v14;
	v43 =	vmul.f32 v25, v30  }
0x4d: {  	v32 =	vld [tilespmem:s28+$0x8860];
	s28 =	simm.s32 $0x2F0;
	v14 =	vadd.f32 v30, v22;
	v30 =	vimm.f32 $0.0e+00;
	v42 =	vadd.f32 v24, v13  }
0x4e: {  	v40 =	vld [tilespmem:s28+$0xFFFFFF80];
	v25 =	vimm.f32 $0.0e+00;
	v13 =	vadd.f32 v31, v22;
	v18 =	vadd.f32 v23, v22  }
0x4f: {  	s30 =	simm.s32 $0x400;
	s29 =	simm.s32 $0x200;
	v41 =	vld [tilespmem:s28+$0x0];
	v31 =	vimm.f32 $0.0e+00;
	v24 =	vimm.f32 $0.0e+00;
	v23 =	vimm.f32 $0.0e+00  }
.LBB2_2:
0x50: {  	p0 =	sne.s32 s30, $0x8400;
	v45 =	vld [tilespmem:s28+$0xFFFFFF90];
	v34 =	vmul.f32 v42, v34;
	v22 =	vadd.f32 v43, v22;
	v35 =	vmul.f32 v35, v37  }
0x51: {  	v31 =	vadd.f32 v36, v31;
	v42 =	vld [tilespmem:s28+$0xFFFFFF20];
	v30 =	vadd.f32 v44, v30;
	v36 =	vmul.f32 v38, v33  }
0x52: {  	v38 =	vld [tilespmem:s28+$0xFFFFFFA0];
	v26 =	vadd.f32 v34, v26;
	v29 =	vadd.f32 v35, v29;
	v34 =	vmul.f32 v39, v32  }
0x53: {  	s31 =	sshra.s32 s29, $0x2;
	v27 =	vadd.f32 v37, v27;
	s29 =	smov.u32 s30;
	v35 =	vld [tilespmem:s28+$0xFFFFFF30];
	v28 =	vadd.f32 v36, v28  }
0x54: {  	v37 =	vsub.f32 v15, v40;
	v15 =	vmovc v40;
	v36 =	vld [tilespmem:s31+$0x8870];
	v39 =	vsub.f32 v16, v41;
	v16 =	vmov v41  }
0x55: {  	v25 =	vadd.f32 v34, v25;
	v40 =	vsub.f32 v12, v45;
	v41 =	vld [tilespmem:s28+$0xFFFFFFB0];
	v12 =	vmov v45  }
0x56: {  	v37 =	vand.u32 $0x7FFFFFFF, v37;
	v34 =	vsub.f32 v17, v42;
	v43 =	vld [tilespmem:s28+$0xFFFFFF40];
	v39 =	vand.u32 $0x7FFFFFFF, v39;
	v17 =	vmovc v42  }
0x57: {  	v42 =	vand.u32 $0x7FFFFFFF, v40;
	v40 =	vsub.f32 v11, v38;
	v44 =	vld [tilespmem:s28+$0xFFFFFFC0];
	v37 =	vadd.f32 v39, v37;
	v11 =	vmovc v38  }
0x58: {  	v24 =	vadd.f32 v33, v24;
	v34 =	vand.u32 $0x7FFFFFFF, v34;
	v38 =	vsub.f32 v10, v35;
	v39 =	vld [tilespmem:s28+$0xFFFFFF50];
	v10 =	vmovc v35  }
0x59: {  	v23 =	vadd.f32 v32, v23;
	v33 =	vand.u32 $0x7FFFFFFF, v40;
	v35 =	vld [tilespmem:s28+$0xFFFFFFD0];
	v37 =	vmul.f32 v37, v36  }
0x5a: {  	v32 =	vadd.f32 v33, v34;
	v33 =	vand.u32 $0x7FFFFFFF, v38;
	v34 =	vsub.f32 v8, v41;
	v38 =	vld [tilespmem:s28+$0xFFFFFF60];
	v8 =	vmovc v41  }
0x5b: {  	v40 =	vsub.f32 v0, v43;
	v41 =	vld [tilespmem:s28+$0xFFFFFFE0];
	v19 =	vadd.f32 v37, v19;
	v0 =	vmov v43  }
0x5c: {  	v20 =	vadd.f32 v36, v20;
	v34 =	vand.u32 $0x7FFFFFFF, v34;
	v37 =	vsub.f32 v4, v44;
	v43 =	vld [tilespmem:s28+$0xFFFFFF70];
	v4 =	vmovc v44  }
0x5d: {  	v44 =	vadd.f32 v34, v33;
	v33 =	vand.u32 $0x7FFFFFFF, v40;
	v36 =	vsub.f32 v1, v39;
	v40 =	vld [tilespmem:s28+$0xFFFFFFF0];
	v1 =	vmovc v39  }
0x5e: {  	v39 =	vld [tilespmem:s28+$0xFFFFFF10];
	v37 =	vand.u32 $0x7FFFFFFF, v37;
	v45 =	vsub.f32 v2, v35;
	v2 =	vmov v35  }
0x5f: {  	v34 =	vld [tilespmem:s31+$0x8800];
	v46 =	vadd.f32 v37, v33;
	v33 =	vand.u32 $0x7FFFFFFF, v36;
	v36 =	vsub.f32 v3, v38;
	v3 =	vmovc v38  }
0x60: {  	v47 =	vld [tilespmem:s31+$0x8810];
	v35 =	vand.u32 $0x7FFFFFFF, v45;
	v37 =	vsub.f32 v5, v41;
	v5 =	vmov v41  }
0x61: {  	v45 =	vld [tilespmem:s31+$0x8820];
	v35 =	vadd.f32 v35, v33;
	v33 =	vand.u32 $0x7FFFFFFF, v36;
	v41 =	vsub.f32 v6, v43;
	v6 =	vmovc v43  }
0x62: {  	v36 =	vld [tilespmem:s31+$0x8830];
	v38 =	vand.u32 $0x7FFFFFFF, v37;
	v43 =	vsub.f32 v7, v40;
	v7 =	vmov v40  }
.Ltmp0:
0x63: {  	v40 =	vsub.f32 v9, v39;
	v37 =	vld [tilespmem:s31+$0x8840];
	v38 =	vadd.f32 v38, v33;
	v41 =	vand.u32 $0x7FFFFFFF, v41;
	v9 =	vmovc v39;
	(pc) =	sbr.rel @p0 .LBB2_2-.Ltmp0, $4  }
0x64: {  	v21 =	vadd.f32 v34, v21;
	v33 =	vld [tilespmem:s31+$0x8850];
	v39 =	vand.u32 $0x7FFFFFFF, v43  }
0x65: {  	s28 =	sadd.s32 $0x100, s28;
	v43 =	vand.u32 $0x7FFFFFFF, v40;
	v48 =	vmul.f32 v32, v47;
	v32 =	vld [tilespmem:s31+$0x8860];
	v39 =	vadd.f32 v39, v41  }
0x66: {  	v13 =	vadd.f32 v47, v13;
	v40 =	vld [tilespmem:s28+$0xFFFFFF80];
	v42 =	vadd.f32 v42, v43;
	v43 =	vmul.f32 v44, v45  }
0x67: {  	s30 =	sadd.s32 $0x200, s30;
	v14 =	vadd.f32 v45, v14;
	v41 =	vld [tilespmem:s28+$0x0];
	v18 =	vadd.f32 v48, v18;
	v44 =	vmul.f32 v46, v36  }
0x68: {  	v45 =	vld [tilespmem:s28+$0xFFFFFF90]  }
0x69: {  	v46 =	vld [tilespmem:s28+$0xFFFFFF20]  }
0x6a: {  	v47 =	vld [tilespmem:s28+$0xFFFFFFA0]  }
0x6b: {  	v48 =	vld [tilespmem:s28+$0xFFFFFF30]  }
0x6c: {  	v50 =	vld [tilespmem:s28+$0xFFFFFFB0]  }
0x6d: {  	v51 =	vld [tilespmem:s28+$0xFFFFFF40]  }
0x6e: {  	v53 =	vld [tilespmem:s28+$0xFFFFFFC0]  }
0x6f: {  	v56 =	vld [tilespmem:s28+$0xFFFFFF50]  }
0x70: {  	v57 =	vld [tilespmem:s28+$0xFFFFFFD0]  }
0x71: {  	v58 =	vld [tilespmem:s28+$0xFFFFFF60]  }
0x72: {  	v59 =	vld [tilespmem:s28+$0xFFFFFFE0]  }
0x73: {  	v52 =	vld [tilespmem:s28+$0xFFFFFF70]  }
0x74: {  	v62 =	vld [tilespmem:s28+$0xFFFFFFF0]  }
0x75: {  	s29 =	sshra.s32 s29, $0x2;
	v63 =	vld [tilespmem:s28+$0xFFFFFF10]  }
0x76: {  	v49 =	vld [tilespmem:s29+$0x8870]  }
0x77: {  	v60 =	vld [tilespmem:s29+$0x8800]  }
0x78: {  	v61 =	vld [tilespmem:s29+$0x8810]  }
0x79: {  	v55 =	vld [tilespmem:s29+$0x8850]  }
0x7a: {  	v54 =	vld [tilespmem:s29+$0x8860]  }
0x7b: {  	[tilespmem:$0x1FF00] =	vst v62;
	v62 =	vld [tilespmem:s29+$0x8820]  }
0x7c: {  	s28 =	simm.s32 $0x0;
	[tilespmem:$0x1FF10] =	vst v63;
	v63 =	vld [tilespmem:s29+$0x8830]  }
0x7d: {  	[tilespmem:$0x1FEF0] =	vst v52;
	v52 =	vld [tilespmem:s29+$0x8840];
	[tilespmem:s28], [sflag:$0x1] =	stream.strided.gather [hbm4b:s9+s13], $0x4400, s14, s13, $0x38  }
0x7e: {  	_ = 	snop  }
0x7f: {  	v15 =	vsub.f32 v15, v40;
	[tilespmem:s17], [sflag:$0x1] =	stream.strided.gather [hbm4b:s10+s15], $0x2000, s16, s15, $0x38;
	[tilespmem:$0xD080] =	vst v63  }
0x80: {  	v16 =	vsub.f32 v16, v41;
	s29 =	sadd.s32 $0x20000, s10  }
0x81: {  	v17 =	vsub.f32 v17, v46;
	v15 =	vand.u32 $0x7FFFFFFF, v15;
	v11 =	vsub.f32 v11, v47;
	[tilespmem:s18], [sflag:$0x1] =	stream.linear.gather [hbm4b:s29+s28], $0x180, $0x38;
	[tilespmem:$0xD080] =	vst v63  }
0x82: {  	v1 =	vsub.f32 v1, v56;
	v2 =	vsub.f32 v2, v57;
	v16 =	vand.u32 $0x7FFFFFFF, v16;
	_ =	swait.ge [sflag:s23], $0x4400  }
0x83: {  	v3 =	vsub.f32 v3, v58;
	v15 =	vadd.f32 v16, v15;
	[sflag:s23] =	ssyncset.done $0x0  }
0x84: {  	v16 =	vand.u32 $0x7FFFFFFF, v17;
	v11 =	vand.u32 $0x7FFFFFFF, v11;
	v1 =	vand.u32 $0x7FFFFFFF, v1;
	[sflag:s23] =	ssyncadd.s32 $0xFFFFBC00  }
0x85: {  	v2 =	vand.u32 $0x7FFFFFFF, v2;
	v11 =	vadd.f32 v11, v16;
	v16 =	vadd.f32 v49, v20;
	_ =	swait.ge [sflag:s23], $0x2180  }
0x86: {  	v34 =	vmul.f32 v42, v34;
	v1 =	vadd.f32 v2, v1;
	v2 =	vand.u32 $0x7FFFFFFF, v3;
	[sflag:s23] =	ssyncset.done $0x0;
	v3 =	vld [tilespmem:$0x1FEF0]  }
0x87: {  	[tilespmem:$0x1FEE0] =	vst v16;
	v16 =	vld [tilespmem:$0x1FF00];
	[sflag:s23] =	ssyncadd.s32 $0xFFFFDE80  }
0x88: {  	v26 =	vadd.f32 v34, v26;
	v34 =	vld [tilespmem:$0x4400]  }
0x89: {  	v31 =	vadd.f32 v36, v31;
	v36 =	vld [tilespmem:$0x4410]  }
0x8a: {  	v35 =	vmul.f32 v35, v37;
	v27 =	vadd.f32 v37, v27;
	v37 =	vld [tilespmem:$0x4420]  }
0x8b: {  	v30 =	vadd.f32 v44, v30;
	v15 =	vmul.f32 v15, v49;
	v44 =	vld [tilespmem:$0x4430]  }
0x8c: {  	v22 =	vadd.f32 v43, v22;
	v43 =	vmul.f32 v38, v33;
	v12 =	vsub.f32 v12, v45;
	v45 =	vld [tilespmem:$0x4440]  }
0x8d: {  	v15 =	vadd.f32 v15, v19;
	v46 =	vld [tilespmem:$0x4450]  }
0x8e: {  	v29 =	vadd.f32 v35, v29;
	v35 =	vadd.f32 v43, v28;
	v28 =	vmul.f32 v39, v32;
	v47 =	vld [tilespmem:$0x4460]  }
0x8f: {  	v0 =	vsub.f32 v0, v51;
	v4 =	vsub.f32 v4, v53;
	[tilespmem:$0x1FED0] =	vst v15;
	v15 =	vld [tilespmem:$0x4470]  }
0x90: {  	v25 =	vadd.f32 v28, v25;
	v10 =	vsub.f32 v10, v48;
	v51 =	vld [tilespmem:$0x4480]  }
0x91: {  	v8 =	vsub.f32 v8, v50;
	v0 =	vand.u32 $0x7FFFFFFF, v0;
	v4 =	vand.u32 $0x7FFFFFFF, v4;
	v19 =	vld [tilespmem:$0x4490]  }
0x92: {  	v5 =	vsub.f32 v5, v59;
	v0 =	vadd.f32 v4, v0;
	v4 =	vld [tilespmem:$0x44A0]  }
0x93: {  	v17 =	vadd.f32 v33, v24;
	v7 =	vsub.f32 v7, v16;
	v16 =	vld [tilespmem:$0x1FF10]  }
0x94: {  	v10 =	vand.u32 $0x7FFFFFFF, v10;
	v8 =	vand.u32 $0x7FFFFFFF, v8;
	v5 =	vand.u32 $0x7FFFFFFF, v5;
	v24 =	vld [tilespmem:$0x44B0]  }
0x95: {  	v8 =	vadd.f32 v8, v10;
	v11 =	vmul.f32 v11, v61;
	v0 =	vmul.f32 v0, v63;
	v53 =	vld [tilespmem:$0x44D0]  }
0x96: {  	v2 =	vadd.f32 v5, v2;
	v5 =	vadd.f32 v60, v21;
	s29 =	simm.s32 $0x45F0;
	v21 =	vld [tilespmem:$0x44F0]  }
0x97: {  	v1 =	vmul.f32 v1, v52;
	v57 =	vadd.f32 v11, v18;
	v0 =	vadd.f32 v0, v30;
	v18 =	vld [tilespmem:s29+$0x0]  }
0x98: {  	v20 =	vld [tilespmem:s29+$0xFFFFFF90];
	v3 =	vsub.f32 v6, v3;
	v9 =	vsub.f32 v9, v16  }
0x99: {  	v12 =	vand.u32 $0x7FFFFFFF, v12;
	v1 =	vadd.f32 v1, v29;
	[tilespmem:$0x1FF70] =	vst v0;
	v0 =	vadd.f32 v63, v31;
	v31 =	vld [tilespmem:s29+$0xFFFFFF20]  }
0x9a: {  	v28 =	vld [tilespmem:s29+$0xFFFFFF30];
	v3 =	vand.u32 $0x7FFFFFFF, v3;
	v7 =	vand.u32 $0x7FFFFFFF, v7;
	v9 =	vand.u32 $0x7FFFFFFF, v9  }
0x9b: {  	s28 =	simm.s32 $0x0;
	v29 =	vld [tilespmem:s29+$0xFFFFFF10];
	v3 =	vadd.f32 v7, v3;
	v7 =	vadd.f32 v12, v9  }
0x9c: {  	v8 =	vmul.f32 v8, v62;
	v50 =	vld [tilespmem:s28+$0xAC00]  }
0x9d: {  	v23 =	vadd.f32 v32, v23;
	v56 =	vadd.f32 v61, v13;
	v59 =	vld [tilespmem:s28+$0xAC10];
	v7 =	vmul.f32 v7, v60  }
0x9e: {  	v58 =	vadd.f32 v62, v14;
	v8 =	vadd.f32 v8, v22;
	[tilespmem:$0x1FF80] =	vst v0;
	v0 =	vmul.f32 v2, v55;
	v61 =	vld [tilespmem:s28+$0xAC20]  }
0x9f: {  	[tilespmem:$0x1FFA0] =	vst v1;
	v1 =	vadd.f32 v52, v27;
	v16 =	vld [tilespmem:s29+$0xFFFFFF80];
	v2 =	vadd.f32 v7, v26  }
0xa0: {  	v38 =	vimm.f32 $0.0e+00;
	[tilespmem:$0x1FF60] =	vst v8;
	v30 =	vld [tilespmem:s29+$0xFFFFFFA0];
	v0 =	vadd.f32 v0, v35;
	v8 =	vsub.f32 v37, v28  }
0xa1: {  	v22 =	vld [tilespmem:s29+$0xFFFFFFE0];
	v63 =	vsub.f32 v34, v29;
	v37 =	vadd.f32 v50, v38;
	[tilespmem:$0x1FF90] =	vst v2;
	v2 =	vmul.f32 v3, v54  }
0xa2: {  	[tilespmem:$0x1FFB0] =	vst v1;
	v27 =	vld [tilespmem:s29+$0xFFFFFFC0];
	v32 =	vadd.f32 v59, v38;
	v3 =	vadd.f32 v55, v17  }
0xa3: {  	v42 =	vimm.f32 $0.0e+00;
	[tilespmem:$0x1FFC0] =	vst v0;
	v33 =	vadd.f32 v61, v38;
	v26 =	vld [tilespmem:s29+$0xFFFFFF40];
	v0 =	vadd.f32 v2, v25  }
0xa4: {  	v43 =	vimm.f32 $0.0e+00;
	v1 =	vsub.f32 v15, v16;
	v25 =	vld [tilespmem:s29+$0xFFFFFFB0];
	[tilespmem:$0x1FFE0] =	vst v3;
	v3 =	vadd.f32 v54, v23  }
0xa5: {  	v40 =	vimm.f32 $0.0e+00;
	v7 =	vsub.f32 v19, v30;
	v2 =	vsub.f32 v21, v18;
	[tilespmem:$0x1FFD0] =	vst v0;
	v0 =	vld [tilespmem:s28+$0xAC70]  }
0xa6: {  	v39 =	vimm.f32 $0.0e+00;
	v60 =	vsub.f32 v53, v22;
	v17 =	vld [tilespmem:s29+$0xFFFFFF50];
	[tilespmem:$0x1FFF0] =	vst v3;
	v3 =	vsub.f32 v36, v31  }
0xa7: {  	v6 =	vld [tilespmem:$0x44C0];
	v1 =	vand.u32 $0x7FFFFFFF, v1;
	v7 =	vand.u32 $0x7FFFFFFF, v7;
	v2 =	vand.u32 $0x7FFFFFFF, v2  }
0xa8: {  	v19 =	vld [tilespmem:s29+$0xFFFFFFD0];
	v1 =	vadd.f32 v2, v1;
	v2 =	vsub.f32 v51, v20;
	v3 =	vand.u32 $0x7FFFFFFF, v3  }
0xa9: {  	v41 =	vimm.f32 $0.0e+00;
	[tilespmem:$0x1FF20] =	vst v5;
	v5 =	vld [tilespmem:$0x44E0];
	v4 =	vsub.f32 v4, v25;
	v3 =	vadd.f32 v7, v3  }
0xaa: {  	v21 =	vld [tilespmem:s29+$0xFFFFFF60];
	v7 =	vand.u32 $0x7FFFFFFF, v8;
	v8 =	vsub.f32 v44, v26;
	v1 =	vmul.f32 v1, v0  }
0xab: {  	v10 =	vand.u32 $0x7FFFFFFF, v60;
	v23 =	vld [tilespmem:s29+$0xFFFFFF70];
	v36 =	vadd.f32 v0, v38;
	v0 =	vsub.f32 v45, v17  }
0xac: {  	v35 =	vadd.f32 v1, v38;
	v1 =	vand.u32 $0x7FFFFFFF, v4;
	v4 =	vsub.f32 v24, v27;
	v24 =	vld [tilespmem:s29+$0xFFFFFFF0]  }
0xad: {  	v62 =	vand.u32 $0x7FFFFFFF, v2;
	v7 =	vadd.f32 v1, v7;
	v1 =	vsub.f32 v6, v19  }
0xae: {  	v44 =	vimm.f32 $0.0e+00;
	v0 =	vand.u32 $0x7FFFFFFF, v0;
	v6 =	vand.u32 $0x7FFFFFFF, v8  }
0xaf: {  	v8 =	vsub.f32 v46, v21;
	v4 =	vand.u32 $0x7FFFFFFF, v4;
	v1 =	vand.u32 $0x7FFFFFFF, v1  }
0xb0: {  	v3 =	vmul.f32 v3, v59;
	v6 =	vadd.f32 v4, v6;
	v0 =	vadd.f32 v1, v0;
	v1 =	vld [tilespmem:s28+$0xAC30]  }
0xb1: {  	v51 =	vld [tilespmem:s28+$0xAC40];
	v4 =	vand.u32 $0x7FFFFFFF, v8;
	v8 =	vsub.f32 v47, v23;
	v5 =	vsub.f32 v5, v24  }
0xb2: {  	v49 =	vld [tilespmem:s28+$0xAC50];
	v45 =	vimm.f32 $0.0e+00;
	v34 =	vadd.f32 v3, v38;
	v2 =	vadd.f32 v10, v4  }
0xb3: {  	[tilespmem:$0x1FF30] =	vst v56;
	v48 =	vld [tilespmem:s28+$0xAC60];
	s28 =	simm.s32 $0x46F0;
	v4 =	vand.u32 $0x7FFFFFFF, v8;
	v8 =	vand.u32 $0x7FFFFFFF, v63;
	v5 =	vand.u32 $0x7FFFFFFF, v5  }
0xb4: {  	[tilespmem:$0x1FF40] =	vst v57;
	v52 =	vld [tilespmem:s28+$0xFFFFFF80];
	v53 =	vadd.f32 v5, v4;
	v4 =	vadd.f32 v62, v8;
	v5 =	vmul.f32 v7, v61  }
0xb5: {  	s30 =	simm.s32 $0x400;
	[tilespmem:$0x1FF50] =	vst v58;
	s29 =	simm.s32 $0x200;
	v46 =	vimm.f32 $0.0e+00;
	v47 =	vimm.f32 $0.0e+00;
	v3 =	vld [tilespmem:s28+$0x0];
	v6 =	vmul.f32 v6, v1  }
.LBB2_4:
0xb6: {  	p0 =	sne.s32 s30, $0x8400;
	v7 =	vld [tilespmem:s28+$0xFFFFFF90];
	v4 =	vmul.f32 v4, v50;
	v38 =	vadd.f32 v5, v38;
	v0 =	vmul.f32 v0, v51  }
0xb7: {  	v47 =	vadd.f32 v1, v47;
	v5 =	vld [tilespmem:s28+$0xFFFFFF20];
	v46 =	vadd.f32 v6, v46;
	v1 =	vmul.f32 v2, v49  }
0xb8: {  	v2 =	vld [tilespmem:s28+$0xFFFFFFA0];
	v42 =	vadd.f32 v4, v42;
	v45 =	vadd.f32 v0, v45;
	v0 =	vmul.f32 v53, v48  }
0xb9: {  	s31 =	sshra.s32 s29, $0x2;
	v43 =	vadd.f32 v51, v43;
	s29 =	smov.u32 s30;
	v4 =	vld [tilespmem:s28+$0xFFFFFF30];
	v44 =	vadd.f32 v1, v44  }
0xba: {  	v6 =	vsub.f32 v16, v52;
	v16 =	vmovc v52;
	v1 =	vld [tilespmem:s31+$0xAC70];
	v8 =	vsub.f32 v18, v3;
	v18 =	vmov v3  }
0xbb: {  	v41 =	vadd.f32 v0, v41;
	v3 =	vsub.f32 v20, v7;
	v9 =	vld [tilespmem:s28+$0xFFFFFFB0];
	v20 =	vmov v7  }
0xbc: {  	v6 =	vand.u32 $0x7FFFFFFF, v6;
	v0 =	vsub.f32 v31, v5;
	v7 =	vld [tilespmem:s28+$0xFFFFFF40];
	v8 =	vand.u32 $0x7FFFFFFF, v8;
	v31 =	vmovc v5  }
0xbd: {  	v3 =	vand.u32 $0x7FFFFFFF, v3;
	v5 =	vsub.f32 v30, v2;
	v10 =	vld [tilespmem:s28+$0xFFFFFFC0];
	v6 =	vadd.f32 v8, v6;
	v30 =	vmovc v2  }
0xbe: {  	v40 =	vadd.f32 v49, v40;
	v0 =	vand.u32 $0x7FFFFFFF, v0;
	v2 =	vsub.f32 v28, v4;
	v8 =	vld [tilespmem:s28+$0xFFFFFF50];
	v28 =	vmovc v4  }
0xbf: {  	v39 =	vadd.f32 v48, v39;
	v4 =	vand.u32 $0x7FFFFFFF, v5;
	v5 =	vld [tilespmem:s28+$0xFFFFFFD0];
	v6 =	vmul.f32 v6, v1  }
0xc0: {  	v4 =	vadd.f32 v4, v0;
	v0 =	vand.u32 $0x7FFFFFFF, v2;
	v2 =	vsub.f32 v25, v9;
	v11 =	vld [tilespmem:s28+$0xFFFFFF60];
	v25 =	vmovc v9  }
0xc1: {  	v9 =	vsub.f32 v26, v7;
	v12 =	vld [tilespmem:s28+$0xFFFFFFE0];
	v35 =	vadd.f32 v6, v35;
	v26 =	vmov v7  }
0xc2: {  	v36 =	vadd.f32 v1, v36;
	v2 =	vand.u32 $0x7FFFFFFF, v2;
	v6 =	vsub.f32 v27, v10;
	v7 =	vld [tilespmem:s28+$0xFFFFFF70];
	v27 =	vmovc v10  }
0xc3: {  	v10 =	vadd.f32 v2, v0;
	v0 =	vand.u32 $0x7FFFFFFF, v9;
	v1 =	vsub.f32 v17, v8;
	v2 =	vld [tilespmem:s28+$0xFFFFFFF0];
	v17 =	vmovc v8  }
0xc4: {  	v8 =	vld [tilespmem:s28+$0xFFFFFF10];
	v6 =	vand.u32 $0x7FFFFFFF, v6;
	v9 =	vsub.f32 v19, v5;
	v19 =	vmov v5  }
0xc5: {  	v50 =	vld [tilespmem:s31+$0xAC00];
	v6 =	vadd.f32 v6, v0;
	v0 =	vand.u32 $0x7FFFFFFF, v1;
	v1 =	vsub.f32 v21, v11;
	v21 =	vmovc v11  }
0xc6: {  	v5 =	vld [tilespmem:s31+$0xAC10];
	v9 =	vand.u32 $0x7FFFFFFF, v9;
	v11 =	vsub.f32 v22, v12;
	v22 =	vmov v12  }
0xc7: {  	v12 =	vld [tilespmem:s31+$0xAC20];
	v0 =	vadd.f32 v9, v0;
	v9 =	vand.u32 $0x7FFFFFFF, v1;
	v48 =	vsub.f32 v23, v7;
	v23 =	vmovc v7  }
0xc8: {  	v1 =	vld [tilespmem:s31+$0xAC30];
	v7 =	vand.u32 $0x7FFFFFFF, v11;
	v11 =	vsub.f32 v24, v2;
	v24 =	vmov v2  }
.Ltmp1:
0xc9: {  	v52 =	vsub.f32 v29, v8;
	v51 =	vld [tilespmem:s31+$0xAC40];
	v2 =	vadd.f32 v7, v9;
	v7 =	vand.u32 $0x7FFFFFFF, v48;
	v29 =	vmovc v8;
	(pc) =	sbr.rel @p0 .LBB2_4-.Ltmp1, $4  }
0xca: {  	v37 =	vadd.f32 v50, v37;
	v49 =	vld [tilespmem:s31+$0xAC50];
	v8 =	vand.u32 $0x7FFFFFFF, v11  }
0xcb: {  	s28 =	sadd.s32 $0x100, s28;
	v9 =	vand.u32 $0x7FFFFFFF, v52;
	v11 =	vmul.f32 v4, v5;
	v48 =	vld [tilespmem:s31+$0xAC60];
	v53 =	vadd.f32 v8, v7  }
0xcc: {  	v32 =	vadd.f32 v5, v32;
	v52 =	vld [tilespmem:s28+$0xFFFFFF80];
	v4 =	vadd.f32 v3, v9;
	v5 =	vmul.f32 v10, v12  }
0xcd: {  	s30 =	sadd.s32 $0x200, s30;
	v33 =	vadd.f32 v12, v33;
	v3 =	vld [tilespmem:s28+$0x0];
	v34 =	vadd.f32 v11, v34;
	v6 =	vmul.f32 v6, v1  }
0xce: {  	v7 =	vld [tilespmem:s28+$0xFFFFFF90]  }
0xcf: {  	v8 =	vld [tilespmem:s28+$0xFFFFFF20]  }
0xd0: {  	v9 =	vld [tilespmem:s28+$0xFFFFFFA0]  }
0xd1: {  	v10 =	vld [tilespmem:s28+$0xFFFFFF30]  }
0xd2: {  	v12 =	vld [tilespmem:s28+$0xFFFFFFB0]  }
0xd3: {  	v13 =	vld [tilespmem:s28+$0xFFFFFF70]  }
0xd4: {  	v54 =	vld [tilespmem:s28+$0xFFFFFF40]  }
0xd5: {  	v55 =	vld [tilespmem:s28+$0xFFFFFFC0]  }
0xd6: {  	v57 =	vld [tilespmem:s28+$0xFFFFFF50]  }
0xd7: {  	v58 =	vld [tilespmem:s28+$0xFFFFFFD0]  }
0xd8: {  	[tilespmem:$0x1FEA0] =	vst v13;
	v13 =	vld [tilespmem:s28+$0xFFFFFFF0]  }
0xd9: {  	v61 =	vld [tilespmem:s28+$0xFFFFFF60]  }
0xda: {  	s29 =	sshra.s32 s29, $0x2;
	v62 =	vld [tilespmem:s28+$0xFFFFFFE0]  }
0xdb: {  	v11 =	vld [tilespmem:s29+$0xAC70]  }
0xdc: {  	v63 =	vld [tilespmem:s29+$0xAC00]  }
0xdd: {  	[tilespmem:$0x1FEB0] =	vst v13;
	v13 =	vld [tilespmem:s28+$0xFFFFFF10]  }
0xde: {  	v14 =	vld [tilespmem:s29+$0xAC20]  }
0xdf: {  	v15 =	vld [tilespmem:s29+$0xAC30];
	v16 =	vsub.f32 v16, v52;
	v3 =	vsub.f32 v18, v3  }
0xe0: {  	v56 =	vld [tilespmem:s29+$0xAC40]  }
0xe1: {  	v59 =	vld [tilespmem:s29+$0xAC50];
	v16 =	vand.u32 $0x7FFFFFFF, v16;
	v3 =	vand.u32 $0x7FFFFFFF, v3  }
0xe2: {  	v60 =	vld [tilespmem:s29+$0xAC60];
	v3 =	vadd.f32 v3, v16;
	[tilespmem:$0x1FEC0] =	vst v13  }
0xe3: {  	v7 =	vsub.f32 v20, v7;
	v20 =	vadd.f32 v11, v36;
	v13 =	vld [tilespmem:s29+$0xAC10];
	_ =	swait.ge [sflag:s22], $0x4400  }
0xe4: {  	v3 =	vmul.f32 v3, v11;
	v11 =	vsub.f32 v17, v57;
	v17 =	vsub.f32 v19, v58;
	[sflag:s22] =	ssyncset.done $0x0  }
0xe5: {  	[sflag:s22] =	ssyncadd.s32 $0xFFFFBC00  }
0xe6: {  	v11 =	vand.u32 $0x7FFFFFFF, v11;
	v17 =	vand.u32 $0x7FFFFFFF, v17;
	_ =	swait.ge [sflag:s22], $0x2180  }
0xe7: {  	v11 =	vadd.f32 v17, v11;
	[sflag:s22] =	ssyncset.done $0x0;
	v17 =	vld [tilespmem:$0x1FEA0]  }
0xe8: {  	v0 =	vmul.f32 v0, v51;
	v19 =	vld [tilespmem:$0x1FEB0];
	[sflag:s22] =	ssyncadd.s32 $0xFFFFDE80  }
0xe9: {  	v52 =	vld [tilespmem:$0x0]  }
0xea: {  	v6 =	vadd.f32 v6, v46;
	v0 =	vadd.f32 v0, v45;
	v18 =	vmul.f32 v53, v48;
	v45 =	vld [tilespmem:$0x10]  }
0xeb: {  	v8 =	vsub.f32 v31, v8;
	v9 =	vsub.f32 v30, v9;
	v46 =	vld [tilespmem:$0x20]  }
0xec: {  	v4 =	vmul.f32 v4, v50;
	v10 =	vsub.f32 v28, v10;
	v30 =	vadd.f32 v18, v41;
	v41 =	vld [tilespmem:$0x30]  }
0xed: {  	v2 =	vmul.f32 v2, v49;
	v31 =	vadd.f32 v49, v40;
	v12 =	vsub.f32 v25, v12;
	v49 =	vld [tilespmem:$0x40]  }
0xee: {  	v8 =	vand.u32 $0x7FFFFFFF, v8;
	v9 =	vand.u32 $0x7FFFFFFF, v9;
	v3 =	vadd.f32 v3, v35;
	v53 =	vld [tilespmem:$0x50]  }
0xef: {  	v8 =	vadd.f32 v9, v8;
	v9 =	vand.u32 $0x7FFFFFFF, v10;
	v10 =	vsub.f32 v26, v54;
	v16 =	vld [tilespmem:$0x60]  }
0xf0: {  	v4 =	vadd.f32 v4, v42;
	[tilespmem:$0x1FE90] =	vst v3;
	v3 =	vand.u32 $0x7FFFFFFF, v12;
	v42 =	vld [tilespmem:$0x70]  }
0xf1: {  	v5 =	vadd.f32 v5, v38;
	v3 =	vadd.f32 v3, v9;
	v9 =	vand.u32 $0x7FFFFFFF, v10;
	v10 =	vld [tilespmem:$0x80]  }
0xf2: {  	v1 =	vadd.f32 v1, v47;
	v38 =	vadd.f32 v51, v43;
	v36 =	vld [tilespmem:$0x90]  }
0xf3: {  	v40 =	vadd.f32 v48, v39;
	v12 =	vsub.f32 v27, v55;
	v48 =	vld [tilespmem:$0xA0]  }
0xf4: {  	v2 =	vadd.f32 v2, v44;
	v18 =	vsub.f32 v22, v62;
	v51 =	vld [tilespmem:$0xB0]  }
0xf5: {  	v25 =	vadd.f32 v63, v37;
	v28 =	vadd.f32 v15, v1;
	v12 =	vand.u32 $0x7FFFFFFF, v12;
	v55 =	vld [tilespmem:$0xC0]  }
0xf6: {  	v9 =	vadd.f32 v12, v9;
	v12 =	vsub.f32 v21, v61;
	v21 =	vld [tilespmem:$0x1FEC0]  }
0xf7: {  	v31 =	vadd.f32 v59, v31;
	v18 =	vand.u32 $0x7FFFFFFF, v18;
	s29 =	simm.s32 $0x1F0;
	v8 =	vmul.f32 v8, v13;
	v62 =	vld [tilespmem:$0xF0]  }
0xf8: {  	v26 =	vadd.f32 v13, v32;
	v27 =	vadd.f32 v14, v33;
	v35 =	vld [tilespmem:s29+$0xFFFFFF80];
	v3 =	vmul.f32 v3, v14  }
0xf9: {  	v32 =	vld [tilespmem:s29+$0x0];
	v12 =	vand.u32 $0x7FFFFFFF, v12;
	v17 =	vsub.f32 v23, v17;
	v19 =	vsub.f32 v24, v19  }
0xfa: {  	v33 =	vld [tilespmem:s29+$0xFFFFFFB0];
	v23 =	vadd.f32 v8, v34;
	v12 =	vadd.f32 v18, v12  }
0xfb: {  	v39 =	vld [tilespmem:s29+$0xFFFFFF90];
	v8 =	vmul.f32 v9, v15;
	v22 =	vadd.f32 v3, v5;
	v21 =	vsub.f32 v29, v21  }
0xfc: {  	v43 =	vld [tilespmem:s29+$0xFFFFFF20];
	v17 =	vand.u32 $0x7FFFFFFF, v17;
	v18 =	vand.u32 $0x7FFFFFFF, v19;
	v1 =	vmul.f32 v12, v59  }
0xfd: {  	v57 =	vld [tilespmem:$0xD0];
	v17 =	vadd.f32 v18, v17;
	v19 =	vand.u32 $0x7FFFFFFF, v21;
	v21 =	vadd.f32 v8, v6  }
0xfe: {  	v44 =	vld [tilespmem:s29+$0xFFFFFF30];
	v3 =	vmul.f32 v11, v56;
	v18 =	vadd.f32 v1, v2;
	v1 =	vsub.f32 v42, v35  }
0xff: {  	v7 =	vand.u32 $0x7FFFFFFF, v7;
	s28 =	simm.s32 $0x0;
	v2 =	vsub.f32 v62, v32;
	v6 =	vsub.f32 v48, v33;
	v48 =	vld [tilespmem:s29+$0xFFFFFF10]  }
0x100: {  	v7 =	vadd.f32 v7, v19;
	v19 =	vadd.f32 v3, v0;
	v0 =	vld [tilespmem:s28+$0x8870]  }
0x101: {  	v54 =	vimm.f32 $0.0e+00;
	v47 =	vld [tilespmem:s29+$0xFFFFFFA0];
	v5 =	vsub.f32 v10, v39;
	v3 =	vsub.f32 v45, v43  }
0x102: {  	v61 =	vld [tilespmem:$0xE0];
	v1 =	vand.u32 $0x7FFFFFFF, v1;
	v2 =	vand.u32 $0x7FFFFFFF, v2;
	v7 =	vmul.f32 v7, v63  }
0x103: {  	v29 =	vadd.f32 v56, v38;
	v38 =	vld [tilespmem:s29+$0xFFFFFFD0];
	v11 =	vand.u32 $0x7FFFFFFF, v5;
	v1 =	vadd.f32 v2, v1  }
0x104: {  	v42 =	vld [tilespmem:s29+$0xFFFFFF40];
	v2 =	vand.u32 $0x7FFFFFFF, v3;
	v24 =	vadd.f32 v7, v4;
	v4 =	vmul.f32 v17, v60  }
0x105: {  	v45 =	vld [tilespmem:s29+$0xFFFFFFC0];
	v3 =	vsub.f32 v46, v44;
	v5 =	vsub.f32 v52, v48;
	v1 =	vmul.f32 v1, v0  }
0x106: {  	v58 =	vimm.f32 $0.0e+00;
	v34 =	vld [tilespmem:s29+$0xFFFFFF50];
	v17 =	vadd.f32 v4, v30;
	v4 =	vsub.f32 v36, v47  }
0x107: {  	v59 =	vimm.f32 $0.0e+00;
	v30 =	vadd.f32 v60, v40;
	v36 =	vld [tilespmem:s29+$0xFFFFFF60];
	v50 =	vadd.f32 v1, v54  }
0x108: {  	v40 =	vld [tilespmem:s29+$0xFFFFFFE0];
	v1 =	vand.u32 $0x7FFFFFFF, v6;
	v6 =	vsub.f32 v55, v38;
	v4 =	vand.u32 $0x7FFFFFFF, v4  }
0x109: {  	v46 =	vld [tilespmem:s29+$0xFFFFFFF0];
	v7 =	vadd.f32 v4, v2;
	v2 =	vand.u32 $0x7FFFFFFF, v3;
	v3 =	vsub.f32 v41, v42  }
0x10a: {  	v56 =	vimm.f32 $0.0e+00;
	v4 =	vsub.f32 v51, v45;
	v41 =	vld [tilespmem:s29+$0xFFFFFF70];
	v51 =	vadd.f32 v0, v54  }
0x10b: {  	v9 =	vld [tilespmem:s28+$0x8810];
	v62 =	vimm.f32 $0.0e+00;
	v0 =	vadd.f32 v1, v2;
	v1 =	vsub.f32 v49, v34  }
0x10c: {  	v6 =	vand.u32 $0x7FFFFFFF, v6;
	v3 =	vand.u32 $0x7FFFFFFF, v3;
	v8 =	vsub.f32 v53, v36  }
0x10d: {  	v4 =	vand.u32 $0x7FFFFFFF, v4;
	v10 =	vsub.f32 v57, v40;
	v1 =	vand.u32 $0x7FFFFFFF, v1  }
0x10e: {  	v13 =	vld [tilespmem:s28+$0x8820];
	v12 =	vadd.f32 v4, v3;
	v3 =	vadd.f32 v6, v1;
	v1 =	vand.u32 $0x7FFFFFFF, v8  }
0x10f: {  	v2 =	vld [tilespmem:s28+$0x8800];
	v6 =	vand.u32 $0x7FFFFFFF, v10;
	v10 =	vsub.f32 v61, v46;
	v8 =	vsub.f32 v16, v41  }
0x110: {  	v63 =	vimm.f32 $0.0e+00;
	v52 =	vadd.f32 v9, v54;
	v4 =	vld [tilespmem:s28+$0x8830];
	v6 =	vadd.f32 v6, v1  }
0x111: {  	v1 =	vand.u32 $0x7FFFFFFF, v8;
	v8 =	vand.u32 $0x7FFFFFFF, v10;
	v10 =	vand.u32 $0x7FFFFFFF, v5;
	v5 =	vld [tilespmem:s28+$0x8840]  }
0x112: {  	v60 =	vimm.f32 $0.0e+00;
	v14 =	vmul.f32 v7, v9;
	v7 =	vadd.f32 v8, v1;
	v1 =	vld [tilespmem:s28+$0x8850]  }
0x113: {  	v55 =	vimm.f32 $0.0e+00;
	v10 =	vadd.f32 v11, v10;
	v11 =	vmul.f32 v0, v13;
	v0 =	vld [tilespmem:s28+$0x8860];
	s28 =	simm.s32 $0x2F0  }
0x114: {  	v49 =	vadd.f32 v13, v54;
	v57 =	vimm.f32 $0.0e+00;
	v53 =	vadd.f32 v14, v54;
	v8 =	vld [tilespmem:s28+$0xFFFFFF80]  }
0x115: {  	s30 =	simm.s32 $0x400;
	s29 =	simm.s32 $0x200;
	v61 =	vimm.f32 $0.0e+00;
	v37 =	vadd.f32 v2, v54;
	v12 =	vmul.f32 v12, v4;
	v9 =	vld [tilespmem:s28+$0x0]  }
.LBB2_6:
0x116: {  	p0 =	sne.s32 s30, $0x8400;
	v13 =	vld [tilespmem:s28+$0xFFFFFF90];
	v2 =	vmul.f32 v10, v2;
	v54 =	vadd.f32 v11, v54;
	v3 =	vmul.f32 v3, v5  }
0x117: {  	v61 =	vadd.f32 v4, v61;
	v10 =	vld [tilespmem:s28+$0xFFFFFF20];
	v63 =	vadd.f32 v12, v63;
	v4 =	vmul.f32 v6, v1  }
0x118: {  	v6 =	vld [tilespmem:s28+$0xFFFFFFA0];
	v62 =	vadd.f32 v2, v62;
	v59 =	vadd.f32 v3, v59;
	v2 =	vmul.f32 v7, v0  }
0x119: {  	s31 =	sshra.s32 s29, $0x2;
	v60 =	vadd.f32 v5, v60;
	s29 =	smov.u32 s30;
	v3 =	vld [tilespmem:s28+$0xFFFFFF30];
	v58 =	vadd.f32 v4, v58  }
0x11a: {  	v5 =	vsub.f32 v35, v8;
	v35 =	vmovc v8;
	v4 =	vld [tilespmem:s31+$0x8870];
	v7 =	vsub.f32 v32, v9;
	v32 =	vmov v9  }
0x11b: {  	v57 =	vadd.f32 v2, v57;
	v8 =	vsub.f32 v39, v13;
	v9 =	vld [tilespmem:s28+$0xFFFFFFB0];
	v39 =	vmov v13  }
0x11c: {  	v5 =	vand.u32 $0x7FFFFFFF, v5;
	v2 =	vsub.f32 v43, v10;
	v11 =	vld [tilespmem:s28+$0xFFFFFF40];
	v7 =	vand.u32 $0x7FFFFFFF, v7;
	v43 =	vmovc v10  }
0x11d: {  	v10 =	vand.u32 $0x7FFFFFFF, v8;
	v8 =	vsub.f32 v47, v6;
	v12 =	vld [tilespmem:s28+$0xFFFFFFC0];
	v5 =	vadd.f32 v7, v5;
	v47 =	vmovc v6  }
0x11e: {  	v56 =	vadd.f32 v1, v56;
	v2 =	vand.u32 $0x7FFFFFFF, v2;
	v6 =	vsub.f32 v44, v3;
	v7 =	vld [tilespmem:s28+$0xFFFFFF50];
	v44 =	vmovc v3  }
0x11f: {  	v55 =	vadd.f32 v0, v55;
	v1 =	vand.u32 $0x7FFFFFFF, v8;
	v3 =	vld [tilespmem:s28+$0xFFFFFFD0];
	v5 =	vmul.f32 v5, v4  }
0x120: {  	v0 =	vadd.f32 v1, v2;
	v1 =	vand.u32 $0x7FFFFFFF, v6;
	v2 =	vsub.f32 v33, v9;
	v6 =	vld [tilespmem:s28+$0xFFFFFF60];
	v33 =	vmovc v9  }
0x121: {  	v8 =	vsub.f32 v42, v11;
	v9 =	vld [tilespmem:s28+$0xFFFFFFE0];
	v50 =	vadd.f32 v5, v50;
	v42 =	vmov v11  }
0x122: {  	v51 =	vadd.f32 v4, v51;
	v2 =	vand.u32 $0x7FFFFFFF, v2;
	v5 =	vsub.f32 v45, v12;
	v11 =	vld [tilespmem:s28+$0xFFFFFF70];
	v45 =	vmovc v12  }
0x123: {  	v12 =	vadd.f32 v2, v1;
	v1 =	vand.u32 $0x7FFFFFFF, v8;
	v4 =	vsub.f32 v34, v7;
	v8 =	vld [tilespmem:s28+$0xFFFFFFF0];
	v34 =	vmovc v7  }
0x124: {  	v7 =	vld [tilespmem:s28+$0xFFFFFF10];
	v5 =	vand.u32 $0x7FFFFFFF, v5;
	v13 =	vsub.f32 v38, v3;
	v38 =	vmov v3  }
0x125: {  	v2 =	vld [tilespmem:s31+$0x8800];
	v14 =	vadd.f32 v5, v1;
	v1 =	vand.u32 $0x7FFFFFFF, v4;
	v4 =	vsub.f32 v36, v6;
	v36 =	vmovc v6  }
0x126: {  	v15 =	vld [tilespmem:s31+$0x8810];
	v3 =	vand.u32 $0x7FFFFFFF, v13;
	v5 =	vsub.f32 v40, v9;
	v40 =	vmov v9  }
0x127: {  	v13 =	vld [tilespmem:s31+$0x8820];
	v3 =	vadd.f32 v3, v1;
	v1 =	vand.u32 $0x7FFFFFFF, v4;
	v9 =	vsub.f32 v41, v11;
	v41 =	vmovc v11  }
0x128: {  	v4 =	vld [tilespmem:s31+$0x8830];
	v6 =	vand.u32 $0x7FFFFFFF, v5;
	v11 =	vsub.f32 v46, v8;
	v46 =	vmov v8  }
.Ltmp2:
0x129: {  	v8 =	vsub.f32 v48, v7;
	v5 =	vld [tilespmem:s31+$0x8840];
	v6 =	vadd.f32 v6, v1;
	v9 =	vand.u32 $0x7FFFFFFF, v9;
	v48 =	vmovc v7;
	(pc) =	sbr.rel @p0 .LBB2_6-.Ltmp2, $4  }
0x12a: {  	v37 =	vadd.f32 v2, v37;
	v1 =	vld [tilespmem:s31+$0x8850];
	v7 =	vand.u32 $0x7FFFFFFF, v11  }
0x12b: {  	s28 =	sadd.s32 $0x100, s28;
	v11 =	vand.u32 $0x7FFFFFFF, v8;
	v16 =	vmul.f32 v0, v15;
	v0 =	vld [tilespmem:s31+$0x8860];
	v7 =	vadd.f32 v7, v9  }
0x12c: {  	v52 =	vadd.f32 v15, v52;
	v8 =	vld [tilespmem:s28+$0xFFFFFF80];
	v10 =	vadd.f32 v10, v11;
	v11 =	vmul.f32 v12, v13  }
0x12d: {  	s30 =	sadd.s32 $0x200, s30;
	v49 =	vadd.f32 v13, v49;
	v9 =	vld [tilespmem:s28+$0x0];
	v53 =	vadd.f32 v16, v53;
	v12 =	vmul.f32 v14, v4  }
0x12e: {  	v2 =	vmul.f32 v10, v2;
	v10 =	vld [tilespmem:s28+$0xFFFFFF90]  }
0x12f: {  	v13 =	vld [tilespmem:s28+$0xFFFFFF20]  }
0x130: {  	v14 =	vld [tilespmem:s28+$0xFFFFFFA0]  }
0x131: {  	v15 =	vld [tilespmem:s28+$0xFFFFFF30]  }
0x132: {  	v11 =	vadd.f32 v11, v54;
	v3 =	vmul.f32 v3, v5;
	v5 =	vadd.f32 v5, v60;
	v60 =	vld [tilespmem:s28+$0xFFFFFFB0]  }
0x133: {  	v4 =	vadd.f32 v4, v61;
	v61 =	vld [tilespmem:s28+$0xFFFFFF40];
	v12 =	vadd.f32 v12, v63;
	v6 =	vmul.f32 v6, v1  }
0x134: {  	s29 =	sshra.s32 s29, $0x2;
	v54 =	vld [tilespmem:s28+$0xFFFFFFD0];
	v1 =	vadd.f32 v1, v56;
	v2 =	vadd.f32 v2, v62  }
0x135: {  	v16 =	vld [tilespmem:s29+$0x8870];
	v3 =	vadd.f32 v3, v59;
	v6 =	vadd.f32 v6, v58  }
0x136: {  	v56 =	vld [tilespmem:s28+$0xFFFFFF60];
	v7 =	vmul.f32 v7, v0;
	v8 =	vsub.f32 v35, v8;
	v9 =	vsub.f32 v32, v9  }
0x137: {  	v62 =	vld [tilespmem:s28+$0xFFFFFFC0];
	v35 =	vadd.f32 v0, v55;
	v63 =	vsub.f32 v44, v15  }
0x138: {  	v59 =	vld [tilespmem:s28+$0xFFFFFF70];
	v7 =	vadd.f32 v7, v57;
	v8 =	vand.u32 $0x7FFFFFFF, v8;
	v9 =	vand.u32 $0x7FFFFFFF, v9  }
0x139: {  	v10 =	vsub.f32 v39, v10;
	v8 =	vadd.f32 v9, v8;
	v9 =	vand.u32 $0x7FFFFFFF, v63;
	v63 =	vld [tilespmem:s28+$0xFFFFFF10]  }
0x13a: {  	v58 =	vld [tilespmem:s28+$0xFFFFFFE0];
	v13 =	vsub.f32 v43, v13;
	v14 =	vsub.f32 v47, v14  }
0x13b: {  	v25 =	vmax.f32 v25, $1.000000000e+00;
	v47 =	vld [tilespmem:s28+$0xFFFFFF50];
	v55 =	vsub.f32 v33, v60;
	v39 =	vsub.f32 v42, v61  }
0x13c: {  	v20 =	vmax.f32 v20, $1.000000000e+00;
	v44 =	vld [tilespmem:s29+$0x8810];
	v33 =	vadd.f32 v16, v51;
	v42 =	vsub.f32 v36, v56  }
0x13d: {  	v61 =	vld [tilespmem:s28+$0xFFFFFFF0];
	v13 =	vand.u32 $0x7FFFFFFF, v13;
	v14 =	vand.u32 $0x7FFFFFFF, v14;
	v57 =	vsub.f32 v45, v62  }
0x13e: {  	v51 =	vld [tilespmem:s29+$0x8800];
	v62 =	vand.u32 $0x7FFFFFFF, v39;
	v45 =	vsub.f32 v41, v59;
	v48 =	vsub.f32 v48, v63  }
0x13f: {  	v56 =	vld [tilespmem:$0x1FF50];
	v10 =	vand.u32 $0x7FFFFFFF, v10;
	v0 =	vadd.f32 v14, v13;
	v14 =	vand.u32 $0x7FFFFFFF, v55  }
0x140: {  	v59 =	vld [tilespmem:s29+$0x8840];
	v13 =	vsub.f32 v38, v54;
	v43 =	vsub.f32 v40, v58;
	v36 =	vand.u32 $0x7FFFFFFF, v48  }
0x141: {  	v40 =	vmax.f32 v27, $1.000000000e+00;
	v10 =	vadd.f32 v10, v36;
	v36 =	vadd.f32 v44, v52;
	v52 =	vld [tilespmem:$0x1FF20]  }
0x142: {  	v55 =	vld [tilespmem:$0x1FF30];
	v8 =	vmul.f32 v8, v16;
	v9 =	vadd.f32 v14, v9;
	v60 =	vsub.f32 v34, v47  }
0x143: {  	v58 =	vld [tilespmem:$0x1FFB0];
	v13 =	vand.u32 $0x7FFFFFFF, v13;
	v15 =	vsub.f32 v46, v61;
	v46 =	vand.u32 $0x7FFFFFFF, v42  }
0x144: {  	v47 =	vand.u32 $0x7FFFFFFF, v43;
	v32 =	vadd.f32 v8, v50;
	v8 =	vand.u32 $0x7FFFFFFF, v57;
	v57 =	vld [tilespmem:$0x1FF80]  }
0x145: {  	v0 =	vmul.f32 v0, v44;
	v43 =	vmax.f32 v28, $1.000000000e+00;
	v16 =	vadd.f32 v47, v46;
	v50 =	vld [tilespmem:s29+$0x8820]  }
0x146: {  	v37 =	vadd.f32 v51, v37;
	v14 =	vand.u32 $0x7FFFFFFF, v60;
	v60 =	vld [tilespmem:$0x1FFE0];
	v38 =	vmax.f32 v52, $1.000000000e+00  }
0x147: {  	v61 =	vld [tilespmem:$0x1FFF0];
	v47 =	vmax.f32 v31, $1.000000000e+00;
	v39 =	vmax.f32 v55, $1.000000000e+00;
	(erf) = vrcp.f32 v38  }
0x148: {  	v8 =	vadd.f32 v8, v62;
	v62 =	vld [tilespmem:$0x1FEE0];
	(erf) = vrcp.f32 v39;
	v39 =	vmax.f32 v56, $1.000000000e+00  }
0x149: {  	v15 =	vand.u32 $0x7FFFFFFF, v15;
	(erf) = vrcp.f32 v39;
	v39 =	vmax.f32 v57, $1.000000000e+00  }
0x14a: {  	v54 =	vld [tilespmem:s29+$0x8830];
	v0 =	vadd.f32 v0, v53;
	(erf) = vrcp.f32 v39;
	v39 =	vmax.f32 v58, $1.000000000e+00  }
0x14b: {  	v9 =	vmul.f32 v9, v50;
	(erf) = vrcp.f32 v39;
	v39 =	vmax.f32 v60, $1.000000000e+00  }
0x14c: {  	v5 =	vadd.f32 v59, v5;
	(erf) = vrcp.f32 v39;
	v39 =	vmax.f32 v61, $1.000000000e+00  }
0x14d: {  	v9 =	vadd.f32 v9, v11;
	v11 =	vmax.f32 v62, $1.000000000e+00;
	(erf) = vrcp.f32 v39  }
0x14e: {  	v13 =	vadd.f32 v13, v14;
	v14 =	vand.u32 $0x7FFFFFFF, v45;
	(erf) = vrcp.f32 v11  }
0x14f: {  	v41 =	vld [tilespmem:s29+$0x8860];
	v4 =	vadd.f32 v54, v4;
	v38 =	vmax.f32 v26, $1.000000000e+00;
	(erf) = vrcp.f32 v25  }
0x150: {  	v45 =	vmax.f32 v29, $1.000000000e+00;
	v14 =	vadd.f32 v15, v14;
	(erf) = vrcp.f32 v38;
	v39 =	vpop (erf)  }
0x151: {  	v63 =	vld [tilespmem:s29+$0x8850];
	v8 =	vmul.f32 v8, v54;
	v5 =	vmax.f32 v5, $1.000000000e+00;
	(erf) = vrcp.f32 v40;
	v42 =	vpop (erf)  }
0x152: {  	v13 =	vmul.f32 v13, v59;
	v4 =	vmax.f32 v4, $1.000000000e+00;
	(erf) = vrcp.f32 v43;
	v44 =	vpop (erf)  }
0x153: {  	v34 =	vadd.f32 v50, v49;
	v8 =	vadd.f32 v8, v12;
	(erf) = vrcp.f32 v45;
	v46 =	vpop (erf)  }
0x154: {  	v53 =	vld [tilespmem:$0x1FF90];
	v49 =	vmax.f32 v30, $1.000000000e+00;
	v14 =	vmul.f32 v14, v41;
	(erf) = vrcp.f32 v47;
	v48 =	vpop (erf)  }
0x155: {  	v10 =	vmul.f32 v10, v51;
	v3 =	vadd.f32 v13, v3;
	v56 =	vld [tilespmem:$0x1FF40];
	(erf) = vrcp.f32 v49;
	v50 =	vpop (erf)  }
0x156: {  	v16 =	vmul.f32 v16, v63;
	v52 =	vmax.f32 v37, $1.000000000e+00;
	v58 =	vld [tilespmem:$0x1FF60];
	(erf) = vrcp.f32 v20;
	v51 =	vpop (erf)  }
0x157: {  	v59 =	vld [tilespmem:$0x1FF70];
	v55 =	vmax.f32 v36, $1.000000000e+00;
	v1 =	vadd.f32 v63, v1;
	(erf) = vrcp.f32 v52;
	v54 =	vpop (erf)  }
0x158: {  	v7 =	vadd.f32 v14, v7;
	v62 =	vld [tilespmem:$0x1FFA0];
	v2 =	vadd.f32 v10, v2;
	(erf) = vrcp.f32 v55;
	v57 =	vpop (erf)  }
0x159: {  	v6 =	vadd.f32 v16, v6;
	v10 =	vadd.f32 v41, v35;
	v61 =	vmax.f32 v34, $1.000000000e+00;
	v34 =	vld [tilespmem:$0x1FFC0];
	v60 =	vpop (erf)  }
0x15a: {  	v36 =	vld [tilespmem:$0x1FFD0];
	v1 =	vmax.f32 v1, $1.000000000e+00;
	v12 =	vmul.f32 v39, v53;
	(erf) = vrcp.f32 v61;
	v63 =	vpop (erf)  }
0x15b: {  	v10 =	vmax.f32 v10, $1.000000000e+00;
	v14 =	vmul.f32 v42, v56;
	v13 =	vmul.f32 v44, v58;
	v37 =	vpop (erf)  }
0x15c: {  	v12 =	vadd.f32 $0.0e+00, v12;
	v26 =	vmul.f32 v46, v59;
	(erf) = vrcp.f32 v4;
	v38 =	vpop (erf)  }
0x15d: {  	v14 =	vadd.f32 $0.0e+00, v14;
	v47 =	vmax.f32 v33, $1.000000000e+00;
	v11 =	vmul.f32 v48, v62;
	v39 =	vpop (erf)  }
0x15e: {  	v13 =	vadd.f32 $0.0e+00, v13;
	v16 =	vmul.f32 v50, v34;
	(erf) = vrcp.f32 v5;
	v41 =	vpop (erf)  }
0x15f: {  	v45 =	vadd.f32 $0.0e+00, v26;
	v20 =	vmul.f32 v51, v36;
	v24 =	vmul.f32 v57, v24;
	v42 =	vpop (erf)  }
0x160: {  	v40 =	vld [tilespmem:$0x1FED0];
	v11 =	vadd.f32 $0.0e+00, v11;
	v23 =	vmul.f32 v60, v23;
	(erf) = vrcp.f32 v1;
	v43 =	vpop (erf)  }
0x161: {  	v12 =	vadd.f32 v24, v12;
	v15 =	vmul.f32 v63, v22;
	(erf) = vrcp.f32 v10;
	v44 =	vpop (erf)  }
0x162: {  	v14 =	vadd.f32 v23, v14;
	v1 =	vmul.f32 v43, v2;
	v0 =	vmul.f32 v44, v0  }
0x163: {  	v21 =	vmul.f32 v37, v21;
	v13 =	vadd.f32 v15, v13;
	(erf) = vrcp.f32 v47;
	v46 =	vpop (erf)  }
0x164: {  	v1 =	vadd.f32 v1, v12;
	v9 =	vmul.f32 v46, v9;
	v0 =	vadd.f32 v0, v14  }
0x165: {  	v27 =	vmul.f32 v54, v40;
	v4 =	vmul.f32 v38, v19;
	v2 =	vadd.f32 v21, v45;
	v48 =	vpop (erf)  }
0x166: {  	v57 =	vld [tilespmem:$0x1FE90];
	v8 =	vmul.f32 v48, v8;
	v9 =	vadd.f32 v9, v13;
	v0 =	vadd.f32 v0, v1  }
0x167: {  	v52 =	vadd.f32 $0.0e+00, v16;
	v50 =	vmul.f32 v39, v18;
	v49 =	vadd.f32 v4, v11;
	v51 =	vpop (erf)  }
0x168: {  	v3 =	vmul.f32 v51, v3;
	v2 =	vadd.f32 v8, v2;
	v0 =	vadd.f32 v9, v0  }
0x169: {  	v54 =	vadd.f32 $0.0e+00, v20;
	v5 =	vmul.f32 v41, v17;
	v4 =	vadd.f32 v50, v52;
	v53 =	vpop (erf)  }
0x16a: {  	v55 =	vmul.f32 v53, v6;
	v1 =	vadd.f32 v3, v49;
	v0 =	vadd.f32 v2, v0  }
0x16b: {  	v59 =	vadd.f32 $0.0e+00, v27;
	v56 =	vadd.f32 v5, v54;
	v5 =	vmul.f32 v42, v57;
	v58 =	vpop (erf)  }
0x16c: {  	v60 =	vmul.f32 v58, v7;
	v3 =	vadd.f32 v55, v4;
	v0 =	vadd.f32 v1, v0  }
0x16d: {  	v61 =	vadd.f32 v5, v59;
	v62 =	vpop (erf)  }
0x16e: {  	v63 =	vmul.f32 v62, v32;
	v2 =	vadd.f32 v60, v56;
	v0 =	vadd.f32 v3, v0;
	_ =	sdelay $0x1  }
0x16f: {  	v1 =	vadd.f32 v63, v61;
	v0 =	vadd.f32 v2, v0;
	_ =	sdelay $0x1  }
0x170: {  	s26 =	sadd.s32 $0x1, s26;
	v0 =	vadd.f32 v1, v0  }
0x171: {  	p0 =	sne.s32 s26, s12  }
.Ltmp3:
0x172: {  	[tilespmem:$0xD000] =	vst v0;
	(pc) =	sbr.rel @p0 .LBB2_1-.Ltmp3, $4  }
0x173: {  	[hbm4b:s11+s2] =	stream.linear.scatter [tilespmem:s24], [sflag:$0x3], $0x80, $0x38;
	[tilespmem:$0xD080] =	vst v63  }
0x174: {  	_ =	swait.ge [sflag:s25], $0x80  }
0x175: {  	[sflag:s25] =	ssyncset.done $0x0  }
0x176: {  	[sflag:s25] =	ssyncadd.s32 $0xFFFFFF80  }
0x177: {  	_ =	sfence.sel $0x180000  }
0x178: {  	[bflag:$0x0] =	sbarrier.arrive $0xFFFF  }
0x179: {  	p0 =	sne.s32 s0, $0x0;
	_ =	strace $0x90000047  }
0x17a: {  	s0 =	sadd.s32 @!p0 $0x100000, s1;
	[bflag:$0x2] =	sbarrier.arrive $0xFFFF  }
0x17b: {  	[sflag:s0] =	ssyncadd.tile.s32 @!p0 $0x1;
	_ =	shalt  }
.Lfunc_end2:
_tile_overlayer_lowered:
.L_overlay_start_2:
0x17c: {  	(tag) =	ssettag $0x2  }
0x17d: {  	s0 =	rddreg [dreg:$0x0];
	s2 =	stileid.u32  }
0x17e: {  	s1 =	rddreg [dreg:$0x1];
	p0 =	sne.s32 s2, $0x0  }
0x17f: {  	s3 =	rddreg [dreg:$0x2];
	[bflag:$0x3] =	sbarrier.arrive $0xFFFF;
	s2 =	simm.s32 @!p0 $0x1C03  }
0x180: {  	[timem:s3], [sflag:s2] =	dma.local @!p0 [hbm:s0], s1  }
0x181: {  	s0 =	simm.s32 @!p0 $0x3  }
0x182: {  	_ =	swait.ge @!p0 [sflag:s0], s1  }
0x183: {  	s1 =	ssub.s32 @!p0 $0x0, s1;
	[sflag:s0] =	ssyncset.done @!p0 $0x0  }
0x184: {  	[sflag:s0] =	ssyncadd.s32 @!p0 s1  }
0x185: {  	[bflag:$0x3] =	sbarrier.arrive $0xFFFF  }
0x186: {  	_ =	shalt  }

</sc_bundles>
